<compile_context>
chip_gen: v7x
topology: tpu7x:2x2x1
jax: 0.10.2.dev20260603
libtpu: 0.0.44.dev20260713+nightly
codegen_flags: <defaults>
</compile_context>

<pallas_src>
import functools

import jax
import jax.numpy as jnp
import numpy as np
from jax import lax
from jax.experimental import pallas as pl
from jax.experimental.pallas import tpu as pltpu
from jax.experimental.pallas import tpu_sc as plsc

_ACCEL_FACTOR = 4
_NUM_CENTRAL_LINES = 30
_ZERO_FILL_WIDTH = 368


def _ky_positions():
    center = _ZERO_FILL_WIDTH // 2
    half_width = _NUM_CENTRAL_LINES // 2
    central = np.arange(center - half_width,
                        center + half_width + _NUM_CENTRAL_LINES % 2)
    accel = np.arange(_ZERO_FILL_WIDTH)[::_ACCEL_FACTOR]
    accel = accel[~np.isin(accel, central)]
    return np.sort(np.concatenate([central, accel]))


_KY = _ky_positions()
_NUM_KY = _KY.shape[0]

_SLABS = 32 * 15
_SLAB_ROWS = 320
_NW = 32
_SPW = _SLABS // _NW
_C = 80
_CPS = _SLAB_ROWS // _C
_NCHUNK = _SPW * _CPS
_NBUF = 2

_COL_STARTS = [0, 16, 32, 48, 64, 80, 96, _NUM_KY - 16]


@jax.jit
def _sc_zero_fill(x3d):
    mesh = plsc.VectorSubcoreMesh(core_axis_name="c", subcore_axis_name="s")

    @functools.partial(
        pl.kernel,
        mesh=mesh,
        out_type=jax.ShapeDtypeStruct((_SLABS, _SLAB_ROWS, _ZERO_FILL_WIDTH),
                                      jnp.float32),
        compiler_params=pltpu.CompilerParams(
            needs_layout_passes=False,
            disable_bounds_checks=True,
            disable_semaphore_checks=True,
        ),
        scratch_types=(
            [pltpu.VMEM((_C, _NUM_KY), jnp.float32)] * _NBUF
            + [pltpu.VMEM((_C, _ZERO_FILL_WIDTH), jnp.float32)] * _NBUF
            + [pltpu.SemaphoreType.DMA] * (2 * _NBUF)
        ),
    )
    def k(x_hbm, out_hbm, *bufs):
        in_v = bufs[:_NBUF]
        out_v = bufs[_NBUF:2 * _NBUF]
        sem_in = bufs[2 * _NBUF:3 * _NBUF]
        sem_out = bufs[3 * _NBUF:4 * _NBUF]
        wid = lax.axis_index("s") * 2 + lax.axis_index("c")
        slab0 = wid * _SPW

        def in_copy(g, b):
            slab, r0 = slab0 + g // _CPS, (g % _CPS) * _C
            return pltpu.make_async_copy(
                x_hbm.at[slab, pl.ds(r0, _C), :], in_v[b], sem_in[b])

        def out_copy(g, b):
            slab, r0 = slab0 + g // _CPS, (g % _CPS) * _C
            return pltpu.make_async_copy(
                out_v[b], out_hbm.at[slab, pl.ds(r0, _C), :], sem_out[b])

        for b in range(_NBUF):
            in_copy(b, b).start()

        zeros = jnp.zeros((16,), jnp.float32)

        for b in range(_NBUF):
            @plsc.parallel_loop(0, _C, step=1, unroll=2)
            def _(r, b=b):
                for t in range(_ZERO_FILL_WIDTH // 16):
                    out_v[b][r, pl.ds(t * 16, 16)] = zeros

        iota = lax.iota(jnp.int32, 16)

        def ky_of(j):
            return jnp.where(
                j < 43, 4 * j, jnp.where(j < 73, j + 126, 4 * j - 92))

        col_ix = [ky_of(s + iota) for s in _COL_STARTS]

        def scatter_chunk(b):
            @plsc.parallel_loop(0, _C, step=1, unroll=2)
            def _(r):
                rr = jnp.full((16,), r, dtype=jnp.int32)
                for t, s in enumerate(_COL_STARTS):
                    v = in_v[b][r, pl.ds(s, 16)]
                    plsc.store_scatter(out_v[b], [rr, col_ix[t]], v)

        def step(g, b, start_in=True, wait_out=True):
            in_copy(g, b).wait()
            if wait_out:
                out_copy(g - _NBUF, b).wait()
            scatter_chunk(b)
            out_copy(g, b).start()
            if start_in:
                in_copy(g + _NBUF, b).start()

        for g in range(_NBUF):
            step(g, g, wait_out=False)

        def ring(i, carry):
            for b in range(_NBUF):
                step(_NBUF * i + b, b)
            return carry

        lax.fori_loop(1, _NCHUNK // _NBUF - 1, ring, 0)

        for g in range(_NCHUNK - _NBUF, _NCHUNK):
            step(g, g % _NBUF, start_in=False)
        for g in range(_NCHUNK - _NBUF, _NCHUNK):
            out_copy(g, g % _NBUF).wait()

    return k(x3d)


def kernel(undersampled_ksp):
    lead = undersampled_ksp.shape[:-1]
    x3d = undersampled_ksp.reshape(_SLABS, _SLAB_ROWS, _NUM_KY)
    out = _sc_zero_fill(x3d)
    return out.reshape(*lead, _ZERO_FILL_WIDTH)

# --- scband reference (transcript-rebuilt; emitter-appended) ---
"""Pipeline reference for scband-sampling-function-47476568490228 (READ-ONLY COPY).

The authoritative reference and input builder live on the scoring server;
editing this copy changes nothing except your own understanding.
"""

import jax, jax.numpy as jnp
import numpy as np

ACCEL_FACTOR = 4
NUM_CENTRAL_LINES = 30
ZERO_FILL_WIDTH = 368

def _compute_sampling_positions(width, accel_factor=ACCEL_FACTOR, num_central_lines=NUM_CENTRAL_LINES):
    center = width // 2
    half_width = num_central_lines // 2
    central_lines = np.arange(center - half_width, center + half_width + num_central_lines % 2)
    all_lines = np.arange(width)
    accel_lines = all_lines[::accel_factor]
    accel_lines = accel_lines[~np.isin(accel_lines, central_lines)]
    ky_positions = np.sort(np.concatenate([central_lines, accel_lines]))
    return ky_positions

ZERO_FILL_KY_POSITIONS = _compute_sampling_positions(ZERO_FILL_WIDTH)  # 115 lines

def setup_inputs(seed: int = 0) -> dict:
    key = jax.random.key(seed)
    undersampled_ksp = jax.random.normal(key, (32, 15, 320, ZERO_FILL_KY_POSITIONS.shape[0]), dtype=jnp.float32)
    return {"undersampled_ksp": undersampled_ksp}

def reference(undersampled_ksp):
    # zero_fill: scatter the 115 sampled ky lines into a zero-initialized 368-wide k-space
    ky = jnp.asarray(ZERO_FILL_KY_POSITIONS)
    full_shape = tuple(undersampled_ksp.shape[:-1]) + (ZERO_FILL_WIDTH,)
    full_kspace = jnp.zeros(full_shape, dtype=undersampled_ksp.dtype)
    full_kspace = full_kspace.at[..., ky].set(undersampled_ksp)
    return full_kspace

if __name__ == "__main__":
    import jax
    _d = setup_inputs()
    print(jax.jit(kernel)(*tuple(_d.values())))

</pallas_src>

<mosaic_0001>
#map = affine_map<(d0, d1) -> (0, 0, 0)>
module attributes {stable_mosaic.version = 14 : i64} {
  func.func @k(%arg0: i32, %arg1: i32, %arg2: memref<480x320x115xf32, #tpu.memory_space<hbm>>, %arg3: memref<480x320x368xf32, #tpu.memory_space<hbm>>, %arg4: memref<80x115xf32, #tpu.memory_space<vmem>>, %arg5: memref<80x115xf32, #tpu.memory_space<vmem>>, %arg6: memref<80x368xf32, #tpu.memory_space<vmem>>, %arg7: memref<80x368xf32, #tpu.memory_space<vmem>>, %arg8: memref<!tpu.dma_semaphore, #tpu.memory_space<semaphore_mem>>, %arg9: memref<!tpu.dma_semaphore, #tpu.memory_space<semaphore_mem>>, %arg10: memref<!tpu.dma_semaphore, #tpu.memory_space<semaphore_mem>>, %arg11: memref<!tpu.dma_semaphore, #tpu.memory_space<semaphore_mem>>) attributes {dimension_semantics = [#tpu.dimension_semantics<core_parallel>, #tpu.dimension_semantics<subcore_parallel>], iteration_bounds = array<i64: 2, 16>, scalar_prefetch = 0 : i64, scratch_operands = 8 : i64, tpu.core_type = #tpu.core_type<sc_vector_subcore>, window_params = [{transform_indices = #map}, {transform_indices = #map}]} {
    %mul3A = arith.constant 2 : i32
    %mul3A_0 = arith.muli %arg1, %mul3A : i32
    %add3A = arith.addi %mul3A_0, %arg0 : i32
    %mul3A_1 = arith.constant 15 : i32
    %mul3A_2 = arith.muli %add3A, %mul3A_1 : i32
    %add3A_3 = arith.constant 0 : i32
    %add3A_4 = arith.addi %mul3A_2, %add3A_3 : i32
    %dma_start3A = arith.constant 0 : i32
    %dma_start3A_5 = arith.constant 0 : i32
    %dma_start3A_6 = tpu.memref_slice %arg2[%add3A_4, %dma_start3A, %dma_start3A_5] : memref<480x320x115xf32, #tpu.memory_space<hbm>> -> memref<1x80x115xf32, #tpu.memory_space<hbm>>
    %dma_start3A_7 = tpu.memref_squeeze %dma_start3A_6 : memref<1x80x115xf32, #tpu.memory_space<hbm>> -> memref<80x115xf32, #tpu.memory_space<hbm>>
    %dma_start3A_8 = arith.constant 0 : i32
    %dma_start3A_9 = arith.constant 0 : i32
    %dma_start3A_10 = tpu.memref_slice %arg2[%add3A_4, %dma_start3A_8, %dma_start3A_9] : memref<480x320x115xf32, #tpu.memory_space<hbm>> -> memref<1x80x115xf32, #tpu.memory_space<hbm>>
    %dma_start3A_11 = tpu.memref_squeeze %dma_start3A_10 : memref<1x80x115xf32, #tpu.memory_space<hbm>> -> memref<80x115xf32, #tpu.memory_space<hbm>>
    tpu.enqueue_dma source(%dma_start3A_11 : memref<80x115xf32, #tpu.memory_space<hbm>>) target(%arg4 : memref<80x115xf32, #tpu.memory_space<vmem>>) target_semaphore(%arg8 : memref<!tpu.dma_semaphore, #tpu.memory_space<semaphore_mem>>)
    %add3A_12 = arith.constant 0 : i32
    %add3A_13 = arith.addi %mul3A_2, %add3A_12 : i32
    %dma_start3A_14 = arith.constant 80 : i32
    %dma_start3A_15 = arith.constant 0 : i32
    %dma_start3A_16 = tpu.memref_slice %arg2[%add3A_13, %dma_start3A_14, %dma_start3A_15] : memref<480x320x115xf32, #tpu.memory_space<hbm>> -> memref<1x80x115xf32, #tpu.memory_space<hbm>>
    %dma_start3A_17 = tpu.memref_squeeze %dma_start3A_16 : memref<1x80x115xf32, #tpu.memory_space<hbm>> -> memref<80x115xf32, #tpu.memory_space<hbm>>
    %dma_start3A_18 = arith.constant 80 : i32
    %dma_start3A_19 = arith.constant 0 : i32
    %dma_start3A_20 = tpu.memref_slice %arg2[%add3A_13, %dma_start3A_18, %dma_start3A_19] : memref<480x320x115xf32, #tpu.memory_space<hbm>> -> memref<1x80x115xf32, #tpu.memory_space<hbm>>
    %dma_start3A_21 = tpu.memref_squeeze %dma_start3A_20 : memref<1x80x115xf32, #tpu.memory_space<hbm>> -> memref<80x115xf32, #tpu.memory_space<hbm>>
    tpu.enqueue_dma source(%dma_start3A_21 : memref<80x115xf32, #tpu.memory_space<hbm>>) target(%arg5 : memref<80x115xf32, #tpu.memory_space<vmem>>) target_semaphore(%arg9 : memref<!tpu.dma_semaphore, #tpu.memory_space<semaphore_mem>>)
    %broadcast_in_dim3A = arith.constant 0.000000e+00 : f32
    %broadcast_in_dim3A_22 = vector.broadcast %broadcast_in_dim3A : f32 to vector<16xf32>
    %parallel_loop3A = arith.constant 0 : i32
    %parallel_loop3A_23 = arith.constant 80 : i32
    %parallel_loop3A_24 = arith.constant 1 : i32
    scf.for %parallel_loop3A_365 = %parallel_loop3A to %parallel_loop3A_23 step %parallel_loop3A_24  : i32 {
      %parallel_loop3A_366 = arith.index_cast %parallel_loop3A_365 : i32 to index
      %parallel_loop3A_367 = arith.constant 0 : index
      %parallel_loop3A_368 = tpu.vector_load %arg6[%parallel_loop3A_366, %parallel_loop3A_367] {strides = array<i32>} : memref<80x368xf32, #tpu.memory_space<vmem>>, vector<16xf32>,
      tpu.vector_store %arg6[%parallel_loop3A_366, %parallel_loop3A_367], %broadcast_in_dim3A_22 {strides = array<i32>} : memref<80x368xf32, #tpu.memory_space<vmem>>, vector<16xf32>,
      %parallel_loop3A_369 = arith.index_cast %parallel_loop3A_365 : i32 to index
      %parallel_loop3A_370 = arith.constant 16 : index
      %parallel_loop3A_371 = tpu.vector_load %arg6[%parallel_loop3A_369, %parallel_loop3A_370] {strides = array<i32>} : memref<80x368xf32, #tpu.memory_space<vmem>>, vector<16xf32>,
      tpu.vector_store %arg6[%parallel_loop3A_369, %parallel_loop3A_370], %broadcast_in_dim3A_22 {strides = array<i32>} : memref<80x368xf32, #tpu.memory_space<vmem>>, vector<16xf32>,
      %parallel_loop3A_372 = arith.index_cast %parallel_loop3A_365 : i32 to index
      %parallel_loop3A_373 = arith.constant 32 : index
      %parallel_loop3A_374 = tpu.vector_load %arg6[%parallel_loop3A_372, %parallel_loop3A_373] {strides = array<i32>} : memref<80x368xf32, #tpu.memory_space<vmem>>, vector<16xf32>,
      tpu.vector_store %arg6[%parallel_loop3A_372, %parallel_loop3A_373], %broadcast_in_dim3A_22 {strides = array<i32>} : memref<80x368xf32, #tpu.memory_space<vmem>>, vector<16xf32>,
      %parallel_loop3A_375 = arith.index_cast %parallel_loop3A_365 : i32 to index
      %parallel_loop3A_376 = arith.constant 48 : index
      %parallel_loop3A_377 = tpu.vector_load %arg6[%parallel_loop3A_375, %parallel_loop3A_376] {strides = array<i32>} : memref<80x368xf32, #tpu.memory_space<vmem>>, vector<16xf32>,
      tpu.vector_store %arg6[%parallel_loop3A_375, %parallel_loop3A_376], %broadcast_in_dim3A_22 {strides = array<i32>} : memref<80x368xf32, #tpu.memory_space<vmem>>, vector<16xf32>,
      %parallel_loop3A_378 = arith.index_cast %parallel_loop3A_365 : i32 to index
      %parallel_loop3A_379 = arith.constant 64 : index
      %parallel_loop3A_380 = tpu.vector_load %arg6[%parallel_loop3A_378, %parallel_loop3A_379] {strides = array<i32>} : memref<80x368xf32, #tpu.memory_space<vmem>>, vector<16xf32>,
      tpu.vector_store %arg6[%parallel_loop3A_378, %parallel_loop3A_379], %broadcast_in_dim3A_22 {strides = array<i32>} : memref<80x368xf32, #tpu.memory_space<vmem>>, vector<16xf32>,
      %parallel_loop3A_381 = arith.index_cast %parallel_loop3A_365 : i32 to index
      %parallel_loop3A_382 = arith.constant 80 : index
      %parallel_loop3A_383 = tpu.vector_load %arg6[%parallel_loop3A_381, %parallel_loop3A_382] {strides = array<i32>} : memref<80x368xf32, #tpu.memory_space<vmem>>, vector<16xf32>,
      tpu.vector_store %arg6[%parallel_loop3A_381, %parallel_loop3A_382], %broadcast_in_dim3A_22 {strides = array<i32>} : memref<80x368xf32, #tpu.memory_space<vmem>>, vector<16xf32>,
      %parallel_loop3A_384 = arith.index_cast %parallel_loop3A_365 : i32 to index
      %parallel_loop3A_385 = arith.constant 96 : index
      %parallel_loop3A_386 = tpu.vector_load %arg6[%parallel_loop3A_384, %parallel_loop3A_385] {strides = array<i32>} : memref<80x368xf32, #tpu.memory_space<vmem>>, vector<16xf32>,
      tpu.vector_store %arg6[%parallel_loop3A_384, %parallel_loop3A_385], %broadcast_in_dim3A_22 {strides = array<i32>} : memref<80x368xf32, #tpu.memory_space<vmem>>, vector<16xf32>,
      %parallel_loop3A_387 = arith.index_cast %parallel_loop3A_365 : i32 to index
      %parallel_loop3A_388 = arith.constant 112 : index
      %parallel_loop3A_389 = tpu.vector_load %arg6[%parallel_loop3A_387, %parallel_loop3A_388] {strides = array<i32>} : memref<80x368xf32, #tpu.memory_space<vmem>>, vector<16xf32>,
      tpu.vector_store %arg6[%parallel_loop3A_387, %parallel_loop3A_388], %broadcast_in_dim3A_22 {strides = array<i32>} : memref<80x368xf32, #tpu.memory_space<vmem>>, vector<16xf32>,
      %parallel_loop3A_390 = arith.index_cast %parallel_loop3A_365 : i32 to index
      %parallel_loop3A_391 = arith.constant 128 : index
      %parallel_loop3A_392 = tpu.vector_load %arg6[%parallel_loop3A_390, %parallel_loop3A_391] {strides = array<i32>} : memref<80x368xf32, #tpu.memory_space<vmem>>, vector<16xf32>,
      tpu.vector_store %arg6[%parallel_loop3A_390, %parallel_loop3A_391], %broadcast_in_dim3A_22 {strides = array<i32>} : memref<80x368xf32, #tpu.memory_space<vmem>>, vector<16xf32>,
      %parallel_loop3A_393 = arith.index_cast %parallel_loop3A_365 : i32 to index
      %parallel_loop3A_394 = arith.constant 144 : index
      %parallel_loop3A_395 = tpu.vector_load %arg6[%parallel_loop3A_393, %parallel_loop3A_394] {strides = array<i32>} : memref<80x368xf32, #tpu.memory_space<vmem>>, vector<16xf32>,
      tpu.vector_store %arg6[%parallel_loop3A_393, %parallel_loop3A_394], %broadcast_in_dim3A_22 {strides = array<i32>} : memref<80x368xf32, #tpu.memory_space<vmem>>, vector<16xf32>,
      %parallel_loop3A_396 = arith.index_cast %parallel_loop3A_365 : i32 to index
      %parallel_loop3A_397 = arith.constant 160 : index
      %parallel_loop3A_398 = tpu.vector_load %arg6[%parallel_loop3A_396, %parallel_loop3A_397] {strides = array<i32>} : memref<80x368xf32, #tpu.memory_space<vmem>>, vector<16xf32>,
      tpu.vector_store %arg6[%parallel_loop3A_396, %parallel_loop3A_397], %broadcast_in_dim3A_22 {strides = array<i32>} : memref<80x368xf32, #tpu.memory_space<vmem>>, vector<16xf32>,
      %parallel_loop3A_399 = arith.index_cast %parallel_loop3A_365 : i32 to index
      %parallel_loop3A_400 = arith.constant 176 : index
      %parallel_loop3A_401 = tpu.vector_load %arg6[%parallel_loop3A_399, %parallel_loop3A_400] {strides = array<i32>} : memref<80x368xf32, #tpu.memory_space<vmem>>, vector<16xf32>,
      tpu.vector_store %arg6[%parallel_loop3A_399, %parallel_loop3A_400], %broadcast_in_dim3A_22 {strides = array<i32>} : memref<80x368xf32, #tpu.memory_space<vmem>>, vector<16xf32>,
      %parallel_loop3A_402 = arith.index_cast %parallel_loop3A_365 : i32 to index
      %parallel_loop3A_403 = arith.constant 192 : index
      %parallel_loop3A_404 = tpu.vector_load %arg6[%parallel_loop3A_402, %parallel_loop3A_403] {strides = array<i32>} : memref<80x368xf32, #tpu.memory_space<vmem>>, vector<16xf32>,
      tpu.vector_store %arg6[%parallel_loop3A_402, %parallel_loop3A_403], %broadcast_in_dim3A_22 {strides = array<i32>} : memref<80x368xf32, #tpu.memory_space<vmem>>, vector<16xf32>,
      %parallel_loop3A_405 = arith.index_cast %parallel_loop3A_365 : i32 to index
      %parallel_loop3A_406 = arith.constant 208 : index
      %parallel_loop3A_407 = tpu.vector_load %arg6[%parallel_loop3A_405, %parallel_loop3A_406] {strides = array<i32>} : memref<80x368xf32, #tpu.memory_space<vmem>>, vector<16xf32>,
      tpu.vector_store %arg6[%parallel_loop3A_405, %parallel_loop3A_406], %broadcast_in_dim3A_22 {strides = array<i32>} : memref<80x368xf32, #tpu.memory_space<vmem>>, vector<16xf32>,
      %parallel_loop3A_408 = arith.index_cast %parallel_loop3A_365 : i32 to index
      %parallel_loop3A_409 = arith.constant 224 : index
      %parallel_loop3A_410 = tpu.vector_load %arg6[%parallel_loop3A_408, %parallel_loop3A_409] {strides = array<i32>} : memref<80x368xf32, #tpu.memory_space<vmem>>, vector<16xf32>,
      tpu.vector_store %arg6[%parallel_loop3A_408, %parallel_loop3A_409], %broadcast_in_dim3A_22 {strides = array<i32>} : memref<80x368xf32, #tpu.memory_space<vmem>>, vector<16xf32>,
      %parallel_loop3A_411 = arith.index_cast %parallel_loop3A_365 : i32 to index
      %parallel_loop3A_412 = arith.constant 240 : index
      %parallel_loop3A_413 = tpu.vector_load %arg6[%parallel_loop3A_411, %parallel_loop3A_412] {strides = array<i32>} : memref<80x368xf32, #tpu.memory_space<vmem>>, vector<16xf32>,
      tpu.vector_store %arg6[%parallel_loop3A_411, %parallel_loop3A_412], %broadcast_in_dim3A_22 {strides = array<i32>} : memref<80x368xf32, #tpu.memory_space<vmem>>, vector<16xf32>,
      %parallel_loop3A_414 = arith.index_cast %parallel_loop3A_365 : i32 to index
      %parallel_loop3A_415 = arith.constant 256 : index
      %parallel_loop3A_416 = tpu.vector_load %arg6[%parallel_loop3A_414, %parallel_loop3A_415] {strides = array<i32>} : memref<80x368xf32, #tpu.memory_space<vmem>>, vector<16xf32>,
      tpu.vector_store %arg6[%parallel_loop3A_414, %parallel_loop3A_415], %broadcast_in_dim3A_22 {strides = array<i32>} : memref<80x368xf32, #tpu.memory_space<vmem>>, vector<16xf32>,
      %parallel_loop3A_417 = arith.index_cast %parallel_loop3A_365 : i32 to index
      %parallel_loop3A_418 = arith.constant 272 : index
      %parallel_loop3A_419 = tpu.vector_load %arg6[%parallel_loop3A_417, %parallel_loop3A_418] {strides = array<i32>} : memref<80x368xf32, #tpu.memory_space<vmem>>, vector<16xf32>,
      tpu.vector_store %arg6[%parallel_loop3A_417, %parallel_loop3A_418], %broadcast_in_dim3A_22 {strides = array<i32>} : memref<80x368xf32, #tpu.memory_space<vmem>>, vector<16xf32>,
      %parallel_loop3A_420 = arith.index_cast %parallel_loop3A_365 : i32 to index
      %parallel_loop3A_421 = arith.constant 288 : index
      %parallel_loop3A_422 = tpu.vector_load %arg6[%parallel_loop3A_420, %parallel_loop3A_421] {strides = array<i32>} : memref<80x368xf32, #tpu.memory_space<vmem>>, vector<16xf32>,
      tpu.vector_store %arg6[%parallel_loop3A_420, %parallel_loop3A_421], %broadcast_in_dim3A_22 {strides = array<i32>} : memref<80x368xf32, #tpu.memory_space<vmem>>, vector<16xf32>,
      %parallel_loop3A_423 = arith.index_cast %parallel_loop3A_365 : i32 to index
      %parallel_loop3A_424 = arith.constant 304 : index
      %parallel_loop3A_425 = tpu.vector_load %arg6[%parallel_loop3A_423, %parallel_loop3A_424] {strides = array<i32>} : memref<80x368xf32, #tpu.memory_space<vmem>>, vector<16xf32>,
      tpu.vector_store %arg6[%parallel_loop3A_423, %parallel_loop3A_424], %broadcast_in_dim3A_22 {strides = array<i32>} : memref<80x368xf32, #tpu.memory_space<vmem>>, vector<16xf32>,
      %parallel_loop3A_426 = arith.index_cast %parallel_loop3A_365 : i32 to index
      %parallel_loop3A_427 = arith.constant 320 : index
      %parallel_loop3A_428 = tpu.vector_load %arg6[%parallel_loop3A_426, %parallel_loop3A_427] {strides = array<i32>} : memref<80x368xf32, #tpu.memory_space<vmem>>, vector<16xf32>,
      tpu.vector_store %arg6[%parallel_loop3A_426, %parallel_loop3A_427], %broadcast_in_dim3A_22 {strides = array<i32>} : memref<80x368xf32, #tpu.memory_space<vmem>>, vector<16xf32>,
      %parallel_loop3A_429 = arith.index_cast %parallel_loop3A_365 : i32 to index
      %parallel_loop3A_430 = arith.constant 336 : index
      %parallel_loop3A_431 = tpu.vector_load %arg6[%parallel_loop3A_429, %parallel_loop3A_430] {strides = array<i32>} : memref<80x368xf32, #tpu.memory_space<vmem>>, vector<16xf32>,
      tpu.vector_store %arg6[%parallel_loop3A_429, %parallel_loop3A_430], %broadcast_in_dim3A_22 {strides = array<i32>} : memref<80x368xf32, #tpu.memory_space<vmem>>, vector<16xf32>,
      %parallel_loop3A_432 = arith.index_cast %parallel_loop3A_365 : i32 to index
      %parallel_loop3A_433 = arith.constant 352 : index
      %parallel_loop3A_434 = tpu.vector_load %arg6[%parallel_loop3A_432, %parallel_loop3A_433] {strides = array<i32>} : memref<80x368xf32, #tpu.memory_space<vmem>>, vector<16xf32>,
      tpu.vector_store %arg6[%parallel_loop3A_432, %parallel_loop3A_433], %broadcast_in_dim3A_22 {strides = array<i32>} : memref<80x368xf32, #tpu.memory_space<vmem>>, vector<16xf32>,
    } {sc.loop_unroll_factor = 2 : i64, sc.parallel_access}
    %parallel_loop3A_25 = arith.constant 0 : i32
    %parallel_loop3A_26 = arith.constant 80 : i32
    %parallel_loop3A_27 = arith.constant 1 : i32
    scf.for %parallel_loop3A_365 = %parallel_loop3A_25 to %parallel_loop3A_26 step %parallel_loop3A_27  : i32 {
      %parallel_loop3A_366 = arith.index_cast %parallel_loop3A_365 : i32 to index
      %parallel_loop3A_367 = arith.constant 0 : index
      %parallel_loop3A_368 = tpu.vector_load %arg7[%parallel_loop3A_366, %parallel_loop3A_367] {strides = array<i32>} : memref<80x368xf32, #tpu.memory_space<vmem>>, vector<16xf32>,
      tpu.vector_store %arg7[%parallel_loop3A_366, %parallel_loop3A_367], %broadcast_in_dim3A_22 {strides = array<i32>} : memref<80x368xf32, #tpu.memory_space<vmem>>, vector<16xf32>,
      %parallel_loop3A_369 = arith.index_cast %parallel_loop3A_365 : i32 to index
      %parallel_loop3A_370 = arith.constant 16 : index
      %parallel_loop3A_371 = tpu.vector_load %arg7[%parallel_loop3A_369, %parallel_loop3A_370] {strides = array<i32>} : memref<80x368xf32, #tpu.memory_space<vmem>>, vector<16xf32>,
      tpu.vector_store %arg7[%parallel_loop3A_369, %parallel_loop3A_370], %broadcast_in_dim3A_22 {strides = array<i32>} : memref<80x368xf32, #tpu.memory_space<vmem>>, vector<16xf32>,
      %parallel_loop3A_372 = arith.index_cast %parallel_loop3A_365 : i32 to index
      %parallel_loop3A_373 = arith.constant 32 : index
      %parallel_loop3A_374 = tpu.vector_load %arg7[%parallel_loop3A_372, %parallel_loop3A_373] {strides = array<i32>} : memref<80x368xf32, #tpu.memory_space<vmem>>, vector<16xf32>,
      tpu.vector_store %arg7[%parallel_loop3A_372, %parallel_loop3A_373], %broadcast_in_dim3A_22 {strides = array<i32>} : memref<80x368xf32, #tpu.memory_space<vmem>>, vector<16xf32>,
      %parallel_loop3A_375 = arith.index_cast %parallel_loop3A_365 : i32 to index
      %parallel_loop3A_376 = arith.constant 48 : index
      %parallel_loop3A_377 = tpu.vector_load %arg7[%parallel_loop3A_375, %parallel_loop3A_376] {strides = array<i32>} : memref<80x368xf32, #tpu.memory_space<vmem>>, vector<16xf32>,
      tpu.vector_store %arg7[%parallel_loop3A_375, %parallel_loop3A_376], %broadcast_in_dim3A_22 {strides = array<i32>} : memref<80x368xf32, #tpu.memory_space<vmem>>, vector<16xf32>,
      %parallel_loop3A_378 = arith.index_cast %parallel_loop3A_365 : i32 to index
      %parallel_loop3A_379 = arith.constant 64 : index
      %parallel_loop3A_380 = tpu.vector_load %arg7[%parallel_loop3A_378, %parallel_loop3A_379] {strides = array<i32>} : memref<80x368xf32, #tpu.memory_space<vmem>>, vector<16xf32>,
      tpu.vector_store %arg7[%parallel_loop3A_378, %parallel_loop3A_379], %broadcast_in_dim3A_22 {strides = array<i32>} : memref<80x368xf32, #tpu.memory_space<vmem>>, vector<16xf32>,
      %parallel_loop3A_381 = arith.index_cast %parallel_loop3A_365 : i32 to index
      %parallel_loop3A_382 = arith.constant 80 : index
      %parallel_loop3A_383 = tpu.vector_load %arg7[%parallel_loop3A_381, %parallel_loop3A_382] {strides = array<i32>} : memref<80x368xf32, #tpu.memory_space<vmem>>, vector<16xf32>,
      tpu.vector_store %arg7[%parallel_loop3A_381, %parallel_loop3A_382], %broadcast_in_dim3A_22 {strides = array<i32>} : memref<80x368xf32, #tpu.memory_space<vmem>>, vector<16xf32>,
      %parallel_loop3A_384 = arith.index_cast %parallel_loop3A_365 : i32 to index
      %parallel_loop3A_385 = arith.constant 96 : index
      %parallel_loop3A_386 = tpu.vector_load %arg7[%parallel_loop3A_384, %parallel_loop3A_385] {strides = array<i32>} : memref<80x368xf32, #tpu.memory_space<vmem>>, vector<16xf32>,
      tpu.vector_store %arg7[%parallel_loop3A_384, %parallel_loop3A_385], %broadcast_in_dim3A_22 {strides = array<i32>} : memref<80x368xf32, #tpu.memory_space<vmem>>, vector<16xf32>,
      %parallel_loop3A_387 = arith.index_cast %parallel_loop3A_365 : i32 to index
      %parallel_loop3A_388 = arith.constant 112 : index
      %parallel_loop3A_389 = tpu.vector_load %arg7[%parallel_loop3A_387, %parallel_loop3A_388] {strides = array<i32>} : memref<80x368xf32, #tpu.memory_space<vmem>>, vector<16xf32>,
      tpu.vector_store %arg7[%parallel_loop3A_387, %parallel_loop3A_388], %broadcast_in_dim3A_22 {strides = array<i32>} : memref<80x368xf32, #tpu.memory_space<vmem>>, vector<16xf32>,
      %parallel_loop3A_390 = arith.index_cast %parallel_loop3A_365 : i32 to index
      %parallel_loop3A_391 = arith.constant 128 : index
      %parallel_loop3A_392 = tpu.vector_load %arg7[%parallel_loop3A_390, %parallel_loop3A_391] {strides = array<i32>} : memref<80x368xf32, #tpu.memory_space<vmem>>, vector<16xf32>,
      tpu.vector_store %arg7[%parallel_loop3A_390, %parallel_loop3A_391], %broadcast_in_dim3A_22 {strides = array<i32>} : memref<80x368xf32, #tpu.memory_space<vmem>>, vector<16xf32>,
      %parallel_loop3A_393 = arith.index_cast %parallel_loop3A_365 : i32 to index
      %parallel_loop3A_394 = arith.constant 144 : index
      %parallel_loop3A_395 = tpu.vector_load %arg7[%parallel_loop3A_393, %parallel_loop3A_394] {strides = array<i32>} : memref<80x368xf32, #tpu.memory_space<vmem>>, vector<16xf32>,
      tpu.vector_store %arg7[%parallel_loop3A_393, %parallel_loop3A_394], %broadcast_in_dim3A_22 {strides = array<i32>} : memref<80x368xf32, #tpu.memory_space<vmem>>, vector<16xf32>,
      %parallel_loop3A_396 = arith.index_cast %parallel_loop3A_365 : i32 to index
      %parallel_loop3A_397 = arith.constant 160 : index
      %parallel_loop3A_398 = tpu.vector_load %arg7[%parallel_loop3A_396, %parallel_loop3A_397] {strides = array<i32>} : memref<80x368xf32, #tpu.memory_space<vmem>>, vector<16xf32>,
      tpu.vector_store %arg7[%parallel_loop3A_396, %parallel_loop3A_397], %broadcast_in_dim3A_22 {strides = array<i32>} : memref<80x368xf32, #tpu.memory_space<vmem>>, vector<16xf32>,
      %parallel_loop3A_399 = arith.index_cast %parallel_loop3A_365 : i32 to index
      %parallel_loop3A_400 = arith.constant 176 : index
      %parallel_loop3A_401 = tpu.vector_load %arg7[%parallel_loop3A_399, %parallel_loop3A_400] {strides = array<i32>} : memref<80x368xf32, #tpu.memory_space<vmem>>, vector<16xf32>,
      tpu.vector_store %arg7[%parallel_loop3A_399, %parallel_loop3A_400], %broadcast_in_dim3A_22 {strides = array<i32>} : memref<80x368xf32, #tpu.memory_space<vmem>>, vector<16xf32>,
      %parallel_loop3A_402 = arith.index_cast %parallel_loop3A_365 : i32 to index
      %parallel_loop3A_403 = arith.constant 192 : index
      %parallel_loop3A_404 = tpu.vector_load %arg7[%parallel_loop3A_402, %parallel_loop3A_403] {strides = array<i32>} : memref<80x368xf32, #tpu.memory_space<vmem>>, vector<16xf32>,
      tpu.vector_store %arg7[%parallel_loop3A_402, %parallel_loop3A_403], %broadcast_in_dim3A_22 {strides = array<i32>} : memref<80x368xf32, #tpu.memory_space<vmem>>, vector<16xf32>,
      %parallel_loop3A_405 = arith.index_cast %parallel_loop3A_365 : i32 to index
      %parallel_loop3A_406 = arith.constant 208 : index
      %parallel_loop3A_407 = tpu.vector_load %arg7[%parallel_loop3A_405, %parallel_loop3A_406] {strides = array<i32>} : memref<80x368xf32, #tpu.memory_space<vmem>>, vector<16xf32>,
      tpu.vector_store %arg7[%parallel_loop3A_405, %parallel_loop3A_406], %broadcast_in_dim3A_22 {strides = array<i32>} : memref<80x368xf32, #tpu.memory_space<vmem>>, vector<16xf32>,
      %parallel_loop3A_408 = arith.index_cast %parallel_loop3A_365 : i32 to index
      %parallel_loop3A_409 = arith.constant 224 : index
      %parallel_loop3A_410 = tpu.vector_load %arg7[%parallel_loop3A_408, %parallel_loop3A_409] {strides = array<i32>} : memref<80x368xf32, #tpu.memory_space<vmem>>, vector<16xf32>,
      tpu.vector_store %arg7[%parallel_loop3A_408, %parallel_loop3A_409], %broadcast_in_dim3A_22 {strides = array<i32>} : memref<80x368xf32, #tpu.memory_space<vmem>>, vector<16xf32>,
      %parallel_loop3A_411 = arith.index_cast %parallel_loop3A_365 : i32 to index
      %parallel_loop3A_412 = arith.constant 240 : index
      %parallel_loop3A_413 = tpu.vector_load %arg7[%parallel_loop3A_411, %parallel_loop3A_412] {strides = array<i32>} : memref<80x368xf32, #tpu.memory_space<vmem>>, vector<16xf32>,
      tpu.vector_store %arg7[%parallel_loop3A_411, %parallel_loop3A_412], %broadcast_in_dim3A_22 {strides = array<i32>} : memref<80x368xf32, #tpu.memory_space<vmem>>, vector<16xf32>,
      %parallel_loop3A_414 = arith.index_cast %parallel_loop3A_365 : i32 to index
      %parallel_loop3A_415 = arith.constant 256 : index
      %parallel_loop3A_416 = tpu.vector_load %arg7[%parallel_loop3A_414, %parallel_loop3A_415] {strides = array<i32>} : memref<80x368xf32, #tpu.memory_space<vmem>>, vector<16xf32>,
      tpu.vector_store %arg7[%parallel_loop3A_414, %parallel_loop3A_415], %broadcast_in_dim3A_22 {strides = array<i32>} : memref<80x368xf32, #tpu.memory_space<vmem>>, vector<16xf32>,
      %parallel_loop3A_417 = arith.index_cast %parallel_loop3A_365 : i32 to index
      %parallel_loop3A_418 = arith.constant 272 : index
      %parallel_loop3A_419 = tpu.vector_load %arg7[%parallel_loop3A_417, %parallel_loop3A_418] {strides = array<i32>} : memref<80x368xf32, #tpu.memory_space<vmem>>, vector<16xf32>,
      tpu.vector_store %arg7[%parallel_loop3A_417, %parallel_loop3A_418], %broadcast_in_dim3A_22 {strides = array<i32>} : memref<80x368xf32, #tpu.memory_space<vmem>>, vector<16xf32>,
      %parallel_loop3A_420 = arith.index_cast %parallel_loop3A_365 : i32 to index
      %parallel_loop3A_421 = arith.constant 288 : index
      %parallel_loop3A_422 = tpu.vector_load %arg7[%parallel_loop3A_420, %parallel_loop3A_421] {strides = array<i32>} : memref<80x368xf32, #tpu.memory_space<vmem>>, vector<16xf32>,
      tpu.vector_store %arg7[%parallel_loop3A_420, %parallel_loop3A_421], %broadcast_in_dim3A_22 {strides = array<i32>} : memref<80x368xf32, #tpu.memory_space<vmem>>, vector<16xf32>,
      %parallel_loop3A_423 = arith.index_cast %parallel_loop3A_365 : i32 to index
      %parallel_loop3A_424 = arith.constant 304 : index
      %parallel_loop3A_425 = tpu.vector_load %arg7[%parallel_loop3A_423, %parallel_loop3A_424] {strides = array<i32>} : memref<80x368xf32, #tpu.memory_space<vmem>>, vector<16xf32>,
      tpu.vector_store %arg7[%parallel_loop3A_423, %parallel_loop3A_424], %broadcast_in_dim3A_22 {strides = array<i32>} : memref<80x368xf32, #tpu.memory_space<vmem>>, vector<16xf32>,
      %parallel_loop3A_426 = arith.index_cast %parallel_loop3A_365 : i32 to index
      %parallel_loop3A_427 = arith.constant 320 : index
      %parallel_loop3A_428 = tpu.vector_load %arg7[%parallel_loop3A_426, %parallel_loop3A_427] {strides = array<i32>} : memref<80x368xf32, #tpu.memory_space<vmem>>, vector<16xf32>,
      tpu.vector_store %arg7[%parallel_loop3A_426, %parallel_loop3A_427], %broadcast_in_dim3A_22 {strides = array<i32>} : memref<80x368xf32, #tpu.memory_space<vmem>>, vector<16xf32>,
      %parallel_loop3A_429 = arith.index_cast %parallel_loop3A_365 : i32 to index
      %parallel_loop3A_430 = arith.constant 336 : index
      %parallel_loop3A_431 = tpu.vector_load %arg7[%parallel_loop3A_429, %parallel_loop3A_430] {strides = array<i32>} : memref<80x368xf32, #tpu.memory_space<vmem>>, vector<16xf32>,
      tpu.vector_store %arg7[%parallel_loop3A_429, %parallel_loop3A_430], %broadcast_in_dim3A_22 {strides = array<i32>} : memref<80x368xf32, #tpu.memory_space<vmem>>, vector<16xf32>,
      %parallel_loop3A_432 = arith.index_cast %parallel_loop3A_365 : i32 to index
      %parallel_loop3A_433 = arith.constant 352 : index
      %parallel_loop3A_434 = tpu.vector_load %arg7[%parallel_loop3A_432, %parallel_loop3A_433] {strides = array<i32>} : memref<80x368xf32, #tpu.memory_space<vmem>>, vector<16xf32>,
      tpu.vector_store %arg7[%parallel_loop3A_432, %parallel_loop3A_433], %broadcast_in_dim3A_22 {strides = array<i32>} : memref<80x368xf32, #tpu.memory_space<vmem>>, vector<16xf32>,
    } {sc.loop_unroll_factor = 2 : i64, sc.parallel_access}
    %iota3A = tpu.iota {dimensions = array<i32: 0>} : vector<16xi32>
    %add3A_28 = arith.constant 0 : i32
    %add3A_29 = vector.broadcast %add3A_28 : i32 to vector<16xi32>
    %add3A_30 = arith.addi %add3A_29, %iota3A : vector<16xi32>
    %lt3A = arith.constant 43 : i32
    %lt3A_31 = vector.broadcast %lt3A : i32 to vector<16xi32>
    %lt3A_32 = arith.cmpi slt, %add3A_30, %lt3A_31 : vector<16xi32>
    %mul3A_33 = arith.constant 4 : i32
    %mul3A_34 = vector.broadcast %mul3A_33 : i32 to vector<16xi32>
    %mul3A_35 = arith.muli %mul3A_34, %add3A_30 : vector<16xi32>
    %lt3A_36 = arith.constant 73 : i32
    %lt3A_37 = vector.broadcast %lt3A_36 : i32 to vector<16xi32>
    %lt3A_38 = arith.cmpi slt, %add3A_30, %lt3A_37 : vector<16xi32>
    %add3A_39 = arith.constant 126 : i32
    %add3A_40 = vector.broadcast %add3A_39 : i32 to vector<16xi32>
    %add3A_41 = arith.addi %add3A_30, %add3A_40 : vector<16xi32>
    %mul3A_42 = arith.constant 4 : i32
    %mul3A_43 = vector.broadcast %mul3A_42 : i32 to vector<16xi32>
    %mul3A_44 = arith.muli %mul3A_43, %add3A_30 : vector<16xi32>
    %sub3A = arith.constant 92 : i32
    %sub3A_45 = vector.broadcast %sub3A : i32 to vector<16xi32>
    %sub3A_46 = arith.subi %mul3A_44, %sub3A_45 : vector<16xi32>
    %select_n3A = arith.select %lt3A_38, %add3A_41, %sub3A_46 : vector<16xi1>, vector<16xi32>
    %select_n3A_47 = arith.select %lt3A_32, %mul3A_35, %select_n3A : vector<16xi1>, vector<16xi32>
    %add3A_48 = arith.constant 16 : i32
    %add3A_49 = vector.broadcast %add3A_48 : i32 to vector<16xi32>
    %add3A_50 = arith.addi %add3A_49, %iota3A : vector<16xi32>
    %lt3A_51 = arith.constant 43 : i32
    %lt3A_52 = vector.broadcast %lt3A_51 : i32 to vector<16xi32>
    %lt3A_53 = arith.cmpi slt, %add3A_50, %lt3A_52 : vector<16xi32>
    %mul3A_54 = arith.constant 4 : i32
    %mul3A_55 = vector.broadcast %mul3A_54 : i32 to vector<16xi32>
    %mul3A_56 = arith.muli %mul3A_55, %add3A_50 : vector<16xi32>
    %lt3A_57 = arith.constant 73 : i32
    %lt3A_58 = vector.broadcast %lt3A_57 : i32 to vector<16xi32>
    %lt3A_59 = arith.cmpi slt, %add3A_50, %lt3A_58 : vector<16xi32>
    %add3A_60 = arith.constant 126 : i32
    %add3A_61 = vector.broadcast %add3A_60 : i32 to vector<16xi32>
    %add3A_62 = arith.addi %add3A_50, %add3A_61 : vector<16xi32>
    %mul3A_63 = arith.constant 4 : i32
    %mul3A_64 = vector.broadcast %mul3A_63 : i32 to vector<16xi32>
    %mul3A_65 = arith.muli %mul3A_64, %add3A_50 : vector<16xi32>
    %sub3A_66 = arith.constant 92 : i32
    %sub3A_67 = vector.broadcast %sub3A_66 : i32 to vector<16xi32>
    %sub3A_68 = arith.subi %mul3A_65, %sub3A_67 : vector<16xi32>
    %select_n3A_69 = arith.select %lt3A_59, %add3A_62, %sub3A_68 : vector<16xi1>, vector<16xi32>
    %select_n3A_70 = arith.select %lt3A_53, %mul3A_56, %select_n3A_69 : vector<16xi1>, vector<16xi32>
    %add3A_71 = arith.constant 32 : i32
    %add3A_72 = vector.broadcast %add3A_71 : i32 to vector<16xi32>
    %add3A_73 = arith.addi %add3A_72, %iota3A : vector<16xi32>
    %lt3A_74 = arith.constant 43 : i32
    %lt3A_75 = vector.broadcast %lt3A_74 : i32 to vector<16xi32>
    %lt3A_76 = arith.cmpi slt, %add3A_73, %lt3A_75 : vector<16xi32>
    %mul3A_77 = arith.constant 4 : i32
    %mul3A_78 = vector.broadcast %mul3A_77 : i32 to vector<16xi32>
    %mul3A_79 = arith.muli %mul3A_78, %add3A_73 : vector<16xi32>
    %lt3A_80 = arith.constant 73 : i32
    %lt3A_81 = vector.broadcast %lt3A_80 : i32 to vector<16xi32>
    %lt3A_82 = arith.cmpi slt, %add3A_73, %lt3A_81 : vector<16xi32>
    %add3A_83 = arith.constant 126 : i32
    %add3A_84 = vector.broadcast %add3A_83 : i32 to vector<16xi32>
    %add3A_85 = arith.addi %add3A_73, %add3A_84 : vector<16xi32>
    %mul3A_86 = arith.constant 4 : i32
    %mul3A_87 = vector.broadcast %mul3A_86 : i32 to vector<16xi32>
    %mul3A_88 = arith.muli %mul3A_87, %add3A_73 : vector<16xi32>
    %sub3A_89 = arith.constant 92 : i32
    %sub3A_90 = vector.broadcast %sub3A_89 : i32 to vector<16xi32>
    %sub3A_91 = arith.subi %mul3A_88, %sub3A_90 : vector<16xi32>
    %select_n3A_92 = arith.select %lt3A_82, %add3A_85, %sub3A_91 : vector<16xi1>, vector<16xi32>
    %select_n3A_93 = arith.select %lt3A_76, %mul3A_79, %select_n3A_92 : vector<16xi1>, vector<16xi32>
    %add3A_94 = arith.constant 48 : i32
    %add3A_95 = vector.broadcast %add3A_94 : i32 to vector<16xi32>
    %add3A_96 = arith.addi %add3A_95, %iota3A : vector<16xi32>
    %lt3A_97 = arith.constant 43 : i32
    %lt3A_98 = vector.broadcast %lt3A_97 : i32 to vector<16xi32>
    %lt3A_99 = arith.cmpi slt, %add3A_96, %lt3A_98 : vector<16xi32>
    %mul3A_100 = arith.constant 4 : i32
    %mul3A_101 = vector.broadcast %mul3A_100 : i32 to vector<16xi32>
    %mul3A_102 = arith.muli %mul3A_101, %add3A_96 : vector<16xi32>
    %lt3A_103 = arith.constant 73 : i32
    %lt3A_104 = vector.broadcast %lt3A_103 : i32 to vector<16xi32>
    %lt3A_105 = arith.cmpi slt, %add3A_96, %lt3A_104 : vector<16xi32>
    %add3A_106 = arith.constant 126 : i32
    %add3A_107 = vector.broadcast %add3A_106 : i32 to vector<16xi32>
    %add3A_108 = arith.addi %add3A_96, %add3A_107 : vector<16xi32>
    %mul3A_109 = arith.constant 4 : i32
    %mul3A_110 = vector.broadcast %mul3A_109 : i32 to vector<16xi32>
    %mul3A_111 = arith.muli %mul3A_110, %add3A_96 : vector<16xi32>
    %sub3A_112 = arith.constant 92 : i32
    %sub3A_113 = vector.broadcast %sub3A_112 : i32 to vector<16xi32>
    %sub3A_114 = arith.subi %mul3A_111, %sub3A_113 : vector<16xi32>
    %select_n3A_115 = arith.select %lt3A_105, %add3A_108, %sub3A_114 : vector<16xi1>, vector<16xi32>
    %select_n3A_116 = arith.select %lt3A_99, %mul3A_102, %select_n3A_115 : vector<16xi1>, vector<16xi32>
    %add3A_117 = arith.constant 64 : i32
    %add3A_118 = vector.broadcast %add3A_117 : i32 to vector<16xi32>
    %add3A_119 = arith.addi %add3A_118, %iota3A : vector<16xi32>
    %lt3A_120 = arith.constant 43 : i32
    %lt3A_121 = vector.broadcast %lt3A_120 : i32 to vector<16xi32>
    %lt3A_122 = arith.cmpi slt, %add3A_119, %lt3A_121 : vector<16xi32>
    %mul3A_123 = arith.constant 4 : i32
    %mul3A_124 = vector.broadcast %mul3A_123 : i32 to vector<16xi32>
    %mul3A_125 = arith.muli %mul3A_124, %add3A_119 : vector<16xi32>
    %lt3A_126 = arith.constant 73 : i32
    %lt3A_127 = vector.broadcast %lt3A_126 : i32 to vector<16xi32>
    %lt3A_128 = arith.cmpi slt, %add3A_119, %lt3A_127 : vector<16xi32>
    %add3A_129 = arith.constant 126 : i32
    %add3A_130 = vector.broadcast %add3A_129 : i32 to vector<16xi32>
    %add3A_131 = arith.addi %add3A_119, %add3A_130 : vector<16xi32>
    %mul3A_132 = arith.constant 4 : i32
    %mul3A_133 = vector.broadcast %mul3A_132 : i32 to vector<16xi32>
    %mul3A_134 = arith.muli %mul3A_133, %add3A_119 : vector<16xi32>
    %sub3A_135 = arith.constant 92 : i32
    %sub3A_136 = vector.broadcast %sub3A_135 : i32 to vector<16xi32>
    %sub3A_137 = arith.subi %mul3A_134, %sub3A_136 : vector<16xi32>
    %select_n3A_138 = arith.select %lt3A_128, %add3A_131, %sub3A_137 : vector<16xi1>, vector<16xi32>
    %select_n3A_139 = arith.select %lt3A_122, %mul3A_125, %select_n3A_138 : vector<16xi1>, vector<16xi32>
    %add3A_140 = arith.constant 80 : i32
    %add3A_141 = vector.broadcast %add3A_140 : i32 to vector<16xi32>
    %add3A_142 = arith.addi %add3A_141, %iota3A : vector<16xi32>
    %lt3A_143 = arith.constant 43 : i32
    %lt3A_144 = vector.broadcast %lt3A_143 : i32 to vector<16xi32>
    %lt3A_145 = arith.cmpi slt, %add3A_142, %lt3A_144 : vector<16xi32>
    %mul3A_146 = arith.constant 4 : i32
    %mul3A_147 = vector.broadcast %mul3A_146 : i32 to vector<16xi32>
    %mul3A_148 = arith.muli %mul3A_147, %add3A_142 : vector<16xi32>
    %lt3A_149 = arith.constant 73 : i32
    %lt3A_150 = vector.broadcast %lt3A_149 : i32 to vector<16xi32>
    %lt3A_151 = arith.cmpi slt, %add3A_142, %lt3A_150 : vector<16xi32>
    %add3A_152 = arith.constant 126 : i32
    %add3A_153 = vector.broadcast %add3A_152 : i32 to vector<16xi32>
    %add3A_154 = arith.addi %add3A_142, %add3A_153 : vector<16xi32>
    %mul3A_155 = arith.constant 4 : i32
    %mul3A_156 = vector.broadcast %mul3A_155 : i32 to vector<16xi32>
    %mul3A_157 = arith.muli %mul3A_156, %add3A_142 : vector<16xi32>
    %sub3A_158 = arith.constant 92 : i32
    %sub3A_159 = vector.broadcast %sub3A_158 : i32 to vector<16xi32>
    %sub3A_160 = arith.subi %mul3A_157, %sub3A_159 : vector<16xi32>
    %select_n3A_161 = arith.select %lt3A_151, %add3A_154, %sub3A_160 : vector<16xi1>, vector<16xi32>
    %select_n3A_162 = arith.select %lt3A_145, %mul3A_148, %select_n3A_161 : vector<16xi1>, vector<16xi32>
    %add3A_163 = arith.constant 96 : i32
    %add3A_164 = vector.broadcast %add3A_163 : i32 to vector<16xi32>
    %add3A_165 = arith.addi %add3A_164, %iota3A : vector<16xi32>
    %lt3A_166 = arith.constant 43 : i32
    %lt3A_167 = vector.broadcast %lt3A_166 : i32 to vector<16xi32>
    %lt3A_168 = arith.cmpi slt, %add3A_165, %lt3A_167 : vector<16xi32>
    %mul3A_169 = arith.constant 4 : i32
    %mul3A_170 = vector.broadcast %mul3A_169 : i32 to vector<16xi32>
    %mul3A_171 = arith.muli %mul3A_170, %add3A_165 : vector<16xi32>
    %lt3A_172 = arith.constant 73 : i32
    %lt3A_173 = vector.broadcast %lt3A_172 : i32 to vector<16xi32>
    %lt3A_174 = arith.cmpi slt, %add3A_165, %lt3A_173 : vector<16xi32>
    %add3A_175 = arith.constant 126 : i32
    %add3A_176 = vector.broadcast %add3A_175 : i32 to vector<16xi32>
    %add3A_177 = arith.addi %add3A_165, %add3A_176 : vector<16xi32>
    %mul3A_178 = arith.constant 4 : i32
    %mul3A_179 = vector.broadcast %mul3A_178 : i32 to vector<16xi32>
    %mul3A_180 = arith.muli %mul3A_179, %add3A_165 : vector<16xi32>
    %sub3A_181 = arith.constant 92 : i32
    %sub3A_182 = vector.broadcast %sub3A_181 : i32 to vector<16xi32>
    %sub3A_183 = arith.subi %mul3A_180, %sub3A_182 : vector<16xi32>
    %select_n3A_184 = arith.select %lt3A_174, %add3A_177, %sub3A_183 : vector<16xi1>, vector<16xi32>
    %select_n3A_185 = arith.select %lt3A_168, %mul3A_171, %select_n3A_184 : vector<16xi1>, vector<16xi32>
    %add3A_186 = arith.constant 99 : i32
    %add3A_187 = vector.broadcast %add3A_186 : i32 to vector<16xi32>
    %add3A_188 = arith.addi %add3A_187, %iota3A : vector<16xi32>
    %lt3A_189 = arith.constant 43 : i32
    %lt3A_190 = vector.broadcast %lt3A_189 : i32 to vector<16xi32>
    %lt3A_191 = arith.cmpi slt, %add3A_188, %lt3A_190 : vector<16xi32>
    %mul3A_192 = arith.constant 4 : i32
    %mul3A_193 = vector.broadcast %mul3A_192 : i32 to vector<16xi32>
    %mul3A_194 = arith.muli %mul3A_193, %add3A_188 : vector<16xi32>
    %lt3A_195 = arith.constant 73 : i32
    %lt3A_196 = vector.broadcast %lt3A_195 : i32 to vector<16xi32>
    %lt3A_197 = arith.cmpi slt, %add3A_188, %lt3A_196 : vector<16xi32>
    %add3A_198 = arith.constant 126 : i32
    %add3A_199 = vector.broadcast %add3A_198 : i32 to vector<16xi32>
    %add3A_200 = arith.addi %add3A_188, %add3A_199 : vector<16xi32>
    %mul3A_201 = arith.constant 4 : i32
    %mul3A_202 = vector.broadcast %mul3A_201 : i32 to vector<16xi32>
    %mul3A_203 = arith.muli %mul3A_202, %add3A_188 : vector<16xi32>
    %sub3A_204 = arith.constant 92 : i32
    %sub3A_205 = vector.broadcast %sub3A_204 : i32 to vector<16xi32>
    %sub3A_206 = arith.subi %mul3A_203, %sub3A_205 : vector<16xi32>
    %select_n3A_207 = arith.select %lt3A_197, %add3A_200, %sub3A_206 : vector<16xi1>, vector<16xi32>
    %select_n3A_208 = arith.select %lt3A_191, %mul3A_194, %select_n3A_207 : vector<16xi1>, vector<16xi32>
    %add3A_209 = arith.constant 0 : i32
    %add3A_210 = arith.addi %mul3A_2, %add3A_209 : i32
    %dma_wait3A = arith.constant 0 : i32
    %dma_wait3A_211 = arith.constant 0 : i32
    %dma_wait3A_212 = tpu.memref_slice %arg2[%add3A_210, %dma_wait3A, %dma_wait3A_211] : memref<480x320x115xf32, #tpu.memory_space<hbm>> -> memref<1x80x115xf32, #tpu.memory_space<hbm>>
    %dma_wait3A_213 = tpu.memref_squeeze %dma_wait3A_212 : memref<1x80x115xf32, #tpu.memory_space<hbm>> -> memref<80x115xf32, #tpu.memory_space<hbm>>
    %dma_wait3A_214 = arith.constant 0 : i32
    %dma_wait3A_215 = arith.constant 0 : i32
    %dma_wait3A_216 = tpu.memref_slice %arg2[%add3A_210, %dma_wait3A_214, %dma_wait3A_215] : memref<480x320x115xf32, #tpu.memory_space<hbm>> -> memref<1x80x115xf32, #tpu.memory_space<hbm>>
    %dma_wait3A_217 = tpu.memref_squeeze %dma_wait3A_216 : memref<1x80x115xf32, #tpu.memory_space<hbm>> -> memref<80x115xf32, #tpu.memory_space<hbm>>
    tpu.wait_dma2 semaphore(%arg8 : memref<!tpu.dma_semaphore, #tpu.memory_space<semaphore_mem>>) src(%dma_wait3A_217 : memref<80x115xf32, #tpu.memory_space<hbm>>) dst(%arg4 : memref<80x115xf32, #tpu.memory_space<vmem>>)
    %parallel_loop3A_218 = arith.constant 0 : i32
    %parallel_loop3A_219 = arith.constant 80 : i32
    %parallel_loop3A_220 = arith.constant 1 : i32
    scf.for %parallel_loop3A_365 = %parallel_loop3A_218 to %parallel_loop3A_219 step %parallel_loop3A_220  : i32 {
      %parallel_loop3A_366 = vector.broadcast %parallel_loop3A_365 : i32 to vector<16xi32>
      %parallel_loop3A_367 = arith.index_cast %parallel_loop3A_365 : i32 to index
      %parallel_loop3A_368 = arith.constant 0 : index
      %parallel_loop3A_369 = tpu.vector_load %arg4[%parallel_loop3A_367, %parallel_loop3A_368] {strides = array<i32>} : memref<80x115xf32, #tpu.memory_space<vmem>>, vector<16xf32>,
      tpu.vector_store_idx %arg6[%parallel_loop3A_366, %select_n3A_47], %parallel_loop3A_369 : memref<80x368xf32, #tpu.memory_space<vmem>>[vector<16xi32>, vector<16xi32>], vector<16xf32>,
      %parallel_loop3A_370 = arith.index_cast %parallel_loop3A_365 : i32 to index
      %parallel_loop3A_371 = arith.constant 16 : index
      %parallel_loop3A_372 = tpu.vector_load %arg4[%parallel_loop3A_370, %parallel_loop3A_371] {strides = array<i32>} : memref<80x115xf32, #tpu.memory_space<vmem>>, vector<16xf32>,
      tpu.vector_store_idx %arg6[%parallel_loop3A_366, %select_n3A_70], %parallel_loop3A_372 : memref<80x368xf32, #tpu.memory_space<vmem>>[vector<16xi32>, vector<16xi32>], vector<16xf32>,
      %parallel_loop3A_373 = arith.index_cast %parallel_loop3A_365 : i32 to index
      %parallel_loop3A_374 = arith.constant 32 : index
      %parallel_loop3A_375 = tpu.vector_load %arg4[%parallel_loop3A_373, %parallel_loop3A_374] {strides = array<i32>} : memref<80x115xf32, #tpu.memory_space<vmem>>, vector<16xf32>,
      tpu.vector_store_idx %arg6[%parallel_loop3A_366, %select_n3A_93], %parallel_loop3A_375 : memref<80x368xf32, #tpu.memory_space<vmem>>[vector<16xi32>, vector<16xi32>], vector<16xf32>,
      %parallel_loop3A_376 = arith.index_cast %parallel_loop3A_365 : i32 to index
      %parallel_loop3A_377 = arith.constant 48 : index
      %parallel_loop3A_378 = tpu.vector_load %arg4[%parallel_loop3A_376, %parallel_loop3A_377] {strides = array<i32>} : memref<80x115xf32, #tpu.memory_space<vmem>>, vector<16xf32>,
      tpu.vector_store_idx %arg6[%parallel_loop3A_366, %select_n3A_116], %parallel_loop3A_378 : memref<80x368xf32, #tpu.memory_space<vmem>>[vector<16xi32>, vector<16xi32>], vector<16xf32>,
      %parallel_loop3A_379 = arith.index_cast %parallel_loop3A_365 : i32 to index
      %parallel_loop3A_380 = arith.constant 64 : index
      %parallel_loop3A_381 = tpu.vector_load %arg4[%parallel_loop3A_379, %parallel_loop3A_380] {strides = array<i32>} : memref<80x115xf32, #tpu.memory_space<vmem>>, vector<16xf32>,
      tpu.vector_store_idx %arg6[%parallel_loop3A_366, %select_n3A_139], %parallel_loop3A_381 : memref<80x368xf32, #tpu.memory_space<vmem>>[vector<16xi32>, vector<16xi32>], vector<16xf32>,
      %parallel_loop3A_382 = arith.index_cast %parallel_loop3A_365 : i32 to index
      %parallel_loop3A_383 = arith.constant 80 : index
      %parallel_loop3A_384 = tpu.vector_load %arg4[%parallel_loop3A_382, %parallel_loop3A_383] {strides = array<i32>} : memref<80x115xf32, #tpu.memory_space<vmem>>, vector<16xf32>,
      tpu.vector_store_idx %arg6[%parallel_loop3A_366, %select_n3A_162], %parallel_loop3A_384 : memref<80x368xf32, #tpu.memory_space<vmem>>[vector<16xi32>, vector<16xi32>], vector<16xf32>,
      %parallel_loop3A_385 = arith.index_cast %parallel_loop3A_365 : i32 to index
      %parallel_loop3A_386 = arith.constant 96 : index
      %parallel_loop3A_387 = tpu.vector_load %arg4[%parallel_loop3A_385, %parallel_loop3A_386] {strides = array<i32>} : memref<80x115xf32, #tpu.memory_space<vmem>>, vector<16xf32>,
      tpu.vector_store_idx %arg6[%parallel_loop3A_366, %select_n3A_185], %parallel_loop3A_387 : memref<80x368xf32, #tpu.memory_space<vmem>>[vector<16xi32>, vector<16xi32>], vector<16xf32>,
      %parallel_loop3A_388 = arith.index_cast %parallel_loop3A_365 : i32 to index
      %parallel_loop3A_389 = arith.constant 99 : index
      %parallel_loop3A_390 = tpu.vector_load %arg4[%parallel_loop3A_388, %parallel_loop3A_389] {strides = array<i32>} : memref<80x115xf32, #tpu.memory_space<vmem>>, vector<16xf32>,
      tpu.vector_store_idx %arg6[%parallel_loop3A_366, %select_n3A_208], %parallel_loop3A_390 : memref<80x368xf32, #tpu.memory_space<vmem>>[vector<16xi32>, vector<16xi32>], vector<16xf32>,
    } {sc.loop_unroll_factor = 2 : i64, sc.parallel_access}
    %add3A_221 = arith.constant 0 : i32
    %add3A_222 = arith.addi %mul3A_2, %add3A_221 : i32
    %dma_start3A_223 = arith.constant 0 : i32
    %dma_start3A_224 = arith.constant 0 : i32
    %dma_start3A_225 = tpu.memref_slice %arg3[%add3A_222, %dma_start3A_223, %dma_start3A_224] : memref<480x320x368xf32, #tpu.memory_space<hbm>> -> memref<1x80x368xf32, #tpu.memory_space<hbm>>
    %dma_start3A_226 = tpu.memref_squeeze %dma_start3A_225 : memref<1x80x368xf32, #tpu.memory_space<hbm>> -> memref<80x368xf32, #tpu.memory_space<hbm>>
    %dma_start3A_227 = arith.constant 0 : i32
    %dma_start3A_228 = arith.constant 0 : i32
    %dma_start3A_229 = tpu.memref_slice %arg3[%add3A_222, %dma_start3A_227, %dma_start3A_228] : memref<480x320x368xf32, #tpu.memory_space<hbm>> -> memref<1x80x368xf32, #tpu.memory_space<hbm>>
    %dma_start3A_230 = tpu.memref_squeeze %dma_start3A_229 : memref<1x80x368xf32, #tpu.memory_space<hbm>> -> memref<80x368xf32, #tpu.memory_space<hbm>>
    tpu.enqueue_dma source(%arg6 : memref<80x368xf32, #tpu.memory_space<vmem>>) target(%dma_start3A_230 : memref<80x368xf32, #tpu.memory_space<hbm>>) target_semaphore(%arg10 : memref<!tpu.dma_semaphore, #tpu.memory_space<semaphore_mem>>)
    %add3A_231 = arith.constant 0 : i32
    %add3A_232 = arith.addi %mul3A_2, %add3A_231 : i32
    %dma_start3A_233 = arith.constant 160 : i32
    %dma_start3A_234 = arith.constant 0 : i32
    %dma_start3A_235 = tpu.memref_slice %arg2[%add3A_232, %dma_start3A_233, %dma_start3A_234] : memref<480x320x115xf32, #tpu.memory_space<hbm>> -> memref<1x80x115xf32, #tpu.memory_space<hbm>>
    %dma_start3A_236 = tpu.memref_squeeze %dma_start3A_235 : memref<1x80x115xf32, #tpu.memory_space<hbm>> -> memref<80x115xf32, #tpu.memory_space<hbm>>
    %dma_start3A_237 = arith.constant 160 : i32
    %dma_start3A_238 = arith.constant 0 : i32
    %dma_start3A_239 = tpu.memref_slice %arg2[%add3A_232, %dma_start3A_237, %dma_start3A_238] : memref<480x320x115xf32, #tpu.memory_space<hbm>> -> memref<1x80x115xf32, #tpu.memory_space<hbm>>
    %dma_start3A_240 = tpu.memref_squeeze %dma_start3A_239 : memref<1x80x115xf32, #tpu.memory_space<hbm>> -> memref<80x115xf32, #tpu.memory_space<hbm>>
    tpu.enqueue_dma source(%dma_start3A_240 : memref<80x115xf32, #tpu.memory_space<hbm>>) target(%arg4 : memref<80x115xf32, #tpu.memory_space<vmem>>) target_semaphore(%arg8 : memref<!tpu.dma_semaphore, #tpu.memory_space<semaphore_mem>>)
    %add3A_241 = arith.constant 0 : i32
    %add3A_242 = arith.addi %mul3A_2, %add3A_241 : i32
    %dma_wait3A_243 = arith.constant 80 : i32
    %dma_wait3A_244 = arith.constant 0 : i32
    %dma_wait3A_245 = tpu.memref_slice %arg2[%add3A_242, %dma_wait3A_243, %dma_wait3A_244] : memref<480x320x115xf32, #tpu.memory_space<hbm>> -> memref<1x80x115xf32, #tpu.memory_space<hbm>>
    %dma_wait3A_246 = tpu.memref_squeeze %dma_wait3A_245 : memref<1x80x115xf32, #tpu.memory_space<hbm>> -> memref<80x115xf32, #tpu.memory_space<hbm>>
    %dma_wait3A_247 = arith.constant 80 : i32
    %dma_wait3A_248 = arith.constant 0 : i32
    %dma_wait3A_249 = tpu.memref_slice %arg2[%add3A_242, %dma_wait3A_247, %dma_wait3A_248] : memref<480x320x115xf32, #tpu.memory_space<hbm>> -> memref<1x80x115xf32, #tpu.memory_space<hbm>>
    %dma_wait3A_250 = tpu.memref_squeeze %dma_wait3A_249 : memref<1x80x115xf32, #tpu.memory_space<hbm>> -> memref<80x115xf32, #tpu.memory_space<hbm>>
    tpu.wait_dma2 semaphore(%arg9 : memref<!tpu.dma_semaphore, #tpu.memory_space<semaphore_mem>>) src(%dma_wait3A_250 : memref<80x115xf32, #tpu.memory_space<hbm>>) dst(%arg5 : memref<80x115xf32, #tpu.memory_space<vmem>>)
    %parallel_loop3A_251 = arith.constant 0 : i32
    %parallel_loop3A_252 = arith.constant 80 : i32
    %parallel_loop3A_253 = arith.constant 1 : i32
    scf.for %parallel_loop3A_365 = %parallel_loop3A_251 to %parallel_loop3A_252 step %parallel_loop3A_253  : i32 {
      %parallel_loop3A_366 = vector.broadcast %parallel_loop3A_365 : i32 to vector<16xi32>
      %parallel_loop3A_367 = arith.index_cast %parallel_loop3A_365 : i32 to index
      %parallel_loop3A_368 = arith.constant 0 : index
      %parallel_loop3A_369 = tpu.vector_load %arg5[%parallel_loop3A_367, %parallel_loop3A_368] {strides = array<i32>} : memref<80x115xf32, #tpu.memory_space<vmem>>, vector<16xf32>,
      tpu.vector_store_idx %arg7[%parallel_loop3A_366, %select_n3A_47], %parallel_loop3A_369 : memref<80x368xf32, #tpu.memory_space<vmem>>[vector<16xi32>, vector<16xi32>], vector<16xf32>,
      %parallel_loop3A_370 = arith.index_cast %parallel_loop3A_365 : i32 to index
      %parallel_loop3A_371 = arith.constant 16 : index
      %parallel_loop3A_372 = tpu.vector_load %arg5[%parallel_loop3A_370, %parallel_loop3A_371] {strides = array<i32>} : memref<80x115xf32, #tpu.memory_space<vmem>>, vector<16xf32>,
      tpu.vector_store_idx %arg7[%parallel_loop3A_366, %select_n3A_70], %parallel_loop3A_372 : memref<80x368xf32, #tpu.memory_space<vmem>>[vector<16xi32>, vector<16xi32>], vector<16xf32>,
      %parallel_loop3A_373 = arith.index_cast %parallel_loop3A_365 : i32 to index
      %parallel_loop3A_374 = arith.constant 32 : index
      %parallel_loop3A_375 = tpu.vector_load %arg5[%parallel_loop3A_373, %parallel_loop3A_374] {strides = array<i32>} : memref<80x115xf32, #tpu.memory_space<vmem>>, vector<16xf32>,
      tpu.vector_store_idx %arg7[%parallel_loop3A_366, %select_n3A_93], %parallel_loop3A_375 : memref<80x368xf32, #tpu.memory_space<vmem>>[vector<16xi32>, vector<16xi32>], vector<16xf32>,
      %parallel_loop3A_376 = arith.index_cast %parallel_loop3A_365 : i32 to index
      %parallel_loop3A_377 = arith.constant 48 : index
      %parallel_loop3A_378 = tpu.vector_load %arg5[%parallel_loop3A_376, %parallel_loop3A_377] {strides = array<i32>} : memref<80x115xf32, #tpu.memory_space<vmem>>, vector<16xf32>,
      tpu.vector_store_idx %arg7[%parallel_loop3A_366, %select_n3A_116], %parallel_loop3A_378 : memref<80x368xf32, #tpu.memory_space<vmem>>[vector<16xi32>, vector<16xi32>], vector<16xf32>,
      %parallel_loop3A_379 = arith.index_cast %parallel_loop3A_365 : i32 to index
      %parallel_loop3A_380 = arith.constant 64 : index
      %parallel_loop3A_381 = tpu.vector_load %arg5[%parallel_loop3A_379, %parallel_loop3A_380] {strides = array<i32>} : memref<80x115xf32, #tpu.memory_space<vmem>>, vector<16xf32>,
      tpu.vector_store_idx %arg7[%parallel_loop3A_366, %select_n3A_139], %parallel_loop3A_381 : memref<80x368xf32, #tpu.memory_space<vmem>>[vector<16xi32>, vector<16xi32>], vector<16xf32>,
      %parallel_loop3A_382 = arith.index_cast %parallel_loop3A_365 : i32 to index
      %parallel_loop3A_383 = arith.constant 80 : index
      %parallel_loop3A_384 = tpu.vector_load %arg5[%parallel_loop3A_382, %parallel_loop3A_383] {strides = array<i32>} : memref<80x115xf32, #tpu.memory_space<vmem>>, vector<16xf32>,
      tpu.vector_store_idx %arg7[%parallel_loop3A_366, %select_n3A_162], %parallel_loop3A_384 : memref<80x368xf32, #tpu.memory_space<vmem>>[vector<16xi32>, vector<16xi32>], vector<16xf32>,
      %parallel_loop3A_385 = arith.index_cast %parallel_loop3A_365 : i32 to index
      %parallel_loop3A_386 = arith.constant 96 : index
      %parallel_loop3A_387 = tpu.vector_load %arg5[%parallel_loop3A_385, %parallel_loop3A_386] {strides = array<i32>} : memref<80x115xf32, #tpu.memory_space<vmem>>, vector<16xf32>,
      tpu.vector_store_idx %arg7[%parallel_loop3A_366, %select_n3A_185], %parallel_loop3A_387 : memref<80x368xf32, #tpu.memory_space<vmem>>[vector<16xi32>, vector<16xi32>], vector<16xf32>,
      %parallel_loop3A_388 = arith.index_cast %parallel_loop3A_365 : i32 to index
      %parallel_loop3A_389 = arith.constant 99 : index
      %parallel_loop3A_390 = tpu.vector_load %arg5[%parallel_loop3A_388, %parallel_loop3A_389] {strides = array<i32>} : memref<80x115xf32, #tpu.memory_space<vmem>>, vector<16xf32>,
      tpu.vector_store_idx %arg7[%parallel_loop3A_366, %select_n3A_208], %parallel_loop3A_390 : memref<80x368xf32, #tpu.memory_space<vmem>>[vector<16xi32>, vector<16xi32>], vector<16xf32>,
    } {sc.loop_unroll_factor = 2 : i64, sc.parallel_access}
    %add3A_254 = arith.constant 0 : i32
    %add3A_255 = arith.addi %mul3A_2, %add3A_254 : i32
    %dma_start3A_256 = arith.constant 80 : i32
    %dma_start3A_257 = arith.constant 0 : i32
    %dma_start3A_258 = tpu.memref_slice %arg3[%add3A_255, %dma_start3A_256, %dma_start3A_257] : memref<480x320x368xf32, #tpu.memory_space<hbm>> -> memref<1x80x368xf32, #tpu.memory_space<hbm>>
    %dma_start3A_259 = tpu.memref_squeeze %dma_start3A_258 : memref<1x80x368xf32, #tpu.memory_space<hbm>> -> memref<80x368xf32, #tpu.memory_space<hbm>>
    %dma_start3A_260 = arith.constant 80 : i32
    %dma_start3A_261 = arith.constant 0 : i32
    %dma_start3A_262 = tpu.memref_slice %arg3[%add3A_255, %dma_start3A_260, %dma_start3A_261] : memref<480x320x368xf32, #tpu.memory_space<hbm>> -> memref<1x80x368xf32, #tpu.memory_space<hbm>>
    %dma_start3A_263 = tpu.memref_squeeze %dma_start3A_262 : memref<1x80x368xf32, #tpu.memory_space<hbm>> -> memref<80x368xf32, #tpu.memory_space<hbm>>
    tpu.enqueue_dma source(%arg7 : memref<80x368xf32, #tpu.memory_space<vmem>>) target(%dma_start3A_263 : memref<80x368xf32, #tpu.memory_space<hbm>>) target_semaphore(%arg11 : memref<!tpu.dma_semaphore, #tpu.memory_space<semaphore_mem>>)
    %add3A_264 = arith.constant 0 : i32
    %add3A_265 = arith.addi %mul3A_2, %add3A_264 : i32
    %dma_start3A_266 = arith.constant 240 : i32
    %dma_start3A_267 = arith.constant 0 : i32
    %dma_start3A_268 = tpu.memref_slice %arg2[%add3A_265, %dma_start3A_266, %dma_start3A_267] : memref<480x320x115xf32, #tpu.memory_space<hbm>> -> memref<1x80x115xf32, #tpu.memory_space<hbm>>
    %dma_start3A_269 = tpu.memref_squeeze %dma_start3A_268 : memref<1x80x115xf32, #tpu.memory_space<hbm>> -> memref<80x115xf32, #tpu.memory_space<hbm>>
    %dma_start3A_270 = arith.constant 240 : i32
    %dma_start3A_271 = arith.constant 0 : i32
    %dma_start3A_272 = tpu.memref_slice %arg2[%add3A_265, %dma_start3A_270, %dma_start3A_271] : memref<480x320x115xf32, #tpu.memory_space<hbm>> -> memref<1x80x115xf32, #tpu.memory_space<hbm>>
    %dma_start3A_273 = tpu.memref_squeeze %dma_start3A_272 : memref<1x80x115xf32, #tpu.memory_space<hbm>> -> memref<80x115xf32, #tpu.memory_space<hbm>>
    tpu.enqueue_dma source(%dma_start3A_273 : memref<80x115xf32, #tpu.memory_space<hbm>>) target(%arg5 : memref<80x115xf32, #tpu.memory_space<vmem>>) target_semaphore(%arg9 : memref<!tpu.dma_semaphore, #tpu.memory_space<semaphore_mem>>)
    %scan3A = arith.constant 0 : i32
    %scan3A_274 = arith.constant 1 : i32
    %scan3A_275 = arith.constant 28 : i32
    %scan3A_276 = arith.addi %scan3A_274, %scan3A_275 : i32
    %scan3A_277 = arith.constant 1 : i32
    scf.for %scan3A_365 = %scan3A_274 to %scan3A_276 step %scan3A_277  : i32 {
      %mul3A_366 = arith.constant 2 : i32
      %mul3A_367 = arith.muli %mul3A_366, %scan3A_365 : i32
      %add3A_368 = arith.constant 0 : i32
      %add3A_369 = arith.addi %mul3A_367, %add3A_368 : i32
      %jit3A = arith.constant 4 : i32
      %div3A = arith.divsi %add3A_369, %jit3A : i32
      %sign3A = arith.constant 0 : i32
      %sign3A_370 = arith.cmpi sgt, %add3A_369, %sign3A : i32
      %sign3A_371 = arith.extui %sign3A_370 : i1 to i32
      %sign3A_372 = arith.constant 0 : i32
      %sign3A_373 = arith.cmpi slt, %add3A_369, %sign3A_372 : i32
      %sign3A_374 = arith.extui %sign3A_373 : i1 to i32
      %sign3A_375 = arith.subi %sign3A_371, %sign3A_374 : i32
      %sign3A_376 = arith.constant 0 : i32
      %sign3A_377 = arith.cmpi sgt, %jit3A, %sign3A_376 : i32
      %sign3A_378 = arith.extui %sign3A_377 : i1 to i32
      %sign3A_379 = arith.constant 0 : i32
      %sign3A_380 = arith.cmpi slt, %jit3A, %sign3A_379 : i32
      %sign3A_381 = arith.extui %sign3A_380 : i1 to i32
      %sign3A_382 = arith.subi %sign3A_378, %sign3A_381 : i32
      %ne3A = arith.cmpi ne, %sign3A_375, %sign3A_382 : i32
      %rem3A = arith.remsi %add3A_369, %jit3A : i32
      %ne3A_383 = arith.constant 0 : i32
      %ne3A_384 = arith.cmpi ne, %rem3A, %ne3A_383 : i32
      %and3A = arith.andi %ne3A, %ne3A_384 : i1
      %sub3A_385 = arith.constant 1 : i32
      %sub3A_386 = arith.subi %div3A, %sub3A_385 : i32
      %select_n3A_387 = arith.select %and3A, %sub3A_386, %div3A : i32
      %add3A_388 = arith.addi %mul3A_2, %select_n3A_387 : i32
      %jit3A_389 = arith.constant 4 : i32
      %eq3A = arith.constant 0 : i32
      %eq3A_390 = arith.cmpi eq, %jit3A_389, %eq3A : i32
      %jit3A_391 = arith.constant 1 : i32
      %select_n3A_392 = arith.select %eq3A_390, %jit3A_391, %jit3A_389 : i32
      %rem3A_393 = arith.remsi %add3A_369, %select_n3A_392 : i32
      %ne3A_394 = arith.constant 0 : i32
      %ne3A_395 = arith.cmpi ne, %rem3A_393, %ne3A_394 : i32
      %lt3A_396 = arith.constant 0 : i32
      %lt3A_397 = arith.cmpi slt, %rem3A_393, %lt3A_396 : i32
      %lt3A_398 = arith.constant 0 : i32
      %lt3A_399 = arith.cmpi slt, %select_n3A_392, %lt3A_398 : i32
      %ne3A_400 = arith.xori %lt3A_397, %lt3A_399 : i1
      %and3A_401 = arith.andi %ne3A_400, %ne3A_395 : i1
      %add3A_402 = arith.addi %rem3A_393, %select_n3A_392 : i32
      %select_n3A_403 = arith.select %and3A_401, %add3A_402, %rem3A_393 : i32
      %mul3A_404 = arith.constant 80 : i32
      %mul3A_405 = arith.muli %select_n3A_403, %mul3A_404 : i32
      %dma_wait3A_406 = arith.constant 0 : i32
      %dma_wait3A_407 = tpu.memref_slice %arg2[%add3A_388, %mul3A_405, %dma_wait3A_406] : memref<480x320x115xf32, #tpu.memory_space<hbm>> -> memref<1x80x115xf32, #tpu.memory_space<hbm>>
      %dma_wait3A_408 = tpu.memref_squeeze %dma_wait3A_407 : memref<1x80x115xf32, #tpu.memory_space<hbm>> -> memref<80x115xf32, #tpu.memory_space<hbm>>
      %dma_wait3A_409 = arith.constant 0 : i32
      %dma_wait3A_410 = tpu.memref_slice %arg2[%add3A_388, %mul3A_405, %dma_wait3A_409] : memref<480x320x115xf32, #tpu.memory_space<hbm>> -> memref<1x80x115xf32, #tpu.memory_space<hbm>>
      %dma_wait3A_411 = tpu.memref_squeeze %dma_wait3A_410 : memref<1x80x115xf32, #tpu.memory_space<hbm>> -> memref<80x115xf32, #tpu.memory_space<hbm>>
      tpu.wait_dma2 semaphore(%arg8 : memref<!tpu.dma_semaphore, #tpu.memory_space<semaphore_mem>>) src(%dma_wait3A_411 : memref<80x115xf32, #tpu.memory_space<hbm>>) dst(%arg4 : memref<80x115xf32, #tpu.memory_space<vmem>>)
      %sub3A_412 = arith.constant 2 : i32
      %sub3A_413 = arith.subi %add3A_369, %sub3A_412 : i32
      %jit3A_414 = arith.constant 4 : i32
      %div3A_415 = arith.divsi %sub3A_413, %jit3A_414 : i32
      %sign3A_416 = arith.constant 0 : i32
      %sign3A_417 = arith.cmpi sgt, %sub3A_413, %sign3A_416 : i32
      %sign3A_418 = arith.extui %sign3A_417 : i1 to i32
      %sign3A_419 = arith.constant 0 : i32
      %sign3A_420 = arith.cmpi slt, %sub3A_413, %sign3A_419 : i32
      %sign3A_421 = arith.extui %sign3A_420 : i1 to i32
      %sign3A_422 = arith.subi %sign3A_418, %sign3A_421 : i32
      %sign3A_423 = arith.constant 0 : i32
      %sign3A_424 = arith.cmpi sgt, %jit3A_414, %sign3A_423 : i32
      %sign3A_425 = arith.extui %sign3A_424 : i1 to i32
      %sign3A_426 = arith.constant 0 : i32
      %sign3A_427 = arith.cmpi slt, %jit3A_414, %sign3A_426 : i32
      %sign3A_428 = arith.extui %sign3A_427 : i1 to i32
      %sign3A_429 = arith.subi %sign3A_425, %sign3A_428 : i32
      %ne3A_430 = arith.cmpi ne, %sign3A_422, %sign3A_429 : i32
      %rem3A_431 = arith.remsi %sub3A_413, %jit3A_414 : i32
      %ne3A_432 = arith.constant 0 : i32
      %ne3A_433 = arith.cmpi ne, %rem3A_431, %ne3A_432 : i32
      %and3A_434 = arith.andi %ne3A_430, %ne3A_433 : i1
      %sub3A_435 = arith.constant 1 : i32
      %sub3A_436 = arith.subi %div3A_415, %sub3A_435 : i32
      %select_n3A_437 = arith.select %and3A_434, %sub3A_436, %div3A_415 : i32
      %add3A_438 = arith.addi %mul3A_2, %select_n3A_437 : i32
      %jit3A_439 = arith.constant 4 : i32
      %eq3A_440 = arith.constant 0 : i32
      %eq3A_441 = arith.cmpi eq, %jit3A_439, %eq3A_440 : i32
      %jit3A_442 = arith.constant 1 : i32
      %select_n3A_443 = arith.select %eq3A_441, %jit3A_442, %jit3A_439 : i32
      %rem3A_444 = arith.remsi %sub3A_413, %select_n3A_443 : i32
      %ne3A_445 = arith.constant 0 : i32
      %ne3A_446 = arith.cmpi ne, %rem3A_444, %ne3A_445 : i32
      %lt3A_447 = arith.constant 0 : i32
      %lt3A_448 = arith.cmpi slt, %rem3A_444, %lt3A_447 : i32
      %lt3A_449 = arith.constant 0 : i32
      %lt3A_450 = arith.cmpi slt, %select_n3A_443, %lt3A_449 : i32
      %ne3A_451 = arith.xori %lt3A_448, %lt3A_450 : i1
      %and3A_452 = arith.andi %ne3A_451, %ne3A_446 : i1
      %add3A_453 = arith.addi %rem3A_444, %select_n3A_443 : i32
      %select_n3A_454 = arith.select %and3A_452, %add3A_453, %rem3A_444 : i32
      %mul3A_455 = arith.constant 80 : i32
      %mul3A_456 = arith.muli %select_n3A_454, %mul3A_455 : i32
      %dma_wait3A_457 = arith.constant 0 : i32
      %dma_wait3A_458 = tpu.memref_slice %arg3[%add3A_438, %mul3A_456, %dma_wait3A_457] : memref<480x320x368xf32, #tpu.memory_space<hbm>> -> memref<1x80x368xf32, #tpu.memory_space<hbm>>
      %dma_wait3A_459 = tpu.memref_squeeze %dma_wait3A_458 : memref<1x80x368xf32, #tpu.memory_space<hbm>> -> memref<80x368xf32, #tpu.memory_space<hbm>>
      %dma_wait3A_460 = arith.constant 0 : i32
      %dma_wait3A_461 = tpu.memref_slice %arg3[%add3A_438, %mul3A_456, %dma_wait3A_460] : memref<480x320x368xf32, #tpu.memory_space<hbm>> -> memref<1x80x368xf32, #tpu.memory_space<hbm>>
      %dma_wait3A_462 = tpu.memref_squeeze %dma_wait3A_461 : memref<1x80x368xf32, #tpu.memory_space<hbm>> -> memref<80x368xf32, #tpu.memory_space<hbm>>
      tpu.wait_dma2 semaphore(%arg10 : memref<!tpu.dma_semaphore, #tpu.memory_space<semaphore_mem>>) src(%arg6 : memref<80x368xf32, #tpu.memory_space<vmem>>) dst(%dma_wait3A_462 : memref<80x368xf32, #tpu.memory_space<hbm>>)
      %parallel_loop3A_463 = arith.constant 0 : i32
      %parallel_loop3A_464 = arith.constant 80 : i32
      %parallel_loop3A_465 = arith.constant 1 : i32
      scf.for %parallel_loop3A_773 = %parallel_loop3A_463 to %parallel_loop3A_464 step %parallel_loop3A_465  : i32 {
        %parallel_loop3A_774 = vector.broadcast %parallel_loop3A_773 : i32 to vector<16xi32>
        %parallel_loop3A_775 = arith.index_cast %parallel_loop3A_773 : i32 to index
        %parallel_loop3A_776 = arith.constant 0 : index
        %parallel_loop3A_777 = tpu.vector_load %arg4[%parallel_loop3A_775, %parallel_loop3A_776] {strides = array<i32>} : memref<80x115xf32, #tpu.memory_space<vmem>>, vector<16xf32>,
        tpu.vector_store_idx %arg6[%parallel_loop3A_774, %select_n3A_47], %parallel_loop3A_777 : memref<80x368xf32, #tpu.memory_space<vmem>>[vector<16xi32>, vector<16xi32>], vector<16xf32>,
        %parallel_loop3A_778 = arith.index_cast %parallel_loop3A_773 : i32 to index
        %parallel_loop3A_779 = arith.constant 16 : index
        %parallel_loop3A_780 = tpu.vector_load %arg4[%parallel_loop3A_778, %parallel_loop3A_779] {strides = array<i32>} : memref<80x115xf32, #tpu.memory_space<vmem>>, vector<16xf32>,
        tpu.vector_store_idx %arg6[%parallel_loop3A_774, %select_n3A_70], %parallel_loop3A_780 : memref<80x368xf32, #tpu.memory_space<vmem>>[vector<16xi32>, vector<16xi32>], vector<16xf32>,
        %parallel_loop3A_781 = arith.index_cast %parallel_loop3A_773 : i32 to index
        %parallel_loop3A_782 = arith.constant 32 : index
        %parallel_loop3A_783 = tpu.vector_load %arg4[%parallel_loop3A_781, %parallel_loop3A_782] {strides = array<i32>} : memref<80x115xf32, #tpu.memory_space<vmem>>, vector<16xf32>,
        tpu.vector_store_idx %arg6[%parallel_loop3A_774, %select_n3A_93], %parallel_loop3A_783 : memref<80x368xf32, #tpu.memory_space<vmem>>[vector<16xi32>, vector<16xi32>], vector<16xf32>,
        %parallel_loop3A_784 = arith.index_cast %parallel_loop3A_773 : i32 to index
        %parallel_loop3A_785 = arith.constant 48 : index
        %parallel_loop3A_786 = tpu.vector_load %arg4[%parallel_loop3A_784, %parallel_loop3A_785] {strides = array<i32>} : memref<80x115xf32, #tpu.memory_space<vmem>>, vector<16xf32>,
        tpu.vector_store_idx %arg6[%parallel_loop3A_774, %select_n3A_116], %parallel_loop3A_786 : memref<80x368xf32, #tpu.memory_space<vmem>>[vector<16xi32>, vector<16xi32>], vector<16xf32>,
        %parallel_loop3A_787 = arith.index_cast %parallel_loop3A_773 : i32 to index
        %parallel_loop3A_788 = arith.constant 64 : index
        %parallel_loop3A_789 = tpu.vector_load %arg4[%parallel_loop3A_787, %parallel_loop3A_788] {strides = array<i32>} : memref<80x115xf32, #tpu.memory_space<vmem>>, vector<16xf32>,
        tpu.vector_store_idx %arg6[%parallel_loop3A_774, %select_n3A_139], %parallel_loop3A_789 : memref<80x368xf32, #tpu.memory_space<vmem>>[vector<16xi32>, vector<16xi32>], vector<16xf32>,
        %parallel_loop3A_790 = arith.index_cast %parallel_loop3A_773 : i32 to index
        %parallel_loop3A_791 = arith.constant 80 : index
        %parallel_loop3A_792 = tpu.vector_load %arg4[%parallel_loop3A_790, %parallel_loop3A_791] {strides = array<i32>} : memref<80x115xf32, #tpu.memory_space<vmem>>, vector<16xf32>,
        tpu.vector_store_idx %arg6[%parallel_loop3A_774, %select_n3A_162], %parallel_loop3A_792 : memref<80x368xf32, #tpu.memory_space<vmem>>[vector<16xi32>, vector<16xi32>], vector<16xf32>,
        %parallel_loop3A_793 = arith.index_cast %parallel_loop3A_773 : i32 to index
        %parallel_loop3A_794 = arith.constant 96 : index
        %parallel_loop3A_795 = tpu.vector_load %arg4[%parallel_loop3A_793, %parallel_loop3A_794] {strides = array<i32>} : memref<80x115xf32, #tpu.memory_space<vmem>>, vector<16xf32>,
        tpu.vector_store_idx %arg6[%parallel_loop3A_774, %select_n3A_185], %parallel_loop3A_795 : memref<80x368xf32, #tpu.memory_space<vmem>>[vector<16xi32>, vector<16xi32>], vector<16xf32>,
        %parallel_loop3A_796 = arith.index_cast %parallel_loop3A_773 : i32 to index
        %parallel_loop3A_797 = arith.constant 99 : index
        %parallel_loop3A_798 = tpu.vector_load %arg4[%parallel_loop3A_796, %parallel_loop3A_797] {strides = array<i32>} : memref<80x115xf32, #tpu.memory_space<vmem>>, vector<16xf32>,
        tpu.vector_store_idx %arg6[%parallel_loop3A_774, %select_n3A_208], %parallel_loop3A_798 : memref<80x368xf32, #tpu.memory_space<vmem>>[vector<16xi32>, vector<16xi32>], vector<16xf32>,
      } {sc.loop_unroll_factor = 2 : i64, sc.parallel_access}
      %jit3A_466 = arith.constant 4 : i32
      %div3A_467 = arith.divsi %add3A_369, %jit3A_466 : i32
      %sign3A_468 = arith.constant 0 : i32
      %sign3A_469 = arith.cmpi sgt, %add3A_369, %sign3A_468 : i32
      %sign3A_470 = arith.extui %sign3A_469 : i1 to i32
      %sign3A_471 = arith.constant 0 : i32
      %sign3A_472 = arith.cmpi slt, %add3A_369, %sign3A_471 : i32
      %sign3A_473 = arith.extui %sign3A_472 : i1 to i32
      %sign3A_474 = arith.subi %sign3A_470, %sign3A_473 : i32
      %sign3A_475 = arith.constant 0 : i32
      %sign3A_476 = arith.cmpi sgt, %jit3A_466, %sign3A_475 : i32
      %sign3A_477 = arith.extui %sign3A_476 : i1 to i32
      %sign3A_478 = arith.constant 0 : i32
      %sign3A_479 = arith.cmpi slt, %jit3A_466, %sign3A_478 : i32
      %sign3A_480 = arith.extui %sign3A_479 : i1 to i32
      %sign3A_481 = arith.subi %sign3A_477, %sign3A_480 : i32
      %ne3A_482 = arith.cmpi ne, %sign3A_474, %sign3A_481 : i32
      %rem3A_483 = arith.remsi %add3A_369, %jit3A_466 : i32
      %ne3A_484 = arith.constant 0 : i32
      %ne3A_485 = arith.cmpi ne, %rem3A_483, %ne3A_484 : i32
      %and3A_486 = arith.andi %ne3A_482, %ne3A_485 : i1
      %sub3A_487 = arith.constant 1 : i32
      %sub3A_488 = arith.subi %div3A_467, %sub3A_487 : i32
      %select_n3A_489 = arith.select %and3A_486, %sub3A_488, %div3A_467 : i32
      %add3A_490 = arith.addi %mul3A_2, %select_n3A_489 : i32
      %jit3A_491 = arith.constant 4 : i32
      %eq3A_492 = arith.constant 0 : i32
      %eq3A_493 = arith.cmpi eq, %jit3A_491, %eq3A_492 : i32
      %jit3A_494 = arith.constant 1 : i32
      %select_n3A_495 = arith.select %eq3A_493, %jit3A_494, %jit3A_491 : i32
      %rem3A_496 = arith.remsi %add3A_369, %select_n3A_495 : i32
      %ne3A_497 = arith.constant 0 : i32
      %ne3A_498 = arith.cmpi ne, %rem3A_496, %ne3A_497 : i32
      %lt3A_499 = arith.constant 0 : i32
      %lt3A_500 = arith.cmpi slt, %rem3A_496, %lt3A_499 : i32
      %lt3A_501 = arith.constant 0 : i32
      %lt3A_502 = arith.cmpi slt, %select_n3A_495, %lt3A_501 : i32
      %ne3A_503 = arith.xori %lt3A_500, %lt3A_502 : i1
      %and3A_504 = arith.andi %ne3A_503, %ne3A_498 : i1
      %add3A_505 = arith.addi %rem3A_496, %select_n3A_495 : i32
      %select_n3A_506 = arith.select %and3A_504, %add3A_505, %rem3A_496 : i32
      %mul3A_507 = arith.constant 80 : i32
      %mul3A_508 = arith.muli %select_n3A_506, %mul3A_507 : i32
      %dma_start3A_509 = arith.constant 0 : i32
      %dma_start3A_510 = tpu.memref_slice %arg3[%add3A_490, %mul3A_508, %dma_start3A_509] : memref<480x320x368xf32, #tpu.memory_space<hbm>> -> memref<1x80x368xf32, #tpu.memory_space<hbm>>
      %dma_start3A_511 = tpu.memref_squeeze %dma_start3A_510 : memref<1x80x368xf32, #tpu.memory_space<hbm>> -> memref<80x368xf32, #tpu.memory_space<hbm>>
      %dma_start3A_512 = arith.constant 0 : i32
      %dma_start3A_513 = tpu.memref_slice %arg3[%add3A_490, %mul3A_508, %dma_start3A_512] : memref<480x320x368xf32, #tpu.memory_space<hbm>> -> memref<1x80x368xf32, #tpu.memory_space<hbm>>
      %dma_start3A_514 = tpu.memref_squeeze %dma_start3A_513 : memref<1x80x368xf32, #tpu.memory_space<hbm>> -> memref<80x368xf32, #tpu.memory_space<hbm>>
      tpu.enqueue_dma source(%arg6 : memref<80x368xf32, #tpu.memory_space<vmem>>) target(%dma_start3A_514 : memref<80x368xf32, #tpu.memory_space<hbm>>) target_semaphore(%arg10 : memref<!tpu.dma_semaphore, #tpu.memory_space<semaphore_mem>>)
      %add3A_515 = arith.constant 2 : i32
      %add3A_516 = arith.addi %add3A_369, %add3A_515 : i32
      %jit3A_517 = arith.constant 4 : i32
      %div3A_518 = arith.divsi %add3A_516, %jit3A_517 : i32
      %sign3A_519 = arith.constant 0 : i32
      %sign3A_520 = arith.cmpi sgt, %add3A_516, %sign3A_519 : i32
      %sign3A_521 = arith.extui %sign3A_520 : i1 to i32
      %sign3A_522 = arith.constant 0 : i32
      %sign3A_523 = arith.cmpi slt, %add3A_516, %sign3A_522 : i32
      %sign3A_524 = arith.extui %sign3A_523 : i1 to i32
      %sign3A_525 = arith.subi %sign3A_521, %sign3A_524 : i32
      %sign3A_526 = arith.constant 0 : i32
      %sign3A_527 = arith.cmpi sgt, %jit3A_517, %sign3A_526 : i32
      %sign3A_528 = arith.extui %sign3A_527 : i1 to i32
      %sign3A_529 = arith.constant 0 : i32
      %sign3A_530 = arith.cmpi slt, %jit3A_517, %sign3A_529 : i32
      %sign3A_531 = arith.extui %sign3A_530 : i1 to i32
      %sign3A_532 = arith.subi %sign3A_528, %sign3A_531 : i32
      %ne3A_533 = arith.cmpi ne, %sign3A_525, %sign3A_532 : i32
      %rem3A_534 = arith.remsi %add3A_516, %jit3A_517 : i32
      %ne3A_535 = arith.constant 0 : i32
      %ne3A_536 = arith.cmpi ne, %rem3A_534, %ne3A_535 : i32
      %and3A_537 = arith.andi %ne3A_533, %ne3A_536 : i1
      %sub3A_538 = arith.constant 1 : i32
      %sub3A_539 = arith.subi %div3A_518, %sub3A_538 : i32
      %select_n3A_540 = arith.select %and3A_537, %sub3A_539, %div3A_518 : i32
      %add3A_541 = arith.addi %mul3A_2, %select_n3A_540 : i32
      %jit3A_542 = arith.constant 4 : i32
      %eq3A_543 = arith.constant 0 : i32
      %eq3A_544 = arith.cmpi eq, %jit3A_542, %eq3A_543 : i32
      %jit3A_545 = arith.constant 1 : i32
      %select_n3A_546 = arith.select %eq3A_544, %jit3A_545, %jit3A_542 : i32
      %rem3A_547 = arith.remsi %add3A_516, %select_n3A_546 : i32
      %ne3A_548 = arith.constant 0 : i32
      %ne3A_549 = arith.cmpi ne, %rem3A_547, %ne3A_548 : i32
      %lt3A_550 = arith.constant 0 : i32
      %lt3A_551 = arith.cmpi slt, %rem3A_547, %lt3A_550 : i32
      %lt3A_552 = arith.constant 0 : i32
      %lt3A_553 = arith.cmpi slt, %select_n3A_546, %lt3A_552 : i32
      %ne3A_554 = arith.xori %lt3A_551, %lt3A_553 : i1
      %and3A_555 = arith.andi %ne3A_554, %ne3A_549 : i1
      %add3A_556 = arith.addi %rem3A_547, %select_n3A_546 : i32
      %select_n3A_557 = arith.select %and3A_555, %add3A_556, %rem3A_547 : i32
      %mul3A_558 = arith.constant 80 : i32
      %mul3A_559 = arith.muli %select_n3A_557, %mul3A_558 : i32
      %dma_start3A_560 = arith.constant 0 : i32
      %dma_start3A_561 = tpu.memref_slice %arg2[%add3A_541, %mul3A_559, %dma_start3A_560] : memref<480x320x115xf32, #tpu.memory_space<hbm>> -> memref<1x80x115xf32, #tpu.memory_space<hbm>>
      %dma_start3A_562 = tpu.memref_squeeze %dma_start3A_561 : memref<1x80x115xf32, #tpu.memory_space<hbm>> -> memref<80x115xf32, #tpu.memory_space<hbm>>
      %dma_start3A_563 = arith.constant 0 : i32
      %dma_start3A_564 = tpu.memref_slice %arg2[%add3A_541, %mul3A_559, %dma_start3A_563] : memref<480x320x115xf32, #tpu.memory_space<hbm>> -> memref<1x80x115xf32, #tpu.memory_space<hbm>>
      %dma_start3A_565 = tpu.memref_squeeze %dma_start3A_564 : memref<1x80x115xf32, #tpu.memory_space<hbm>> -> memref<80x115xf32, #tpu.memory_space<hbm>>
      tpu.enqueue_dma source(%dma_start3A_565 : memref<80x115xf32, #tpu.memory_space<hbm>>) target(%arg4 : memref<80x115xf32, #tpu.memory_space<vmem>>) target_semaphore(%arg8 : memref<!tpu.dma_semaphore, #tpu.memory_space<semaphore_mem>>)
      %mul3A_566 = arith.constant 2 : i32
      %mul3A_567 = arith.muli %mul3A_566, %scan3A_365 : i32
      %add3A_568 = arith.constant 1 : i32
      %add3A_569 = arith.addi %mul3A_567, %add3A_568 : i32
      %jit3A_570 = arith.constant 4 : i32
      %div3A_571 = arith.divsi %add3A_569, %jit3A_570 : i32
      %sign3A_572 = arith.constant 0 : i32
      %sign3A_573 = arith.cmpi sgt, %add3A_569, %sign3A_572 : i32
      %sign3A_574 = arith.extui %sign3A_573 : i1 to i32
      %sign3A_575 = arith.constant 0 : i32
      %sign3A_576 = arith.cmpi slt, %add3A_569, %sign3A_575 : i32
      %sign3A_577 = arith.extui %sign3A_576 : i1 to i32
      %sign3A_578 = arith.subi %sign3A_574, %sign3A_577 : i32
      %sign3A_579 = arith.constant 0 : i32
      %sign3A_580 = arith.cmpi sgt, %jit3A_570, %sign3A_579 : i32
      %sign3A_581 = arith.extui %sign3A_580 : i1 to i32
      %sign3A_582 = arith.constant 0 : i32
      %sign3A_583 = arith.cmpi slt, %jit3A_570, %sign3A_582 : i32
      %sign3A_584 = arith.extui %sign3A_583 : i1 to i32
      %sign3A_585 = arith.subi %sign3A_581, %sign3A_584 : i32
      %ne3A_586 = arith.cmpi ne, %sign3A_578, %sign3A_585 : i32
      %rem3A_587 = arith.remsi %add3A_569, %jit3A_570 : i32
      %ne3A_588 = arith.constant 0 : i32
      %ne3A_589 = arith.cmpi ne, %rem3A_587, %ne3A_588 : i32
      %and3A_590 = arith.andi %ne3A_586, %ne3A_589 : i1
      %sub3A_591 = arith.constant 1 : i32
      %sub3A_592 = arith.subi %div3A_571, %sub3A_591 : i32
      %select_n3A_593 = arith.select %and3A_590, %sub3A_592, %div3A_571 : i32
      %add3A_594 = arith.addi %mul3A_2, %select_n3A_593 : i32
      %jit3A_595 = arith.constant 4 : i32
      %eq3A_596 = arith.constant 0 : i32
      %eq3A_597 = arith.cmpi eq, %jit3A_595, %eq3A_596 : i32
      %jit3A_598 = arith.constant 1 : i32
      %select_n3A_599 = arith.select %eq3A_597, %jit3A_598, %jit3A_595 : i32
      %rem3A_600 = arith.remsi %add3A_569, %select_n3A_599 : i32
      %ne3A_601 = arith.constant 0 : i32
      %ne3A_602 = arith.cmpi ne, %rem3A_600, %ne3A_601 : i32
      %lt3A_603 = arith.constant 0 : i32
      %lt3A_604 = arith.cmpi slt, %rem3A_600, %lt3A_603 : i32
      %lt3A_605 = arith.constant 0 : i32
      %lt3A_606 = arith.cmpi slt, %select_n3A_599, %lt3A_605 : i32
      %ne3A_607 = arith.xori %lt3A_604, %lt3A_606 : i1
      %and3A_608 = arith.andi %ne3A_607, %ne3A_602 : i1
      %add3A_609 = arith.addi %rem3A_600, %select_n3A_599 : i32
      %select_n3A_610 = arith.select %and3A_608, %add3A_609, %rem3A_600 : i32
      %mul3A_611 = arith.constant 80 : i32
      %mul3A_612 = arith.muli %select_n3A_610, %mul3A_611 : i32
      %dma_wait3A_613 = arith.constant 0 : i32
      %dma_wait3A_614 = tpu.memref_slice %arg2[%add3A_594, %mul3A_612, %dma_wait3A_613] : memref<480x320x115xf32, #tpu.memory_space<hbm>> -> memref<1x80x115xf32, #tpu.memory_space<hbm>>
      %dma_wait3A_615 = tpu.memref_squeeze %dma_wait3A_614 : memref<1x80x115xf32, #tpu.memory_space<hbm>> -> memref<80x115xf32, #tpu.memory_space<hbm>>
      %dma_wait3A_616 = arith.constant 0 : i32
      %dma_wait3A_617 = tpu.memref_slice %arg2[%add3A_594, %mul3A_612, %dma_wait3A_616] : memref<480x320x115xf32, #tpu.memory_space<hbm>> -> memref<1x80x115xf32, #tpu.memory_space<hbm>>
      %dma_wait3A_618 = tpu.memref_squeeze %dma_wait3A_617 : memref<1x80x115xf32, #tpu.memory_space<hbm>> -> memref<80x115xf32, #tpu.memory_space<hbm>>
      tpu.wait_dma2 semaphore(%arg9 : memref<!tpu.dma_semaphore, #tpu.memory_space<semaphore_mem>>) src(%dma_wait3A_618 : memref<80x115xf32, #tpu.memory_space<hbm>>) dst(%arg5 : memref<80x115xf32, #tpu.memory_space<vmem>>)
      %sub3A_619 = arith.constant 2 : i32
      %sub3A_620 = arith.subi %add3A_569, %sub3A_619 : i32
      %jit3A_621 = arith.constant 4 : i32
      %div3A_622 = arith.divsi %sub3A_620, %jit3A_621 : i32
      %sign3A_623 = arith.constant 0 : i32
      %sign3A_624 = arith.cmpi sgt, %sub3A_620, %sign3A_623 : i32
      %sign3A_625 = arith.extui %sign3A_624 : i1 to i32
      %sign3A_626 = arith.constant 0 : i32
      %sign3A_627 = arith.cmpi slt, %sub3A_620, %sign3A_626 : i32
      %sign3A_628 = arith.extui %sign3A_627 : i1 to i32
      %sign3A_629 = arith.subi %sign3A_625, %sign3A_628 : i32
      %sign3A_630 = arith.constant 0 : i32
      %sign3A_631 = arith.cmpi sgt, %jit3A_621, %sign3A_630 : i32
      %sign3A_632 = arith.extui %sign3A_631 : i1 to i32
      %sign3A_633 = arith.constant 0 : i32
      %sign3A_634 = arith.cmpi slt, %jit3A_621, %sign3A_633 : i32
      %sign3A_635 = arith.extui %sign3A_634 : i1 to i32
      %sign3A_636 = arith.subi %sign3A_632, %sign3A_635 : i32
      %ne3A_637 = arith.cmpi ne, %sign3A_629, %sign3A_636 : i32
      %rem3A_638 = arith.remsi %sub3A_620, %jit3A_621 : i32
      %ne3A_639 = arith.constant 0 : i32
      %ne3A_640 = arith.cmpi ne, %rem3A_638, %ne3A_639 : i32
      %and3A_641 = arith.andi %ne3A_637, %ne3A_640 : i1
      %sub3A_642 = arith.constant 1 : i32
      %sub3A_643 = arith.subi %div3A_622, %sub3A_642 : i32
      %select_n3A_644 = arith.select %and3A_641, %sub3A_643, %div3A_622 : i32
      %add3A_645 = arith.addi %mul3A_2, %select_n3A_644 : i32
      %jit3A_646 = arith.constant 4 : i32
      %eq3A_647 = arith.constant 0 : i32
      %eq3A_648 = arith.cmpi eq, %jit3A_646, %eq3A_647 : i32
      %jit3A_649 = arith.constant 1 : i32
      %select_n3A_650 = arith.select %eq3A_648, %jit3A_649, %jit3A_646 : i32
      %rem3A_651 = arith.remsi %sub3A_620, %select_n3A_650 : i32
      %ne3A_652 = arith.constant 0 : i32
      %ne3A_653 = arith.cmpi ne, %rem3A_651, %ne3A_652 : i32
      %lt3A_654 = arith.constant 0 : i32
      %lt3A_655 = arith.cmpi slt, %rem3A_651, %lt3A_654 : i32
      %lt3A_656 = arith.constant 0 : i32
      %lt3A_657 = arith.cmpi slt, %select_n3A_650, %lt3A_656 : i32
      %ne3A_658 = arith.xori %lt3A_655, %lt3A_657 : i1
      %and3A_659 = arith.andi %ne3A_658, %ne3A_653 : i1
      %add3A_660 = arith.addi %rem3A_651, %select_n3A_650 : i32
      %select_n3A_661 = arith.select %and3A_659, %add3A_660, %rem3A_651 : i32
      %mul3A_662 = arith.constant 80 : i32
      %mul3A_663 = arith.muli %select_n3A_661, %mul3A_662 : i32
      %dma_wait3A_664 = arith.constant 0 : i32
      %dma_wait3A_665 = tpu.memref_slice %arg3[%add3A_645, %mul3A_663, %dma_wait3A_664] : memref<480x320x368xf32, #tpu.memory_space<hbm>> -> memref<1x80x368xf32, #tpu.memory_space<hbm>>
      %dma_wait3A_666 = tpu.memref_squeeze %dma_wait3A_665 : memref<1x80x368xf32, #tpu.memory_space<hbm>> -> memref<80x368xf32, #tpu.memory_space<hbm>>
      %dma_wait3A_667 = arith.constant 0 : i32
      %dma_wait3A_668 = tpu.memref_slice %arg3[%add3A_645, %mul3A_663, %dma_wait3A_667] : memref<480x320x368xf32, #tpu.memory_space<hbm>> -> memref<1x80x368xf32, #tpu.memory_space<hbm>>
      %dma_wait3A_669 = tpu.memref_squeeze %dma_wait3A_668 : memref<1x80x368xf32, #tpu.memory_space<hbm>> -> memref<80x368xf32, #tpu.memory_space<hbm>>
      tpu.wait_dma2 semaphore(%arg11 : memref<!tpu.dma_semaphore, #tpu.memory_space<semaphore_mem>>) src(%arg7 : memref<80x368xf32, #tpu.memory_space<vmem>>) dst(%dma_wait3A_669 : memref<80x368xf32, #tpu.memory_space<hbm>>)
      %parallel_loop3A_670 = arith.constant 0 : i32
      %parallel_loop3A_671 = arith.constant 80 : i32
      %parallel_loop3A_672 = arith.constant 1 : i32
      scf.for %parallel_loop3A_773 = %parallel_loop3A_670 to %parallel_loop3A_671 step %parallel_loop3A_672  : i32 {
        %parallel_loop3A_774 = vector.broadcast %parallel_loop3A_773 : i32 to vector<16xi32>
        %parallel_loop3A_775 = arith.index_cast %parallel_loop3A_773 : i32 to index
        %parallel_loop3A_776 = arith.constant 0 : index
        %parallel_loop3A_777 = tpu.vector_load %arg5[%parallel_loop3A_775, %parallel_loop3A_776] {strides = array<i32>} : memref<80x115xf32, #tpu.memory_space<vmem>>, vector<16xf32>,
        tpu.vector_store_idx %arg7[%parallel_loop3A_774, %select_n3A_47], %parallel_loop3A_777 : memref<80x368xf32, #tpu.memory_space<vmem>>[vector<16xi32>, vector<16xi32>], vector<16xf32>,
        %parallel_loop3A_778 = arith.index_cast %parallel_loop3A_773 : i32 to index
        %parallel_loop3A_779 = arith.constant 16 : index
        %parallel_loop3A_780 = tpu.vector_load %arg5[%parallel_loop3A_778, %parallel_loop3A_779] {strides = array<i32>} : memref<80x115xf32, #tpu.memory_space<vmem>>, vector<16xf32>,
        tpu.vector_store_idx %arg7[%parallel_loop3A_774, %select_n3A_70], %parallel_loop3A_780 : memref<80x368xf32, #tpu.memory_space<vmem>>[vector<16xi32>, vector<16xi32>], vector<16xf32>,
        %parallel_loop3A_781 = arith.index_cast %parallel_loop3A_773 : i32 to index
        %parallel_loop3A_782 = arith.constant 32 : index
        %parallel_loop3A_783 = tpu.vector_load %arg5[%parallel_loop3A_781, %parallel_loop3A_782] {strides = array<i32>} : memref<80x115xf32, #tpu.memory_space<vmem>>, vector<16xf32>,
        tpu.vector_store_idx %arg7[%parallel_loop3A_774, %select_n3A_93], %parallel_loop3A_783 : memref<80x368xf32, #tpu.memory_space<vmem>>[vector<16xi32>, vector<16xi32>], vector<16xf32>,
        %parallel_loop3A_784 = arith.index_cast %parallel_loop3A_773 : i32 to index
        %parallel_loop3A_785 = arith.constant 48 : index
        %parallel_loop3A_786 = tpu.vector_load %arg5[%parallel_loop3A_784, %parallel_loop3A_785] {strides = array<i32>} : memref<80x115xf32, #tpu.memory_space<vmem>>, vector<16xf32>,
        tpu.vector_store_idx %arg7[%parallel_loop3A_774, %select_n3A_116], %parallel_loop3A_786 : memref<80x368xf32, #tpu.memory_space<vmem>>[vector<16xi32>, vector<16xi32>], vector<16xf32>,
        %parallel_loop3A_787 = arith.index_cast %parallel_loop3A_773 : i32 to index
        %parallel_loop3A_788 = arith.constant 64 : index
        %parallel_loop3A_789 = tpu.vector_load %arg5[%parallel_loop3A_787, %parallel_loop3A_788] {strides = array<i32>} : memref<80x115xf32, #tpu.memory_space<vmem>>, vector<16xf32>,
        tpu.vector_store_idx %arg7[%parallel_loop3A_774, %select_n3A_139], %parallel_loop3A_789 : memref<80x368xf32, #tpu.memory_space<vmem>>[vector<16xi32>, vector<16xi32>], vector<16xf32>,
        %parallel_loop3A_790 = arith.index_cast %parallel_loop3A_773 : i32 to index
        %parallel_loop3A_791 = arith.constant 80 : index
        %parallel_loop3A_792 = tpu.vector_load %arg5[%parallel_loop3A_790, %parallel_loop3A_791] {strides = array<i32>} : memref<80x115xf32, #tpu.memory_space<vmem>>, vector<16xf32>,
        tpu.vector_store_idx %arg7[%parallel_loop3A_774, %select_n3A_162], %parallel_loop3A_792 : memref<80x368xf32, #tpu.memory_space<vmem>>[vector<16xi32>, vector<16xi32>], vector<16xf32>,
        %parallel_loop3A_793 = arith.index_cast %parallel_loop3A_773 : i32 to index
        %parallel_loop3A_794 = arith.constant 96 : index
        %parallel_loop3A_795 = tpu.vector_load %arg5[%parallel_loop3A_793, %parallel_loop3A_794] {strides = array<i32>} : memref<80x115xf32, #tpu.memory_space<vmem>>, vector<16xf32>,
        tpu.vector_store_idx %arg7[%parallel_loop3A_774, %select_n3A_185], %parallel_loop3A_795 : memref<80x368xf32, #tpu.memory_space<vmem>>[vector<16xi32>, vector<16xi32>], vector<16xf32>,
        %parallel_loop3A_796 = arith.index_cast %parallel_loop3A_773 : i32 to index
        %parallel_loop3A_797 = arith.constant 99 : index
        %parallel_loop3A_798 = tpu.vector_load %arg5[%parallel_loop3A_796, %parallel_loop3A_797] {strides = array<i32>} : memref<80x115xf32, #tpu.memory_space<vmem>>, vector<16xf32>,
        tpu.vector_store_idx %arg7[%parallel_loop3A_774, %select_n3A_208], %parallel_loop3A_798 : memref<80x368xf32, #tpu.memory_space<vmem>>[vector<16xi32>, vector<16xi32>], vector<16xf32>,
      } {sc.loop_unroll_factor = 2 : i64, sc.parallel_access}
      %jit3A_673 = arith.constant 4 : i32
      %div3A_674 = arith.divsi %add3A_569, %jit3A_673 : i32
      %sign3A_675 = arith.constant 0 : i32
      %sign3A_676 = arith.cmpi sgt, %add3A_569, %sign3A_675 : i32
      %sign3A_677 = arith.extui %sign3A_676 : i1 to i32
      %sign3A_678 = arith.constant 0 : i32
      %sign3A_679 = arith.cmpi slt, %add3A_569, %sign3A_678 : i32
      %sign3A_680 = arith.extui %sign3A_679 : i1 to i32
      %sign3A_681 = arith.subi %sign3A_677, %sign3A_680 : i32
      %sign3A_682 = arith.constant 0 : i32
      %sign3A_683 = arith.cmpi sgt, %jit3A_673, %sign3A_682 : i32
      %sign3A_684 = arith.extui %sign3A_683 : i1 to i32
      %sign3A_685 = arith.constant 0 : i32
      %sign3A_686 = arith.cmpi slt, %jit3A_673, %sign3A_685 : i32
      %sign3A_687 = arith.extui %sign3A_686 : i1 to i32
      %sign3A_688 = arith.subi %sign3A_684, %sign3A_687 : i32
      %ne3A_689 = arith.cmpi ne, %sign3A_681, %sign3A_688 : i32
      %rem3A_690 = arith.remsi %add3A_569, %jit3A_673 : i32
      %ne3A_691 = arith.constant 0 : i32
      %ne3A_692 = arith.cmpi ne, %rem3A_690, %ne3A_691 : i32
      %and3A_693 = arith.andi %ne3A_689, %ne3A_692 : i1
      %sub3A_694 = arith.constant 1 : i32
      %sub3A_695 = arith.subi %div3A_674, %sub3A_694 : i32
      %select_n3A_696 = arith.select %and3A_693, %sub3A_695, %div3A_674 : i32
      %add3A_697 = arith.addi %mul3A_2, %select_n3A_696 : i32
      %jit3A_698 = arith.constant 4 : i32
      %eq3A_699 = arith.constant 0 : i32
      %eq3A_700 = arith.cmpi eq, %jit3A_698, %eq3A_699 : i32
      %jit3A_701 = arith.constant 1 : i32
      %select_n3A_702 = arith.select %eq3A_700, %jit3A_701, %jit3A_698 : i32
      %rem3A_703 = arith.remsi %add3A_569, %select_n3A_702 : i32
      %ne3A_704 = arith.constant 0 : i32
      %ne3A_705 = arith.cmpi ne, %rem3A_703, %ne3A_704 : i32
      %lt3A_706 = arith.constant 0 : i32
      %lt3A_707 = arith.cmpi slt, %rem3A_703, %lt3A_706 : i32
      %lt3A_708 = arith.constant 0 : i32
      %lt3A_709 = arith.cmpi slt, %select_n3A_702, %lt3A_708 : i32
      %ne3A_710 = arith.xori %lt3A_707, %lt3A_709 : i1
      %and3A_711 = arith.andi %ne3A_710, %ne3A_705 : i1
      %add3A_712 = arith.addi %rem3A_703, %select_n3A_702 : i32
      %select_n3A_713 = arith.select %and3A_711, %add3A_712, %rem3A_703 : i32
      %mul3A_714 = arith.constant 80 : i32
      %mul3A_715 = arith.muli %select_n3A_713, %mul3A_714 : i32
      %dma_start3A_716 = arith.constant 0 : i32
      %dma_start3A_717 = tpu.memref_slice %arg3[%add3A_697, %mul3A_715, %dma_start3A_716] : memref<480x320x368xf32, #tpu.memory_space<hbm>> -> memref<1x80x368xf32, #tpu.memory_space<hbm>>
      %dma_start3A_718 = tpu.memref_squeeze %dma_start3A_717 : memref<1x80x368xf32, #tpu.memory_space<hbm>> -> memref<80x368xf32, #tpu.memory_space<hbm>>
      %dma_start3A_719 = arith.constant 0 : i32
      %dma_start3A_720 = tpu.memref_slice %arg3[%add3A_697, %mul3A_715, %dma_start3A_719] : memref<480x320x368xf32, #tpu.memory_space<hbm>> -> memref<1x80x368xf32, #tpu.memory_space<hbm>>
      %dma_start3A_721 = tpu.memref_squeeze %dma_start3A_720 : memref<1x80x368xf32, #tpu.memory_space<hbm>> -> memref<80x368xf32, #tpu.memory_space<hbm>>
      tpu.enqueue_dma source(%arg7 : memref<80x368xf32, #tpu.memory_space<vmem>>) target(%dma_start3A_721 : memref<80x368xf32, #tpu.memory_space<hbm>>) target_semaphore(%arg11 : memref<!tpu.dma_semaphore, #tpu.memory_space<semaphore_mem>>)
      %add3A_722 = arith.constant 2 : i32
      %add3A_723 = arith.addi %add3A_569, %add3A_722 : i32
      %jit3A_724 = arith.constant 4 : i32
      %div3A_725 = arith.divsi %add3A_723, %jit3A_724 : i32
      %sign3A_726 = arith.constant 0 : i32
      %sign3A_727 = arith.cmpi sgt, %add3A_723, %sign3A_726 : i32
      %sign3A_728 = arith.extui %sign3A_727 : i1 to i32
      %sign3A_729 = arith.constant 0 : i32
      %sign3A_730 = arith.cmpi slt, %add3A_723, %sign3A_729 : i32
      %sign3A_731 = arith.extui %sign3A_730 : i1 to i32
      %sign3A_732 = arith.subi %sign3A_728, %sign3A_731 : i32
      %sign3A_733 = arith.constant 0 : i32
      %sign3A_734 = arith.cmpi sgt, %jit3A_724, %sign3A_733 : i32
      %sign3A_735 = arith.extui %sign3A_734 : i1 to i32
      %sign3A_736 = arith.constant 0 : i32
      %sign3A_737 = arith.cmpi slt, %jit3A_724, %sign3A_736 : i32
      %sign3A_738 = arith.extui %sign3A_737 : i1 to i32
      %sign3A_739 = arith.subi %sign3A_735, %sign3A_738 : i32
      %ne3A_740 = arith.cmpi ne, %sign3A_732, %sign3A_739 : i32
      %rem3A_741 = arith.remsi %add3A_723, %jit3A_724 : i32
      %ne3A_742 = arith.constant 0 : i32
      %ne3A_743 = arith.cmpi ne, %rem3A_741, %ne3A_742 : i32
      %and3A_744 = arith.andi %ne3A_740, %ne3A_743 : i1
      %sub3A_745 = arith.constant 1 : i32
      %sub3A_746 = arith.subi %div3A_725, %sub3A_745 : i32
      %select_n3A_747 = arith.select %and3A_744, %sub3A_746, %div3A_725 : i32
      %add3A_748 = arith.addi %mul3A_2, %select_n3A_747 : i32
      %jit3A_749 = arith.constant 4 : i32
      %eq3A_750 = arith.constant 0 : i32
      %eq3A_751 = arith.cmpi eq, %jit3A_749, %eq3A_750 : i32
      %jit3A_752 = arith.constant 1 : i32
      %select_n3A_753 = arith.select %eq3A_751, %jit3A_752, %jit3A_749 : i32
      %rem3A_754 = arith.remsi %add3A_723, %select_n3A_753 : i32
      %ne3A_755 = arith.constant 0 : i32
      %ne3A_756 = arith.cmpi ne, %rem3A_754, %ne3A_755 : i32
      %lt3A_757 = arith.constant 0 : i32
      %lt3A_758 = arith.cmpi slt, %rem3A_754, %lt3A_757 : i32
      %lt3A_759 = arith.constant 0 : i32
      %lt3A_760 = arith.cmpi slt, %select_n3A_753, %lt3A_759 : i32
      %ne3A_761 = arith.xori %lt3A_758, %lt3A_760 : i1
      %and3A_762 = arith.andi %ne3A_761, %ne3A_756 : i1
      %add3A_763 = arith.addi %rem3A_754, %select_n3A_753 : i32
      %select_n3A_764 = arith.select %and3A_762, %add3A_763, %rem3A_754 : i32
      %mul3A_765 = arith.constant 80 : i32
      %mul3A_766 = arith.muli %select_n3A_764, %mul3A_765 : i32
      %dma_start3A_767 = arith.constant 0 : i32
      %dma_start3A_768 = tpu.memref_slice %arg2[%add3A_748, %mul3A_766, %dma_start3A_767] : memref<480x320x115xf32, #tpu.memory_space<hbm>> -> memref<1x80x115xf32, #tpu.memory_space<hbm>>
      %dma_start3A_769 = tpu.memref_squeeze %dma_start3A_768 : memref<1x80x115xf32, #tpu.memory_space<hbm>> -> memref<80x115xf32, #tpu.memory_space<hbm>>
      %dma_start3A_770 = arith.constant 0 : i32
      %dma_start3A_771 = tpu.memref_slice %arg2[%add3A_748, %mul3A_766, %dma_start3A_770] : memref<480x320x115xf32, #tpu.memory_space<hbm>> -> memref<1x80x115xf32, #tpu.memory_space<hbm>>
      %dma_start3A_772 = tpu.memref_squeeze %dma_start3A_771 : memref<1x80x115xf32, #tpu.memory_space<hbm>> -> memref<80x115xf32, #tpu.memory_space<hbm>>
      tpu.enqueue_dma source(%dma_start3A_772 : memref<80x115xf32, #tpu.memory_space<hbm>>) target(%arg5 : memref<80x115xf32, #tpu.memory_space<vmem>>) target_semaphore(%arg9 : memref<!tpu.dma_semaphore, #tpu.memory_space<semaphore_mem>>)
    }
    %scan3A_278 = arith.constant 28 : i32
    %add3A_279 = arith.constant 14 : i32
    %add3A_280 = arith.addi %mul3A_2, %add3A_279 : i32
    %dma_wait3A_281 = arith.constant 160 : i32
    %dma_wait3A_282 = arith.constant 0 : i32
    %dma_wait3A_283 = tpu.memref_slice %arg2[%add3A_280, %dma_wait3A_281, %dma_wait3A_282] : memref<480x320x115xf32, #tpu.memory_space<hbm>> -> memref<1x80x115xf32, #tpu.memory_space<hbm>>
    %dma_wait3A_284 = tpu.memref_squeeze %dma_wait3A_283 : memref<1x80x115xf32, #tpu.memory_space<hbm>> -> memref<80x115xf32, #tpu.memory_space<hbm>>
    %dma_wait3A_285 = arith.constant 160 : i32
    %dma_wait3A_286 = arith.constant 0 : i32
    %dma_wait3A_287 = tpu.memref_slice %arg2[%add3A_280, %dma_wait3A_285, %dma_wait3A_286] : memref<480x320x115xf32, #tpu.memory_space<hbm>> -> memref<1x80x115xf32, #tpu.memory_space<hbm>>
    %dma_wait3A_288 = tpu.memref_squeeze %dma_wait3A_287 : memref<1x80x115xf32, #tpu.memory_space<hbm>> -> memref<80x115xf32, #tpu.memory_space<hbm>>
    tpu.wait_dma2 semaphore(%arg8 : memref<!tpu.dma_semaphore, #tpu.memory_space<semaphore_mem>>) src(%dma_wait3A_288 : memref<80x115xf32, #tpu.memory_space<hbm>>) dst(%arg4 : memref<80x115xf32, #tpu.memory_space<vmem>>)
    %add3A_289 = arith.constant 14 : i32
    %add3A_290 = arith.addi %mul3A_2, %add3A_289 : i32
    %dma_wait3A_291 = arith.constant 0 : i32
    %dma_wait3A_292 = arith.constant 0 : i32
    %dma_wait3A_293 = tpu.memref_slice %arg3[%add3A_290, %dma_wait3A_291, %dma_wait3A_292] : memref<480x320x368xf32, #tpu.memory_space<hbm>> -> memref<1x80x368xf32, #tpu.memory_space<hbm>>
    %dma_wait3A_294 = tpu.memref_squeeze %dma_wait3A_293 : memref<1x80x368xf32, #tpu.memory_space<hbm>> -> memref<80x368xf32, #tpu.memory_space<hbm>>
    %dma_wait3A_295 = arith.constant 0 : i32
    %dma_wait3A_296 = arith.constant 0 : i32
    %dma_wait3A_297 = tpu.memref_slice %arg3[%add3A_290, %dma_wait3A_295, %dma_wait3A_296] : memref<480x320x368xf32, #tpu.memory_space<hbm>> -> memref<1x80x368xf32, #tpu.memory_space<hbm>>
    %dma_wait3A_298 = tpu.memref_squeeze %dma_wait3A_297 : memref<1x80x368xf32, #tpu.memory_space<hbm>> -> memref<80x368xf32, #tpu.memory_space<hbm>>
    tpu.wait_dma2 semaphore(%arg10 : memref<!tpu.dma_semaphore, #tpu.memory_space<semaphore_mem>>) src(%arg6 : memref<80x368xf32, #tpu.memory_space<vmem>>) dst(%dma_wait3A_298 : memref<80x368xf32, #tpu.memory_space<hbm>>)
    %parallel_loop3A_299 = arith.constant 0 : i32
    %parallel_loop3A_300 = arith.constant 80 : i32
    %parallel_loop3A_301 = arith.constant 1 : i32
    scf.for %parallel_loop3A_365 = %parallel_loop3A_299 to %parallel_loop3A_300 step %parallel_loop3A_301  : i32 {
      %parallel_loop3A_366 = vector.broadcast %parallel_loop3A_365 : i32 to vector<16xi32>
      %parallel_loop3A_367 = arith.index_cast %parallel_loop3A_365 : i32 to index
      %parallel_loop3A_368 = arith.constant 0 : index
      %parallel_loop3A_369 = tpu.vector_load %arg4[%parallel_loop3A_367, %parallel_loop3A_368] {strides = array<i32>} : memref<80x115xf32, #tpu.memory_space<vmem>>, vector<16xf32>,
      tpu.vector_store_idx %arg6[%parallel_loop3A_366, %select_n3A_47], %parallel_loop3A_369 : memref<80x368xf32, #tpu.memory_space<vmem>>[vector<16xi32>, vector<16xi32>], vector<16xf32>,
      %parallel_loop3A_370 = arith.index_cast %parallel_loop3A_365 : i32 to index
      %parallel_loop3A_371 = arith.constant 16 : index
      %parallel_loop3A_372 = tpu.vector_load %arg4[%parallel_loop3A_370, %parallel_loop3A_371] {strides = array<i32>} : memref<80x115xf32, #tpu.memory_space<vmem>>, vector<16xf32>,
      tpu.vector_store_idx %arg6[%parallel_loop3A_366, %select_n3A_70], %parallel_loop3A_372 : memref<80x368xf32, #tpu.memory_space<vmem>>[vector<16xi32>, vector<16xi32>], vector<16xf32>,
      %parallel_loop3A_373 = arith.index_cast %parallel_loop3A_365 : i32 to index
      %parallel_loop3A_374 = arith.constant 32 : index
      %parallel_loop3A_375 = tpu.vector_load %arg4[%parallel_loop3A_373, %parallel_loop3A_374] {strides = array<i32>} : memref<80x115xf32, #tpu.memory_space<vmem>>, vector<16xf32>,
      tpu.vector_store_idx %arg6[%parallel_loop3A_366, %select_n3A_93], %parallel_loop3A_375 : memref<80x368xf32, #tpu.memory_space<vmem>>[vector<16xi32>, vector<16xi32>], vector<16xf32>,
      %parallel_loop3A_376 = arith.index_cast %parallel_loop3A_365 : i32 to index
      %parallel_loop3A_377 = arith.constant 48 : index
      %parallel_loop3A_378 = tpu.vector_load %arg4[%parallel_loop3A_376, %parallel_loop3A_377] {strides = array<i32>} : memref<80x115xf32, #tpu.memory_space<vmem>>, vector<16xf32>,
      tpu.vector_store_idx %arg6[%parallel_loop3A_366, %select_n3A_116], %parallel_loop3A_378 : memref<80x368xf32, #tpu.memory_space<vmem>>[vector<16xi32>, vector<16xi32>], vector<16xf32>,
      %parallel_loop3A_379 = arith.index_cast %parallel_loop3A_365 : i32 to index
      %parallel_loop3A_380 = arith.constant 64 : index
      %parallel_loop3A_381 = tpu.vector_load %arg4[%parallel_loop3A_379, %parallel_loop3A_380] {strides = array<i32>} : memref<80x115xf32, #tpu.memory_space<vmem>>, vector<16xf32>,
      tpu.vector_store_idx %arg6[%parallel_loop3A_366, %select_n3A_139], %parallel_loop3A_381 : memref<80x368xf32, #tpu.memory_space<vmem>>[vector<16xi32>, vector<16xi32>], vector<16xf32>,
      %parallel_loop3A_382 = arith.index_cast %parallel_loop3A_365 : i32 to index
      %parallel_loop3A_383 = arith.constant 80 : index
      %parallel_loop3A_384 = tpu.vector_load %arg4[%parallel_loop3A_382, %parallel_loop3A_383] {strides = array<i32>} : memref<80x115xf32, #tpu.memory_space<vmem>>, vector<16xf32>,
      tpu.vector_store_idx %arg6[%parallel_loop3A_366, %select_n3A_162], %parallel_loop3A_384 : memref<80x368xf32, #tpu.memory_space<vmem>>[vector<16xi32>, vector<16xi32>], vector<16xf32>,
      %parallel_loop3A_385 = arith.index_cast %parallel_loop3A_365 : i32 to index
      %parallel_loop3A_386 = arith.constant 96 : index
      %parallel_loop3A_387 = tpu.vector_load %arg4[%parallel_loop3A_385, %parallel_loop3A_386] {strides = array<i32>} : memref<80x115xf32, #tpu.memory_space<vmem>>, vector<16xf32>,
      tpu.vector_store_idx %arg6[%parallel_loop3A_366, %select_n3A_185], %parallel_loop3A_387 : memref<80x368xf32, #tpu.memory_space<vmem>>[vector<16xi32>, vector<16xi32>], vector<16xf32>,
      %parallel_loop3A_388 = arith.index_cast %parallel_loop3A_365 : i32 to index
      %parallel_loop3A_389 = arith.constant 99 : index
      %parallel_loop3A_390 = tpu.vector_load %arg4[%parallel_loop3A_388, %parallel_loop3A_389] {strides = array<i32>} : memref<80x115xf32, #tpu.memory_space<vmem>>, vector<16xf32>,
      tpu.vector_store_idx %arg6[%parallel_loop3A_366, %select_n3A_208], %parallel_loop3A_390 : memref<80x368xf32, #tpu.memory_space<vmem>>[vector<16xi32>, vector<16xi32>], vector<16xf32>,
    } {sc.loop_unroll_factor = 2 : i64, sc.parallel_access}
    %add3A_302 = arith.constant 14 : i32
    %add3A_303 = arith.addi %mul3A_2, %add3A_302 : i32
    %dma_start3A_304 = arith.constant 160 : i32
    %dma_start3A_305 = arith.constant 0 : i32
    %dma_start3A_306 = tpu.memref_slice %arg3[%add3A_303, %dma_start3A_304, %dma_start3A_305] : memref<480x320x368xf32, #tpu.memory_space<hbm>> -> memref<1x80x368xf32, #tpu.memory_space<hbm>>
    %dma_start3A_307 = tpu.memref_squeeze %dma_start3A_306 : memref<1x80x368xf32, #tpu.memory_space<hbm>> -> memref<80x368xf32, #tpu.memory_space<hbm>>
    %dma_start3A_308 = arith.constant 160 : i32
    %dma_start3A_309 = arith.constant 0 : i32
    %dma_start3A_310 = tpu.memref_slice %arg3[%add3A_303, %dma_start3A_308, %dma_start3A_309] : memref<480x320x368xf32, #tpu.memory_space<hbm>> -> memref<1x80x368xf32, #tpu.memory_space<hbm>>
    %dma_start3A_311 = tpu.memref_squeeze %dma_start3A_310 : memref<1x80x368xf32, #tpu.memory_space<hbm>> -> memref<80x368xf32, #tpu.memory_space<hbm>>
    tpu.enqueue_dma source(%arg6 : memref<80x368xf32, #tpu.memory_space<vmem>>) target(%dma_start3A_311 : memref<80x368xf32, #tpu.memory_space<hbm>>) target_semaphore(%arg10 : memref<!tpu.dma_semaphore, #tpu.memory_space<semaphore_mem>>)
    %add3A_312 = arith.constant 14 : i32
    %add3A_313 = arith.addi %mul3A_2, %add3A_312 : i32
    %dma_wait3A_314 = arith.constant 240 : i32
    %dma_wait3A_315 = arith.constant 0 : i32
    %dma_wait3A_316 = tpu.memref_slice %arg2[%add3A_313, %dma_wait3A_314, %dma_wait3A_315] : memref<480x320x115xf32, #tpu.memory_space<hbm>> -> memref<1x80x115xf32, #tpu.memory_space<hbm>>
    %dma_wait3A_317 = tpu.memref_squeeze %dma_wait3A_316 : memref<1x80x115xf32, #tpu.memory_space<hbm>> -> memref<80x115xf32, #tpu.memory_space<hbm>>
    %dma_wait3A_318 = arith.constant 240 : i32
    %dma_wait3A_319 = arith.constant 0 : i32
    %dma_wait3A_320 = tpu.memref_slice %arg2[%add3A_313, %dma_wait3A_318, %dma_wait3A_319] : memref<480x320x115xf32, #tpu.memory_space<hbm>> -> memref<1x80x115xf32, #tpu.memory_space<hbm>>
    %dma_wait3A_321 = tpu.memref_squeeze %dma_wait3A_320 : memref<1x80x115xf32, #tpu.memory_space<hbm>> -> memref<80x115xf32, #tpu.memory_space<hbm>>
    tpu.wait_dma2 semaphore(%arg9 : memref<!tpu.dma_semaphore, #tpu.memory_space<semaphore_mem>>) src(%dma_wait3A_321 : memref<80x115xf32, #tpu.memory_space<hbm>>) dst(%arg5 : memref<80x115xf32, #tpu.memory_space<vmem>>)
    %add3A_322 = arith.constant 14 : i32
    %add3A_323 = arith.addi %mul3A_2, %add3A_322 : i32
    %dma_wait3A_324 = arith.constant 80 : i32
    %dma_wait3A_325 = arith.constant 0 : i32
    %dma_wait3A_326 = tpu.memref_slice %arg3[%add3A_323, %dma_wait3A_324, %dma_wait3A_325] : memref<480x320x368xf32, #tpu.memory_space<hbm>> -> memref<1x80x368xf32, #tpu.memory_space<hbm>>
    %dma_wait3A_327 = tpu.memref_squeeze %dma_wait3A_326 : memref<1x80x368xf32, #tpu.memory_space<hbm>> -> memref<80x368xf32, #tpu.memory_space<hbm>>
    %dma_wait3A_328 = arith.constant 80 : i32
    %dma_wait3A_329 = arith.constant 0 : i32
    %dma_wait3A_330 = tpu.memref_slice %arg3[%add3A_323, %dma_wait3A_328, %dma_wait3A_329] : memref<480x320x368xf32, #tpu.memory_space<hbm>> -> memref<1x80x368xf32, #tpu.memory_space<hbm>>
    %dma_wait3A_331 = tpu.memref_squeeze %dma_wait3A_330 : memref<1x80x368xf32, #tpu.memory_space<hbm>> -> memref<80x368xf32, #tpu.memory_space<hbm>>
    tpu.wait_dma2 semaphore(%arg11 : memref<!tpu.dma_semaphore, #tpu.memory_space<semaphore_mem>>) src(%arg7 : memref<80x368xf32, #tpu.memory_space<vmem>>) dst(%dma_wait3A_331 : memref<80x368xf32, #tpu.memory_space<hbm>>)
    %parallel_loop3A_332 = arith.constant 0 : i32
    %parallel_loop3A_333 = arith.constant 80 : i32
    %parallel_loop3A_334 = arith.constant 1 : i32
    scf.for %parallel_loop3A_365 = %parallel_loop3A_332 to %parallel_loop3A_333 step %parallel_loop3A_334  : i32 {
      %parallel_loop3A_366 = vector.broadcast %parallel_loop3A_365 : i32 to vector<16xi32>
      %parallel_loop3A_367 = arith.index_cast %parallel_loop3A_365 : i32 to index
      %parallel_loop3A_368 = arith.constant 0 : index
      %parallel_loop3A_369 = tpu.vector_load %arg5[%parallel_loop3A_367, %parallel_loop3A_368] {strides = array<i32>} : memref<80x115xf32, #tpu.memory_space<vmem>>, vector<16xf32>,
      tpu.vector_store_idx %arg7[%parallel_loop3A_366, %select_n3A_47], %parallel_loop3A_369 : memref<80x368xf32, #tpu.memory_space<vmem>>[vector<16xi32>, vector<16xi32>], vector<16xf32>,
      %parallel_loop3A_370 = arith.index_cast %parallel_loop3A_365 : i32 to index
      %parallel_loop3A_371 = arith.constant 16 : index
      %parallel_loop3A_372 = tpu.vector_load %arg5[%parallel_loop3A_370, %parallel_loop3A_371] {strides = array<i32>} : memref<80x115xf32, #tpu.memory_space<vmem>>, vector<16xf32>,
      tpu.vector_store_idx %arg7[%parallel_loop3A_366, %select_n3A_70], %parallel_loop3A_372 : memref<80x368xf32, #tpu.memory_space<vmem>>[vector<16xi32>, vector<16xi32>], vector<16xf32>,
      %parallel_loop3A_373 = arith.index_cast %parallel_loop3A_365 : i32 to index
      %parallel_loop3A_374 = arith.constant 32 : index
      %parallel_loop3A_375 = tpu.vector_load %arg5[%parallel_loop3A_373, %parallel_loop3A_374] {strides = array<i32>} : memref<80x115xf32, #tpu.memory_space<vmem>>, vector<16xf32>,
      tpu.vector_store_idx %arg7[%parallel_loop3A_366, %select_n3A_93], %parallel_loop3A_375 : memref<80x368xf32, #tpu.memory_space<vmem>>[vector<16xi32>, vector<16xi32>], vector<16xf32>,
      %parallel_loop3A_376 = arith.index_cast %parallel_loop3A_365 : i32 to index
      %parallel_loop3A_377 = arith.constant 48 : index
      %parallel_loop3A_378 = tpu.vector_load %arg5[%parallel_loop3A_376, %parallel_loop3A_377] {strides = array<i32>} : memref<80x115xf32, #tpu.memory_space<vmem>>, vector<16xf32>,
      tpu.vector_store_idx %arg7[%parallel_loop3A_366, %select_n3A_116], %parallel_loop3A_378 : memref<80x368xf32, #tpu.memory_space<vmem>>[vector<16xi32>, vector<16xi32>], vector<16xf32>,
      %parallel_loop3A_379 = arith.index_cast %parallel_loop3A_365 : i32 to index
      %parallel_loop3A_380 = arith.constant 64 : index
      %parallel_loop3A_381 = tpu.vector_load %arg5[%parallel_loop3A_379, %parallel_loop3A_380] {strides = array<i32>} : memref<80x115xf32, #tpu.memory_space<vmem>>, vector<16xf32>,
      tpu.vector_store_idx %arg7[%parallel_loop3A_366, %select_n3A_139], %parallel_loop3A_381 : memref<80x368xf32, #tpu.memory_space<vmem>>[vector<16xi32>, vector<16xi32>], vector<16xf32>,
      %parallel_loop3A_382 = arith.index_cast %parallel_loop3A_365 : i32 to index
      %parallel_loop3A_383 = arith.constant 80 : index
      %parallel_loop3A_384 = tpu.vector_load %arg5[%parallel_loop3A_382, %parallel_loop3A_383] {strides = array<i32>} : memref<80x115xf32, #tpu.memory_space<vmem>>, vector<16xf32>,
      tpu.vector_store_idx %arg7[%parallel_loop3A_366, %select_n3A_162], %parallel_loop3A_384 : memref<80x368xf32, #tpu.memory_space<vmem>>[vector<16xi32>, vector<16xi32>], vector<16xf32>,
      %parallel_loop3A_385 = arith.index_cast %parallel_loop3A_365 : i32 to index
      %parallel_loop3A_386 = arith.constant 96 : index
      %parallel_loop3A_387 = tpu.vector_load %arg5[%parallel_loop3A_385, %parallel_loop3A_386] {strides = array<i32>} : memref<80x115xf32, #tpu.memory_space<vmem>>, vector<16xf32>,
      tpu.vector_store_idx %arg7[%parallel_loop3A_366, %select_n3A_185], %parallel_loop3A_387 : memref<80x368xf32, #tpu.memory_space<vmem>>[vector<16xi32>, vector<16xi32>], vector<16xf32>,
      %parallel_loop3A_388 = arith.index_cast %parallel_loop3A_365 : i32 to index
      %parallel_loop3A_389 = arith.constant 99 : index
      %parallel_loop3A_390 = tpu.vector_load %arg5[%parallel_loop3A_388, %parallel_loop3A_389] {strides = array<i32>} : memref<80x115xf32, #tpu.memory_space<vmem>>, vector<16xf32>,
      tpu.vector_store_idx %arg7[%parallel_loop3A_366, %select_n3A_208], %parallel_loop3A_390 : memref<80x368xf32, #tpu.memory_space<vmem>>[vector<16xi32>, vector<16xi32>], vector<16xf32>,
    } {sc.loop_unroll_factor = 2 : i64, sc.parallel_access}
    %add3A_335 = arith.constant 14 : i32
    %add3A_336 = arith.addi %mul3A_2, %add3A_335 : i32
    %dma_start3A_337 = arith.constant 240 : i32
    %dma_start3A_338 = arith.constant 0 : i32
    %dma_start3A_339 = tpu.memref_slice %arg3[%add3A_336, %dma_start3A_337, %dma_start3A_338] : memref<480x320x368xf32, #tpu.memory_space<hbm>> -> memref<1x80x368xf32, #tpu.memory_space<hbm>>
    %dma_start3A_340 = tpu.memref_squeeze %dma_start3A_339 : memref<1x80x368xf32, #tpu.memory_space<hbm>> -> memref<80x368xf32, #tpu.memory_space<hbm>>
    %dma_start3A_341 = arith.constant 240 : i32
    %dma_start3A_342 = arith.constant 0 : i32
    %dma_start3A_343 = tpu.memref_slice %arg3[%add3A_336, %dma_start3A_341, %dma_start3A_342] : memref<480x320x368xf32, #tpu.memory_space<hbm>> -> memref<1x80x368xf32, #tpu.memory_space<hbm>>
    %dma_start3A_344 = tpu.memref_squeeze %dma_start3A_343 : memref<1x80x368xf32, #tpu.memory_space<hbm>> -> memref<80x368xf32, #tpu.memory_space<hbm>>
    tpu.enqueue_dma source(%arg7 : memref<80x368xf32, #tpu.memory_space<vmem>>) target(%dma_start3A_344 : memref<80x368xf32, #tpu.memory_space<hbm>>) target_semaphore(%arg11 : memref<!tpu.dma_semaphore, #tpu.memory_space<semaphore_mem>>)
    %add3A_345 = arith.constant 14 : i32
    %add3A_346 = arith.addi %mul3A_2, %add3A_345 : i32
    %dma_wait3A_347 = arith.constant 160 : i32
    %dma_wait3A_348 = arith.constant 0 : i32
    %dma_wait3A_349 = tpu.memref_slice %arg3[%add3A_346, %dma_wait3A_347, %dma_wait3A_348] : memref<480x320x368xf32, #tpu.memory_space<hbm>> -> memref<1x80x368xf32, #tpu.memory_space<hbm>>
    %dma_wait3A_350 = tpu.memref_squeeze %dma_wait3A_349 : memref<1x80x368xf32, #tpu.memory_space<hbm>> -> memref<80x368xf32, #tpu.memory_space<hbm>>
    %dma_wait3A_351 = arith.constant 160 : i32
    %dma_wait3A_352 = arith.constant 0 : i32
    %dma_wait3A_353 = tpu.memref_slice %arg3[%add3A_346, %dma_wait3A_351, %dma_wait3A_352] : memref<480x320x368xf32, #tpu.memory_space<hbm>> -> memref<1x80x368xf32, #tpu.memory_space<hbm>>
    %dma_wait3A_354 = tpu.memref_squeeze %dma_wait3A_353 : memref<1x80x368xf32, #tpu.memory_space<hbm>> -> memref<80x368xf32, #tpu.memory_space<hbm>>
    tpu.wait_dma2 semaphore(%arg10 : memref<!tpu.dma_semaphore, #tpu.memory_space<semaphore_mem>>) src(%arg6 : memref<80x368xf32, #tpu.memory_space<vmem>>) dst(%dma_wait3A_354 : memref<80x368xf32, #tpu.memory_space<hbm>>)
    %add3A_355 = arith.constant 14 : i32
    %add3A_356 = arith.addi %mul3A_2, %add3A_355 : i32
    %dma_wait3A_357 = arith.constant 240 : i32
    %dma_wait3A_358 = arith.constant 0 : i32
    %dma_wait3A_359 = tpu.memref_slice %arg3[%add3A_356, %dma_wait3A_357, %dma_wait3A_358] : memref<480x320x368xf32, #tpu.memory_space<hbm>> -> memref<1x80x368xf32, #tpu.memory_space<hbm>>
    %dma_wait3A_360 = tpu.memref_squeeze %dma_wait3A_359 : memref<1x80x368xf32, #tpu.memory_space<hbm>> -> memref<80x368xf32, #tpu.memory_space<hbm>>
    %dma_wait3A_361 = arith.constant 240 : i32
    %dma_wait3A_362 = arith.constant 0 : i32
    %dma_wait3A_363 = tpu.memref_slice %arg3[%add3A_356, %dma_wait3A_361, %dma_wait3A_362] : memref<480x320x368xf32, #tpu.memory_space<hbm>> -> memref<1x80x368xf32, #tpu.memory_space<hbm>>
    %dma_wait3A_364 = tpu.memref_squeeze %dma_wait3A_363 : memref<1x80x368xf32, #tpu.memory_space<hbm>> -> memref<80x368xf32, #tpu.memory_space<hbm>>
    tpu.wait_dma2 semaphore(%arg11 : memref<!tpu.dma_semaphore, #tpu.memory_space<semaphore_mem>>) src(%arg7 : memref<80x368xf32, #tpu.memory_space<vmem>>) dst(%dma_wait3A_364 : memref<80x368xf32, #tpu.memory_space<hbm>>)
    return
  }
}

</mosaic_0001>

<sc_bundles>
// kernel: _sc_zero_fill.3.cloned.1.call-start
scs
__scs_entry_jumppad:
0x0: {  	(pc) =	sbr.rel $0x88, $3  }
0x1: {  	(tag) =	ssettag $0x0;
	lr =	simm.s32 $0x1  }
0x2: {  	[smem:$0x3FA0] =	sst lr;
	_ =	strace $0xD0000000  }
0x3: {  	_ = 	snop  }
0x4: {  	_ = 	snop  }
0x5: {  	_ = 	snop  }
0x6: {  	_ = 	snop  }
0x7: {  	_ = 	snop  }
__scs_overlays_trampoline_lowered:
0x8: {  	[smem:$0x3FAF] =	sst s0  }
0x9: {  	[smem:$0x3FB0] =	sst s1  }
0xa: {  	[smem:$0x3FB1] =	sst s2  }
0xb: {  	[smem:$0x3FB2] =	sst s3  }
0xc: {  	[smem:$0x3FB3] =	sst s4  }
0xd: {  	[smem:$0x3FB4] =	sst s5  }
0xe: {  	[smem:$0x3FB5] =	sst s6  }
0xf: {  	[smem:$0x3FB6] =	sst s7  }
0x10: {  	[smem:$0x3FB7] =	sst s8  }
0x11: {  	[smem:$0x3FB8] =	sst s9;
	s0 =	simm.s32 @!p0 $0x0  }
0x12: {  	s1 =	sld [smem:$0x3F9E];
	s0 =	simm.s32 @p0 $0x1  }
0x13: {  	[smem:$0x3FB9] =	sst s0;
	s0 =	simm.s32 @!p1 $0x0  }
0x14: {  	s2 =	sld [smem:$0x3F9D];
	s0 =	simm.s32 @p1 $0x1  }
0x15: {  	[smem:$0x3FBA] =	sst s0;
	s0 =	simm.s32 @!p2 $0x0  }
0x16: {  	s3 =	sld [smem:$0x3FDB];
	s0 =	simm.s32 @p2 $0x1  }
0x17: {  	s4 =	simm.s32 $0x1BF5;
	[smem:$0x3FBC] =	sst s0  }
0x18: {  	s0 =	sld [smem:$0x3F9F];
	_ =	swait.ge [sflag:s4], $0x0  }
0x19: {  	s7 =	sld [smem:$0x3FA0]  }
0x1a: {  	s8 =	sadd.s32 $0xFFFFE003, lr  }
0x1b: {  	s9 =	sadd.s32 $0xFFFFFEF7, lr;
	s5 =	simm.s32 $0xFFFFFFFF;
	p2 =	slt.u32 s8, $0xFFFFF086  }
0x1c: {  	p1 =	slt.u32 s9, $0xF7A;
	s5 =	simm.s32 @!p2 $0x0  }
0x1d: {  	s5 =	simm.s32 @p1 $0x1;
	p0 =	seq.s32 s7, s2  }
0x1e: {  	s7 =	smul.u32 @!p0 $0xF7A, s2;
	p2 =	seq.s32 @!p0 s5, $0x0  }
0x1f: {  	s9 =	smul.u32 $0xF7A, s1;
	s8 =	simm.s32 @!p0 $0x1BF5;
	p2 =	por !p2, p0  }
0x20: {  	[sflag:s8] =	ssyncset.s32 @!p0 $0xFFFFF086;
	s6 =	sadd.s32 @!p0 s3, s7;
	s7 =	simm.s32 @!p0 $0x108  }
0x21: {  	s3 =	sadd.s32 s3, s9;
	s6 =	sadd.s32 @!p0 $0x88, s6;
	s7 =	simm.s32 @p2 $0x1082  }
0x22: {  	[simem:s7], [sflag:s8] =	dma.local @!p0 [hbm:s6], $0xF7A  }
0x23: {  	s9 =	sor.u32 $0xD0000000, s2;
	s6 =	simm.s32 $0x108;
	_ =	swait.ge @!p0 [sflag:s8], $0x0  }
0x24: {  	s3 =	sadd.s32 $0x88, s3;
	s6 =	simm.s32 @!p1 $0x1082;
	[sflag:s4] =	ssyncset.s32 $0xFFFFF086  }
0x25: {  	[simem:s6], [sflag:s4] =	dma.local [hbm:s3], $0xF7A  }
0x26: {  	[smem:$0x3FA0] =	sst s1;
	(tag) =	ssettag s2;
	_ =	strace s9  }
0x27: {  	s1 =	sld [smem:$0x3FB0]  }
0x28: {  	s2 =	sld [smem:$0x3FB1]  }
0x29: {  	s4 =	sld [smem:$0x3FB3]  }
0x2a: {  	p0 =	seq.s32 s5, $0x0;
	s5 =	sld [smem:$0x3FB4]  }
0x2b: {  	s6 =	sld [smem:$0x3FB5]  }
0x2c: {  	s7 =	sld [smem:$0x3FB6]  }
0x2d: {  	s3 =	simm.s32 $0x108;
	s8 =	sld [smem:$0x3FB7]  }
0x2e: {  	s3 =	simm.s32 @!p0 $0x1082;
	s9 =	sld [smem:$0x3FB8]  }
0x2f: {  	lr =	sadd.s32 s0, s3;
	s0 =	sld [smem:$0x3FAF]  }
0x30: {  	s3 =	sld [smem:$0x3FB2]  }
0x31: {  	[smem:$0x3FBB] =	sst s10  }
0x32: {  	s10 =	sld [smem:$0x3FB9];
	_ =	sdelay $0x3  }
0x33: {  	p0 =	seq.s32 s10, $0x1;
	s10 =	sld [smem:$0x3FBB];
	_ =	sdelay $0x3  }
0x34: {  	[smem:$0x3FBB] =	sst s10  }
0x35: {  	s10 =	sld [smem:$0x3FBA];
	_ =	sdelay $0x3  }
0x36: {  	p1 =	seq.s32 s10, $0x1;
	s10 =	sld [smem:$0x3FBB];
	_ =	sdelay $0x3  }
0x37: {  	[smem:$0x3FBB] =	sst s10  }
0x38: {  	s10 =	sld [smem:$0x3FBC]  }
0x39: {  	_ = 	snop;
	(pc) =	sbr.ind lr, $3  }
0x3a: {  	_ = 	snop  }
0x3b: {  	_ = 	snop  }
0x3c: {  	p2 =	seq.s32 s10, $0x1;
	s10 =	sld [smem:$0x3FBB]  }
0x3d: {  	_ =	shalt  }
0x3e: {  	_ =	shalt  }
0x3f: {  	_ =	shalt  }
0x40: {  	_ =	shalt  }
0x41: {  	_ =	shalt  }
0x42: {  	_ =	shalt  }
0x43: {  	_ =	shalt  }
0x44: {  	_ =	shalt  }
0x45: {  	_ =	shalt  }
0x46: {  	_ =	shalt  }
0x47: {  	_ =	shalt  }
0x48: {  	_ =	shalt  }
0x49: {  	_ =	shalt  }
0x4a: {  	_ =	shalt  }
0x4b: {  	_ =	shalt  }
0x4c: {  	_ =	shalt  }
0x4d: {  	_ =	shalt  }
0x4e: {  	_ =	shalt  }
0x4f: {  	_ =	shalt  }
0x50: {  	_ =	shalt  }
0x51: {  	_ =	shalt  }
0x52: {  	_ =	shalt  }
0x53: {  	_ =	shalt  }
0x54: {  	_ =	shalt  }
0x55: {  	_ =	shalt  }
0x56: {  	_ =	shalt  }
0x57: {  	_ =	shalt  }
0x58: {  	_ =	shalt  }
0x59: {  	_ =	shalt  }
0x5a: {  	_ =	shalt  }
0x5b: {  	_ =	shalt  }
0x5c: {  	_ =	shalt  }
0x5d: {  	_ =	shalt  }
0x5e: {  	_ =	shalt  }
0x5f: {  	_ =	shalt  }
0x60: {  	_ =	shalt  }
0x61: {  	_ =	shalt  }
0x62: {  	_ =	shalt  }
0x63: {  	_ =	shalt  }
0x64: {  	_ =	shalt  }
0x65: {  	_ =	shalt  }
0x66: {  	_ =	shalt  }
0x67: {  	_ =	shalt  }
0x68: {  	_ =	shalt  }
0x69: {  	_ =	shalt  }
0x6a: {  	_ =	shalt  }
0x6b: {  	_ =	shalt  }
0x6c: {  	_ =	shalt  }
0x6d: {  	_ =	shalt  }
0x6e: {  	_ =	shalt  }
0x6f: {  	_ =	shalt  }
0x70: {  	_ =	shalt  }
0x71: {  	_ =	shalt  }
0x72: {  	_ =	shalt  }
0x73: {  	_ =	shalt  }
0x74: {  	_ =	shalt  }
0x75: {  	_ =	shalt  }
0x76: {  	_ =	shalt  }
0x77: {  	_ =	shalt  }
0x78: {  	_ =	shalt  }
0x79: {  	_ =	shalt  }
0x7a: {  	_ =	shalt  }
0x7b: {  	_ =	shalt  }
0x7c: {  	_ =	shalt  }
0x7d: {  	_ =	shalt  }
0x7e: {  	_ =	shalt  }
0x7f: {  	_ =	shalt  }
0x80: {  	_ =	shalt  }
0x81: {  	_ =	shalt  }
0x82: {  	_ =	shalt  }
0x83: {  	_ =	shalt  }
0x84: {  	_ =	shalt  }
0x85: {  	_ =	shalt  }
0x86: {  	_ =	shalt  }
0x87: {  	_ =	shalt  }
.Lfunc_end0:
.L_simem_size_0:
called_computation_lowered:
.L_overlay_start_0:
0x88: {  	s2 =	sld [smem:$0x3FD9]  }
0x89: {  	s3 =	sld [smem:$0x3FFE];
	_ =	sdelay $0x1  }
0x8a: {  	s1 =	srdreg.scid  }
0x8b: {  	s0 =	sand.u32 $0x1, s1  }
0x8c: {  	s17 =	sshll.u32 s0, $0xA;
	s2 =	sadd.s32 s3, s2  }
0x8d: {  	s2 =	sadd.s32 s2, s17  }
0x8e: {  	[smem:$0x3FC7] =	sst s2  }
0x8f: {  	_ = 	snop  }
0x90: {  	s2 =	sld [smem:$0x3FD0];
	(tm) =	ssettm $0x1  }
0x91: {  	s18 =	sld [smem:$0x3FFB];
	_ =	sdelay $0x3  }
0x92: {  	_ =	strace s18  }
0x93: {  	s3 =	sld [smem:$0x3FFC];
	_ =	sdelay $0x3  }
0x94: {  	_ =	strace s3  }
0x95: {  	s3 =	sld [smem:$0x3FFD];
	_ =	sdelay $0x3  }
0x96: {  	_ =	strace s3  }
0x97: {  	_ =	strace $0x8FFFFFFF  }
0x98: {  	s19 =	sld [smem:$0x3FDB];
	_ =	sdelay $0x1  }
0x99: {  	s4 =	simm.s32 $_scs_section_size  }
0x9a: {  	s5 =	simm.s32 $_size__tile_overlayer_lowered;
	s6 =	simm.s32 $_tile_overlayer_lowered  }
0x9b: {  	s22 =	simm.s32 $0x1BFF;
	s21 =	sshll.u32 s6, $0x1;
	s3 =	sadd.s32 s4, s19  }
0x9c: {  	s7 =	simm.s32 $0x0;
	s20 =	sshll.u32 s5, $0x1;
	s5 =	sadd.s32 s21, s3  }
0x9d: {  	[timem:s7], [sflag:s22] =	dma.local [hbm:s5], s20  }
0x9e: {  	_ =	swait.ge [sflag:s22], s20  }
0x9f: {  	s4 =	ssub.s32 $0x0, s20;
	[sflag:s22] =	ssyncset.done $0x0  }
0xa0: {  	[sflag:s22] =	ssyncadd.s32 s4;
	_ =	sdelay $0x1  }
0xa1: {  	s23 =	simm.s32 $0x1B8B  }
0xa2: {  	_ =	swait.ge [sflag:s23], $0x1  }
0xa3: {  	[sflag:s23] =	ssyncset.done $0x0  }
0xa4: {  	s25 =	simm.s32 $0x1B8E;
	s24 =	sld [smem:$0x3FFE];
	[sflag:s23] =	ssyncadd.s32 $0xFFFFFFFF  }
0xa5: {  	s26 =	simm.s32 $execute0_lowered;
	[smem:$0x3FD2] =	sst s25  }
0xa6: {  	s5 =	sshll.u32 s26, $0x1;
	_ =	strace $0x80000046;
	[dreg:$0x1] =	wrdreg $0xFFFFFFFF  }
0xa7: {  	s28 =	simm.s32 $_size_execute0_lowered;
	s3 =	sadd.s32 s3, s5;
	[dreg:$0x0] =	wrdreg $0x0  }
0xa8: {  	s5 =	sshll.u32 s28, $0x1;
	[dreg:$0x2] =	wrdreg s3  }
0xa9: {  	[dreg:$0x3] =	wrdreg s5  }
0xaa: {  	[dreg:$0x4] =	wrdreg $0xC0  }
0xab: {  	_ =	task [dreg:s7], $0x5FFFF  }
0xac: {  	[dreg:$0x1] =	wrdreg $0xFFFFFFFF  }
0xad: {  	[dreg:$0x0] =	wrdreg $0x60  }
0xae: {  	[dreg:$0x2] =	wrdreg s24  }
0xaf: {  	[dreg:$0x3] =	wrdreg s2  }
0xb0: {  	[dreg:$0x4] =	wrdreg $0x9  }
0xb1: {  	_ =	task.clear_ibuf [dreg:s7], $0x5FFFF;
	_ =	strace $0x90000046  }
0xb2: {  	s29 =	simm.s32 $0x9;
	_ =	strace $0x80000048  }
0xb3: {  	_ =	swait.ge [sflag:s29], $0x1  }
0xb4: {  	[sflag:s29] =	ssyncadd.s32 $0xFFFFFFFF  }
0xb5: {  	_ =	strace $0x90000048  }
0xb6: {  	_ =	sfence  }
0xb7: {  	s30 =	sld [smem:$0x0];
	_ =	sdelay $0x2  }
0xb8: {  	s31 =	sshll.u32 s1, $0xD;
	s1 =	sshrl.u32 s1, $0x2  }
0xb9: {  	s3 =	sand.u32 $0x4000, s31;
	s1 =	sadd.s32 s1, s30  }
0xba: {  	s0 =	sor.u32 s3, s0;
	s1 =	sshll.u32 s1, $0x11  }
0xbb: {  	s0 =	sor.u32 s1, s0  }
0xbc: {  	s0 =	sadd.s32 $0x8F2B, s0  }
0xbd: {  	[sflag:s0] =	ssyncadd.remote.s32 $0x1  }
0xbe: {  	_ =	sfence.sel $0xFFFF  }
0xbf: {  	[dreg:$0x0] =	wrdreg $0xFFFFFFFF;
	(pc) =	sbr.abs _section_cstart, $3  }
0xc0: {  	[dreg:$0x1] =	wrdreg $0xFFFFFFFF  }
0xc1: {  	_ =	task.clear_ibuf [dreg:s7], $0x2FFFF;
	_ =	strace $0x9FFFFFFF  }
0xc2: {  	(tm) =	ssettm $0x7FFFFFFF  }
0xc3: {  	_ =	shalt  }
tec
execute0_lowered:
.L_overlay_start_1:
0x0: {  	(tag) =	ssettag $0x1  }
0x1: {  	v0 =	vimm.f32 $0.0e+00;
	v11 =	vlaneseq.u32  }
0x2: {  	v2 =	vimm.s32 $0x29282420;
	v3 =	vimm.s32 $0x2D2C2B2A;
	vm0 =	vcmask $0x1F10  }
0x3: {  	v5 =	vimm.s32 $0x1C181410;
	v6 =	vimm.s32 $0x504C4846;
	v8 =	vimm.s32 $0x41403F3E  }
0x4: {  	v9 =	vimm.s32 $0x45444342;
	vm1 =	vcmask $0x1B00;
	vm15 =	vcmask $0x300  }
0x5: {  	vm4 =	vcmask $0x704;
	v12 =	vimm.s32 $0x7C7874;
	vm8 =	vcmask $0xB08  }
0x6: {  	vm7 =	vcmask $0xF0C;
	vm6 =	vcmask $0x1310;
	vm5 =	vcmask $0x1714  }
0x7: {  	vm3 =	vcmask $0x1B18;
	vm2 =	vcmask $0x1F1C;
	vm9 =	vcmask $0x2320  }
0x8: {  	v13 =	vimm.s32 $0x820;
	vm10 =	vcmask $0x2724;
	vm11 =	vcmask $0x2B28  }
0x9: {  	vm12 =	vcmask $0x2F2C;
	vm13 =	vcmask $0x3330;
	vm14 =	vcmask $0x3734  }
0xa: {  	v1 =	vmul.u32 $0x4, v11;
	v4 =	vunpack.c.0.s8.s32 v2;
	v3 =	vunpack.c.0.s8.s32 v3  }
0xb: {  	v2 =	vimm.s32 $0xC080400;
	v5 =	vunpack.c.0.s8.s32 v5;
	v6 =	vunpack.c.0.s8.s32 v6  }
0xc: {  	v8 =	vunpack.c.0.s8.s32 v8;
	v9 =	vunpack.c.0.s8.s32 v9;
	v12 =	vunpack.c.0.s8.s32 v12  }
0xd: {  	v13 =	vsel vm15, $0x464, v13;
	v7 =	vunpack.c.0.s8.s32 v2;
	v2 =	vimm.s32 $0x605C5854  }
0xe: {  	v13 =	vsel vm4, $0x468, v13;
	v10 =	vunpack.c.0.s8.s32 v2;
	v2 =	vor.u32 $0x40, v1  }
0xf: {  	v3 =	vsel vm0, v3, v4;
	v13 =	vsel vm8, $0x46C, v13;
	v14 =	vadd.s32 $0x824, v1  }
0x10: {  	v15 =	vadd.s32 $0x830, v1;
	v4 =	vsel vm0, v5, v7;
	v7 =	vimm.s32 $0x100C0804  }
0x11: {  	v13 =	vsel vm7, $0x470, v13;
	v3 =	vcombine.low v4, v3;
	v5 =	vsel vm0, v10, v6  }
0x12: {  	v6 =	vsel vm0, v9, v8;
	v4 =	vadd.s32 $0x2E, v11;
	v8 =	vimm.s32 $0x201C1814  }
0x13: {  	v7 =	vunpack.c.0.s8.s32 v7;
	v9 =	vimm.s32 $0x706C6864;
	v10 =	vimm.s32 $0x42D  }
0x14: {  	v13 =	vsel vm6, $0x474, v13;
	v11 =	vadd.s32 $0x42E, v11;
	v9 =	vunpack.c.0.s8.s32 v9  }
0x15: {  	v5 =	vcombine.low v6, v5;
	v6 =	vimm.s32 $0x800;
	v8 =	vunpack.c.0.s8.s32 v8  }
0x16: {  	v10 =	vsel vm15, $0x400, v10;
	v9 =	vsel vm0, v12, v9;
	v12 =	vimm.s32 $0x460  }
0x17: {  	v13 =	vsel vm5, $0x478, v13;
	v6 =	vsel vm1, $0x400, v6;
	v12 =	vsel vm15, $0x43E, v12  }
0x18: {  	v10 =	vsel vm4, $0x404, v10;
	v13 =	vsel vm3, $0x47C, v13;
	v12 =	vsel vm4, $0x43F, v12  }
0x19: {  	s1 =	srdreg.scid;
	v10 =	vsel vm8, $0x408, v10;
	v7 =	vsel vm0, v8, v7;
	v12 =	vsel vm8, $0x440, v12  }
0x1a: {  	s0 =	stileid.u32;
	s4 =	rddreg [dreg:$0x0];
	v13 =	vsel vm2, $0x800, v13;
	v8 =	vsel vm7, $0x40C, v10;
	v12 =	vsel vm7, $0x441, v12  }
0x1b: {  	s2 =	rddreg [dreg:$0x1];
	s3 =	simm.s32 $0x0;
	s15 =	simm.s32 $0x2800;
	v7 =	vcombine.low v9, v7;
	v8 =	vsel vm6, $0x410, v8;
	v12 =	vsel vm6, $0x442, v12  }
0x1c: {  	s16 =	simm.s32 $0x1;
	s17 =	simm.s32 $0x5000;
	s18 =	simm.s32 $0x2;
	v13 =	vsel vm9, $0x804, v13;
	v9 =	vsel vm5, $0x414, v8;
	v12 =	vsel vm5, $0x443, v12  }
0x1d: {  	s19 =	simm.s32 $0xC800;
	s5 =	sand.u32 $0x1, s1;
	s31 =	sshll.u32 s0, $0x1;
	vm15 =	vcmask $0x3B38;
	v10 =	vsel vm3, $0x418, v9;
	v12 =	vsel vm3, $0x444, v12  }
0x1e: {  	s20 =	simm.s32 $0x3;
	s21 =	simm.s32 $0x4;
	s6 =	sor.u32 s5, s31;
	v13 =	vsel vm10, $0x808, v13;
	v10 =	vsel vm2, $0x41C, v10;
	v12 =	vsel vm2, $0x445, v12  }
0x1f: {  	s22 =	simm.s32 $0x0;
	s5 =	ssub.s32 $0x2, s5;
	s7 =	smul.u32 $0x96000, s6;
	v8 =	vadd.s32 $0x24, v1;
	v10 =	vsel vm9, $0x420, v10;
	v12 =	vsel vm9, $0x446, v12  }
0x20: {  	[smem:$0x7FF] =	sst s3;
	s8 =	smul.u32 $0x1C2000, s6;
	s9 =	sshrl.u32 s5, $0x1;
	v13 =	vsel vm11, $0x80C, v13;
	v10 =	vsel vm10, $0x424, v10;
	v12 =	vsel vm10, $0x448, v12  }
0x21: {  	s4 =	sadd.s32 $0x400, s4;
	_ =	strace $0x80000047;
	s14 =	ssub.s32 s5, s9;
	v9 =	vadd.s32 $0x30, v1;
	v10 =	vsel vm11, $0x428, v10;
	v12 =	vsel vm11, $0x44C, v12  }
0x22: {  	s5 =	smul.u32 $0xF, s6;
	s7 =	sshrl.u32 s7, $0x3;
	s8 =	sshrl.u32 s8, $0x3;
	v13 =	vsel vm12, $0x810, v13;
	v10 =	vsel vm12, $0x429, v10;
	v12 =	vsel vm12, $0x450, v12  }
0x23: {  	s14 =	smax.u32 s14, $0x1;
	s6 =	sadd.s32 s4, s7;
	s7 =	sadd.s32 s2, s8;
	v13 =	vsel vm13, $0x814, v13;
	v10 =	vsel vm13, $0x42A, v10;
	v12 =	vsel vm13, $0x454, v12  }
0x24: {  	s8 =	sadd.s32 $0x500, s6;
	s9 =	sadd.s32 $0xA00, s6;
	s10 =	sadd.s32 $0xF00, s7;
	v13 =	vsel vm14, $0x818, v13;
	v10 =	vsel vm14, $0x42B, v10;
	v12 =	vsel vm14, $0x458, v12  }
0x25: {  	s11 =	sadd.s32 $0xF00, s6;
	s12 =	sadd.s32 $0x36600, s7;
	s13 =	sadd.s32 $0x37500, s7;
	v13 =	vsel vm15, $0x81C, v13;
	v10 =	vsel vm15, $0x42C, v10;
	v12 =	vsel vm15, $0x45C, v12  }
.LBB2_1:
0x26: {  	[tilespmem:s3], [sflag:$0x1] =	stream.linear.gather [hbm4b:s6+s3], $0x2800, $0x38;
	[tilespmem:$0x14000] =	vst v63  }
0x27: {  	s23 =	simm.s32 $0x0  }
0x28: {  	s23 =	smul.u32 $0x3000, s23  }
0x29: {  	[tilespmem:s15], [sflag:$0x2] =	stream.linear.gather [hbm4b:s8+s3], $0x2800, $0x38;
	[tilespmem:$0x14000] =	vst v63  }
0x2a: {  	s25 =	sand.u32 $0x300, s3;
	s23 =	sshra.s32 s23, $0x2  }
0x2b: {  	s24 =	sor.u32 $0x80, s25;
	s26 =	sadd.s32 $0x5000, s23  }
0x2c: {  	s28 =	sor.u32 s24, s26  }
0x2d: {  	[tilespmem:s28+$0x0] =	vst v0  }
0x2e: {  	[tilespmem:s28+$0x10] =	vst v0  }
0x2f: {  	[tilespmem:s28+$0x20] =	vst v0  }
0x30: {  	[tilespmem:s28+$0x30] =	vst v0  }
0x31: {  	[tilespmem:s28+$0x40] =	vst v0  }
0x32: {  	[tilespmem:s28+$0x50] =	vst v0  }
0x33: {  	[tilespmem:s28+$0x60] =	vst v0  }
0x34: {  	s26 =	sor.u32 s25, s26;
	[tilespmem:s28+$0x70] =	vst v0  }
0x35: {  	[tilespmem:s26+$0x0] =	vst v0  }
0x36: {  	[tilespmem:s26+$0x10] =	vst v0  }
0x37: {  	[tilespmem:s26+$0x20] =	vst v0  }
0x38: {  	[tilespmem:s26+$0x30] =	vst v0  }
0x39: {  	[tilespmem:s26+$0x40] =	vst v0  }
0x3a: {  	[tilespmem:s26+$0x50] =	vst v0  }
0x3b: {  	s29 =	sadd.s32 $0x5400, s23;
	[tilespmem:s26+$0x60] =	vst v0  }
0x3c: {  	s28 =	sor.u32 s24, s29;
	[tilespmem:s26+$0x70] =	vst v0  }
0x3d: {  	[tilespmem:s28+$0x0] =	vst v0  }
0x3e: {  	[tilespmem:s28+$0x10] =	vst v0  }
0x3f: {  	[tilespmem:s28+$0x20] =	vst v0  }
0x40: {  	[tilespmem:s28+$0x30] =	vst v0  }
0x41: {  	[tilespmem:s28+$0x40] =	vst v0  }
0x42: {  	[tilespmem:s28+$0x50] =	vst v0  }
0x43: {  	[tilespmem:s28+$0x60] =	vst v0  }
0x44: {  	s29 =	sor.u32 s25, s29;
	[tilespmem:s28+$0x70] =	vst v0  }
0x45: {  	[tilespmem:s29+$0x0] =	vst v0  }
0x46: {  	[tilespmem:s29+$0x10] =	vst v0  }
0x47: {  	[tilespmem:s29+$0x20] =	vst v0  }
0x48: {  	[tilespmem:s29+$0x30] =	vst v0  }
0x49: {  	[tilespmem:s29+$0x40] =	vst v0  }
0x4a: {  	[tilespmem:s29+$0x50] =	vst v0  }
0x4b: {  	s23 =	sadd.s32 $0x5800, s23;
	[tilespmem:s29+$0x60] =	vst v0  }
0x4c: {  	s24 =	sor.u32 s24, s23;
	[tilespmem:s29+$0x70] =	vst v0  }
0x4d: {  	s28 =	sor.u32 s25, s23;
	[tilespmem:s24+$0x60] =	vst v0  }
0x4e: {  	[tilespmem:s28+$0x0] =	vst v0  }
0x4f: {  	[tilespmem:s28+$0x10] =	vst v0  }
0x50: {  	[tilespmem:s28+$0x20] =	vst v0  }
0x51: {  	[tilespmem:s28+$0x30] =	vst v0  }
0x52: {  	[tilespmem:s28+$0x40] =	vst v0  }
0x53: {  	s26 =	simm.s32 $0x0;
	s25 =	simm.s32 $0x0;
	[tilespmem:s28+$0x50] =	vst v0  }
.LBB2_2:
0x54: {  	s25 =	sadd.s32 $0x2, s25;
	[tilespmem:s28+$0x60] =	vst v0  }
0x55: {  	s23 =	sshrl.u32 s25, $0x3;
	p0 =	slt.u32 s25, $0x4E;
	[tilespmem:s24+$0x0] =	vst v0  }
0x56: {  	s23 =	smul.u32 $0x3000, s23;
	[tilespmem:s24+$0x10] =	vst v0  }
0x57: {  	s26 =	sadd.s32 $0x100, s26;
	[tilespmem:s24+$0x20] =	vst v0  }
0x58: {  	s28 =	sand.u32 $0x300, s26;
	s23 =	sshra.s32 s23, $0x2;
	[tilespmem:s24+$0x30] =	vst v0  }
0x59: {  	s30 =	sor.u32 $0x80, s28;
	s29 =	sadd.s32 $0x5000, s23;
	[tilespmem:s24+$0x40] =	vst v0  }
0x5a: {  	s31 =	sor.u32 s28, s29;
	s29 =	sor.u32 s30, s29;
	[tilespmem:s24+$0x50] =	vst v0  }
0x5b: {  	[tilespmem:s29+$0x0] =	vst v0  }
0x5c: {  	[tilespmem:s29+$0x10] =	vst v0  }
0x5d: {  	[tilespmem:s29+$0x20] =	vst v0  }
0x5e: {  	[tilespmem:s29+$0x30] =	vst v0  }
0x5f: {  	[tilespmem:s29+$0x40] =	vst v0  }
0x60: {  	[tilespmem:s29+$0x50] =	vst v0  }
0x61: {  	s24 =	sadd.s32 $0x5400, s23;
	[tilespmem:s29+$0x60] =	vst v0  }
0x62: {  	s1 =	sor.u32 s28, s24;
	s24 =	sor.u32 s30, s24;
	[tilespmem:s29+$0x70] =	vst v0  }
0x63: {  	[tilespmem:s24+$0x0] =	vst v0  }
0x64: {  	[tilespmem:s24+$0x10] =	vst v0  }
0x65: {  	[tilespmem:s24+$0x20] =	vst v0  }
0x66: {  	[tilespmem:s24+$0x30] =	vst v0  }
0x67: {  	[tilespmem:s24+$0x40] =	vst v0  }
0x68: {  	[tilespmem:s24+$0x50] =	vst v0  }
0x69: {  	s23 =	sadd.s32 $0x5800, s23;
	[tilespmem:s24+$0x60] =	vst v0  }
0x6a: {  	s28 =	sor.u32 s28, s23;
	[tilespmem:s24+$0x70] =	vst v0;
	s24 =	sor.u32 s30, s23  }
0x6b: {  	s23 =	simm.s32 $0x0;
	[tilespmem:s24+$0x60] =	vst v0  }
0x6c: {  	[tilespmem:s31+$0x0] =	vst v0  }
0x6d: {  	[tilespmem:s31+$0x10] =	vst v0  }
0x6e: {  	[tilespmem:s31+$0x20] =	vst v0  }
0x6f: {  	[tilespmem:s31+$0x30] =	vst v0  }
0x70: {  	[tilespmem:s31+$0x40] =	vst v0  }
0x71: {  	[tilespmem:s31+$0x50] =	vst v0  }
0x72: {  	[tilespmem:s31+$0x60] =	vst v0  }
0x73: {  	[tilespmem:s31+$0x70] =	vst v0  }
0x74: {  	[tilespmem:s1+$0x0] =	vst v0  }
0x75: {  	[tilespmem:s1+$0x10] =	vst v0  }
0x76: {  	[tilespmem:s1+$0x20] =	vst v0  }
0x77: {  	[tilespmem:s1+$0x30] =	vst v0  }
0x78: {  	[tilespmem:s1+$0x40] =	vst v0  }
0x79: {  	[tilespmem:s1+$0x50] =	vst v0  }
0x7a: {  	[tilespmem:s1+$0x60] =	vst v0  }
0x7b: {  	[tilespmem:s1+$0x70] =	vst v0  }
0x7c: {  	[tilespmem:s28+$0x0] =	vst v0  }
.Ltmp0:
0x7d: {  	[tilespmem:s28+$0x10] =	vst v0;
	(pc) =	sbr.rel @p0 .LBB2_2-.Ltmp0, $4  }
0x7e: {  	[tilespmem:s28+$0x20] =	vst v0  }
0x7f: {  	[tilespmem:s28+$0x30] =	vst v0  }
0x80: {  	[tilespmem:s28+$0x40] =	vst v0  }
0x81: {  	[tilespmem:s28+$0x50] =	vst v0  }
0x82: {  	[tilespmem:s28+$0x60] =	vst v0  }
0x83: {  	[tilespmem:s24+$0x0] =	vst v0;
	s1 =	simm.s32 $0x0  }
0x84: {  	[tilespmem:s24+$0x10] =	vst v0;
	s1 =	smul.u32 $0x3000, s1  }
0x85: {  	[tilespmem:s24+$0x20] =	vst v0  }
0x86: {  	[tilespmem:s24+$0x30] =	vst v0;
	s26 =	sand.u32 $0x300, s23;
	s1 =	sshra.s32 s1, $0x2  }
0x87: {  	[tilespmem:s24+$0x40] =	vst v0;
	s25 =	sor.u32 $0x80, s26;
	s28 =	sadd.s32 $0xC800, s1  }
0x88: {  	[tilespmem:s24+$0x50] =	vst v0;
	s30 =	sor.u32 s25, s28  }
0x89: {  	[tilespmem:s30+$0x0] =	vst v0  }
0x8a: {  	[tilespmem:s30+$0x10] =	vst v0  }
0x8b: {  	[tilespmem:s30+$0x20] =	vst v0  }
0x8c: {  	[tilespmem:s30+$0x30] =	vst v0  }
0x8d: {  	[tilespmem:s30+$0x40] =	vst v0  }
0x8e: {  	[tilespmem:s30+$0x50] =	vst v0  }
0x8f: {  	s29 =	sadd.s32 $0xCC00, s1;
	[tilespmem:s30+$0x60] =	vst v0  }
0x90: {  	s31 =	sor.u32 s25, s29;
	[tilespmem:s30+$0x70] =	vst v0  }
0x91: {  	[tilespmem:s31+$0x0] =	vst v0  }
0x92: {  	[tilespmem:s31+$0x10] =	vst v0  }
0x93: {  	[tilespmem:s31+$0x20] =	vst v0  }
0x94: {  	[tilespmem:s31+$0x30] =	vst v0  }
0x95: {  	[tilespmem:s31+$0x40] =	vst v0  }
0x96: {  	[tilespmem:s31+$0x50] =	vst v0  }
0x97: {  	[tilespmem:s31+$0x60] =	vst v0  }
0x98: {  	s30 =	sor.u32 s26, s28;
	[tilespmem:s31+$0x70] =	vst v0  }
0x99: {  	[tilespmem:s30+$0x0] =	vst v0  }
0x9a: {  	[tilespmem:s30+$0x10] =	vst v0  }
0x9b: {  	[tilespmem:s30+$0x20] =	vst v0  }
0x9c: {  	[tilespmem:s30+$0x30] =	vst v0  }
0x9d: {  	[tilespmem:s30+$0x40] =	vst v0  }
0x9e: {  	[tilespmem:s30+$0x50] =	vst v0  }
0x9f: {  	s1 =	sadd.s32 $0xD000, s1;
	[tilespmem:s30+$0x60] =	vst v0  }
0xa0: {  	s25 =	sor.u32 s25, s1;
	[tilespmem:s30+$0x70] =	vst v0  }
0xa1: {  	s31 =	sor.u32 s26, s29;
	[tilespmem:s25+$0x60] =	vst v0  }
0xa2: {  	[tilespmem:s31+$0x0] =	vst v0  }
0xa3: {  	[tilespmem:s31+$0x10] =	vst v0  }
0xa4: {  	[tilespmem:s31+$0x20] =	vst v0  }
0xa5: {  	[tilespmem:s31+$0x30] =	vst v0  }
0xa6: {  	[tilespmem:s31+$0x40] =	vst v0  }
0xa7: {  	[tilespmem:s31+$0x50] =	vst v0  }
0xa8: {  	[tilespmem:s31+$0x60] =	vst v0  }
0xa9: {  	s26 =	sor.u32 s26, s1;
	[tilespmem:s31+$0x70] =	vst v0  }
0xaa: {  	[tilespmem:s26+$0x0] =	vst v0  }
0xab: {  	[tilespmem:s26+$0x10] =	vst v0  }
0xac: {  	[tilespmem:s26+$0x20] =	vst v0  }
0xad: {  	[tilespmem:s26+$0x30] =	vst v0  }
0xae: {  	[tilespmem:s26+$0x40] =	vst v0  }
0xaf: {  	s24 =	simm.s32 $0x0;
	[tilespmem:s26+$0x50] =	vst v0  }
.LBB2_4:
0xb0: {  	s24 =	sadd.s32 $0x2, s24;
	[tilespmem:s26+$0x60] =	vst v0  }
0xb1: {  	s1 =	sshrl.u32 s24, $0x3;
	p0 =	slt.u32 s24, $0x4E;
	[tilespmem:s25+$0x0] =	vst v0  }
0xb2: {  	s1 =	smul.u32 $0x3000, s1;
	[tilespmem:s25+$0x10] =	vst v0  }
0xb3: {  	s23 =	sadd.s32 $0x100, s23;
	[tilespmem:s25+$0x20] =	vst v0  }
0xb4: {  	s26 =	sand.u32 $0x300, s23;
	s1 =	sshra.s32 s1, $0x2;
	[tilespmem:s25+$0x30] =	vst v0  }
0xb5: {  	s29 =	sor.u32 $0x80, s26;
	s28 =	sadd.s32 $0xC800, s1;
	[tilespmem:s25+$0x40] =	vst v0  }
0xb6: {  	s30 =	sor.u32 s26, s28;
	s28 =	sor.u32 s29, s28;
	[tilespmem:s25+$0x50] =	vst v0  }
0xb7: {  	[tilespmem:s28+$0x0] =	vst v0  }
0xb8: {  	[tilespmem:s28+$0x10] =	vst v0  }
0xb9: {  	[tilespmem:s28+$0x20] =	vst v0  }
0xba: {  	[tilespmem:s28+$0x30] =	vst v0  }
0xbb: {  	[tilespmem:s28+$0x40] =	vst v0  }
0xbc: {  	[tilespmem:s28+$0x50] =	vst v0  }
0xbd: {  	s25 =	sadd.s32 $0xCC00, s1;
	[tilespmem:s28+$0x60] =	vst v0  }
0xbe: {  	s31 =	sor.u32 s26, s25;
	s25 =	sor.u32 s29, s25;
	[tilespmem:s28+$0x70] =	vst v0  }
0xbf: {  	[tilespmem:s25+$0x0] =	vst v0  }
0xc0: {  	[tilespmem:s25+$0x10] =	vst v0  }
0xc1: {  	[tilespmem:s25+$0x20] =	vst v0  }
0xc2: {  	[tilespmem:s25+$0x30] =	vst v0  }
0xc3: {  	[tilespmem:s25+$0x40] =	vst v0  }
0xc4: {  	[tilespmem:s25+$0x50] =	vst v0  }
0xc5: {  	s1 =	sadd.s32 $0xD000, s1;
	[tilespmem:s25+$0x60] =	vst v0  }
0xc6: {  	s26 =	sor.u32 s26, s1;
	[tilespmem:s25+$0x70] =	vst v0;
	s25 =	sor.u32 s29, s1  }
0xc7: {  	[tilespmem:s25+$0x60] =	vst v0  }
0xc8: {  	[tilespmem:s30+$0x0] =	vst v0  }
0xc9: {  	[tilespmem:s30+$0x10] =	vst v0  }
0xca: {  	[tilespmem:s30+$0x20] =	vst v0  }
0xcb: {  	[tilespmem:s30+$0x30] =	vst v0  }
0xcc: {  	[tilespmem:s30+$0x40] =	vst v0  }
0xcd: {  	[tilespmem:s30+$0x50] =	vst v0  }
0xce: {  	[tilespmem:s30+$0x60] =	vst v0  }
0xcf: {  	[tilespmem:s30+$0x70] =	vst v0  }
0xd0: {  	[tilespmem:s31+$0x0] =	vst v0  }
0xd1: {  	[tilespmem:s31+$0x10] =	vst v0  }
0xd2: {  	[tilespmem:s31+$0x20] =	vst v0  }
0xd3: {  	[tilespmem:s31+$0x30] =	vst v0  }
0xd4: {  	[tilespmem:s31+$0x40] =	vst v0  }
0xd5: {  	[tilespmem:s31+$0x50] =	vst v0  }
0xd6: {  	[tilespmem:s31+$0x60] =	vst v0  }
0xd7: {  	[tilespmem:s31+$0x70] =	vst v0  }
0xd8: {  	[tilespmem:s26+$0x0] =	vst v0  }
.Ltmp1:
0xd9: {  	[tilespmem:s26+$0x10] =	vst v0;
	(pc) =	sbr.rel @p0 .LBB2_4-.Ltmp1, $4  }
0xda: {  	[tilespmem:s26+$0x20] =	vst v0  }
0xdb: {  	[tilespmem:s26+$0x30] =	vst v0  }
0xdc: {  	[tilespmem:s26+$0x40] =	vst v0  }
0xdd: {  	[tilespmem:s26+$0x50] =	vst v0  }
0xde: {  	[tilespmem:s26+$0x60] =	vst v0  }
0xdf: {  	[tilespmem:s25+$0x0] =	vst v0  }
0xe0: {  	[tilespmem:s25+$0x10] =	vst v0  }
0xe1: {  	[tilespmem:s25+$0x20] =	vst v0  }
0xe2: {  	[tilespmem:s25+$0x30] =	vst v0;
	s1 =	simm.s32 $0x1  }
0xe3: {  	[tilespmem:s25+$0x40] =	vst v0;
	s23 =	simm.s32 $0x0;
	v16 =	vmov s1  }
0xe4: {  	[tilespmem:s25+$0x50] =	vst v0;
	v17 =	vmov s23;
	v18 =	vshrl.u32 v16, $0x3  }
0xe5: {  	_ =	swait.ge [sflag:s16], $0x2800;
	v19 =	vshrl.u32 v17, $0x3;
	v16 =	vshll.u32 v16, $0x7;
	v18 =	vmul.u32 $0xC00, v18  }
0xe6: {  	[sflag:s16] =	ssyncset.done $0x0;
	v17 =	vshll.u32 v17, $0x7;
	v19 =	vmul.u32 $0xC00, v19;
	v16 =	vand.u32 $0x380, v16  }
0xe7: {  	s24 =	simm.s32 $0x80;
	[sflag:s16] =	ssyncadd.s32 $0xFFFFD800;
	v17 =	vand.u32 $0x300, v17;
	v22 =	vor.u32 v16, v18  }
0xe8: {  	v20 =	vor.u32 v17, v19;
	v16 =	vld [tilespmem:s24+$0x0];
	v17 =	vor.u32 v1, v22  }
0xe9: {  	v18 =	vld [tilespmem:s24+$0xFFFFFF80];
	v19 =	vor.u32 v1, v20;
	_ =	sdelay $0x3  }
0xea: {  	[tilespmem:v17+s17+$0x0] =	vst.idx.msk $0xffff, v16  }
0xeb: {  	[tilespmem:v19+s17+$0x0] =	vst.idx.msk $0xffff, v18;
	v17 =	vor.u32 v2, v22;
	v16 =	vld [tilespmem:s24+$0x10]  }
0xec: {  	v19 =	vor.u32 v2, v20;
	v18 =	vld [tilespmem:s24+$0xFFFFFF90];
	_ =	sdelay $0x1  }
0xed: {  	s25 =	simm.s32 $0x2  }
0xee: {  	s26 =	simm.s32 $0x3;
	v21 =	vmov s25  }
0xef: {  	v24 =	vmov s26;
	v23 =	vshrl.u32 v21, $0x3;
	[tilespmem:v17+s17+$0x0] =	vst.idx.msk $0xffff, v16  }
0xf0: {  	v25 =	vadd.s32 v10, v22;
	v16 =	vshrl.u32 v24, $0x3;
	[tilespmem:v19+s17+$0x0] =	vst.idx.msk $0xffff, v18;
	v18 =	vadd.s32 $0x400, v20;
	v19 =	vld [tilespmem:s24+$0x20]  }
0xf1: {  	v17 =	vshll.u32 v24, $0x7;
	v16 =	vmul.u32 $0xC00, v16;
	v24 =	vld [tilespmem:s24+$0xFFFFFFA0];
	v26 =	vor.u32 v3, v18  }
0xf2: {  	v21 =	vshll.u32 v21, $0x7;
	v23 =	vmul.u32 $0xC00, v23;
	v17 =	vand.u32 $0x380, v17  }
0xf3: {  	s23 =	simm.s32 $0x180;
	v21 =	vand.u32 $0x300, v21;
	v16 =	vor.u32 v17, v16  }
0xf4: {  	v17 =	vor.u32 v21, v23;
	v21 =	vld [tilespmem:s23+$0x0];
	v23 =	vor.u32 v1, v16  }
0xf5: {  	v27 =	vld [tilespmem:s23+$0xFFFFFF80];
	v28 =	vor.u32 v1, v17;
	[tilespmem:v25+s17+$0x0] =	vst.idx.msk $0xffff, v19  }
0xf6: {  	[tilespmem:v26+s17+$0x0] =	vst.idx.msk $0xffff, v24;
	v24 =	vadd.s32 v11, v22;
	v19 =	vld [tilespmem:s24+$0x30]  }
0xf7: {  	v26 =	vor.u32 v4, v18;
	v25 =	vld [tilespmem:s24+$0xFFFFFFB0];
	_ =	sdelay $0x1  }
0xf8: {  	[tilespmem:v23+s17+$0x0] =	vst.idx.msk $0xffff, v21  }
0xf9: {  	[tilespmem:v28+s17+$0x0] =	vst.idx.msk $0xffff, v27;
	v23 =	vor.u32 v2, v16;
	v21 =	vld [tilespmem:s23+$0x10]  }
0xfa: {  	v28 =	vor.u32 v2, v17;
	v27 =	vld [tilespmem:s23+$0xFFFFFF90];
	[tilespmem:v24+s17+$0x0] =	vst.idx.msk $0xffff, v19  }
0xfb: {  	[tilespmem:v26+s17+$0x0] =	vst.idx.msk $0xffff, v25;
	v24 =	vadd.s32 v12, v22;
	v19 =	vld [tilespmem:s24+$0x40]  }
0xfc: {  	s29 =	simm.s32 $0x4;
	v18 =	vor.u32 v5, v18;
	v26 =	vld [tilespmem:s24+$0xFFFFFFC0]  }
0xfd: {  	s30 =	simm.s32 $0x5;
	v31 =	vadd.s32 $0x400, v17;
	v25 =	vmov s29  }
0xfe: {  	v30 =	vmov s30;
	v32 =	vor.u32 v3, v31;
	v29 =	vshrl.u32 v25, $0x3;
	[tilespmem:v23+s17+$0x0] =	vst.idx.msk $0xffff, v21  }
0xff: {  	v25 =	vshll.u32 v25, $0x7;
	v21 =	vshrl.u32 v30, $0x3;
	[tilespmem:v28+s17+$0x0] =	vst.idx.msk $0xffff, v27;
	v27 =	vadd.s32 v10, v16;
	v23 =	vld [tilespmem:s23+$0x20]  }
0x100: {  	v29 =	vmul.u32 $0xC00, v29;
	v28 =	vshll.u32 v30, $0x7;
	v21 =	vmul.u32 $0xC00, v21;
	v30 =	vld [tilespmem:s23+$0xFFFFFFA0];
	[tilespmem:v24+s17+$0x0] =	vst.idx.msk $0xffff, v19  }
0x101: {  	v19 =	vand.u32 $0x380, v28;
	[tilespmem:v18+s17+$0x0] =	vst.idx.msk $0xffff, v26;
	v24 =	vadd.s32 v7, v20;
	v28 =	vadd.s32 v13, v22;
	v26 =	vld [tilespmem:s24+$0x50]  }
0x102: {  	s25 =	simm.s32 $0x280;
	v25 =	vand.u32 $0x300, v25;
	v18 =	vor.u32 v19, v21;
	v21 =	vld [tilespmem:s24+$0xFFFFFFD0];
	v24 =	vadd.s32 v6, v24  }
0x103: {  	v19 =	vor.u32 v25, v29;
	v25 =	vld [tilespmem:s25+$0x0];
	v29 =	vor.u32 v1, v18  }
0x104: {  	v33 =	vld [tilespmem:s25+$0xFFFFFF80];
	v34 =	vor.u32 v1, v19;
	[tilespmem:v27+s17+$0x0] =	vst.idx.msk $0xffff, v23  }
0x105: {  	[tilespmem:v32+s17+$0x0] =	vst.idx.msk $0xffff, v30;
	v30 =	vadd.s32 v11, v16;
	v23 =	vld [tilespmem:s23+$0x30]  }
0x106: {  	[tilespmem:v28+s17+$0x0] =	vst.idx.msk $0xffff, v26  }
0x107: {  	v35 =	vor.u32 v4, v31;
	v32 =	vld [tilespmem:s23+$0xFFFFFFB0];
	[tilespmem:v24+s17+$0x0] =	vst.idx.msk $0xffff, v21  }
0x108: {  	v36 =	vadd.s32 v14, v22;
	v20 =	vadd.s32 $0x800, v20;
	v21 =	vld [tilespmem:s24+$0x60];
	[tilespmem:v29+s17+$0x0] =	vst.idx.msk $0xffff, v25  }
0x109: {  	v38 =	vor.u32 v8, v20;
	v37 =	vld [tilespmem:s24+$0xFFFFFFE0];
	[tilespmem:v34+s17+$0x0] =	vst.idx.msk $0xffff, v33  }
0x10a: {  	v28 =	vld [tilespmem:s25+$0x10];
	[tilespmem:v30+s17+$0x0] =	vst.idx.msk $0xffff, v23;
	v30 =	vor.u32 v2, v18  }
0x10b: {  	v29 =	vor.u32 v2, v19;
	v27 =	vld [tilespmem:s25+$0xFFFFFF90]  }
0x10c: {  	s31 =	simm.s32 $0x6;
	v25 =	vadd.s32 v12, v16;
	[tilespmem:v35+s17+$0x0] =	vst.idx.msk $0xffff, v32;
	v23 =	vld [tilespmem:s23+$0x40]  }
0x10d: {  	v63 =	vmov s31;
	v26 =	vor.u32 v5, v31;
	v24 =	vld [tilespmem:s23+$0xFFFFFFC0];
	[tilespmem:v36+s17+$0x0] =	vst.idx.msk $0xffff, v21  }
0x10e: {  	s28 =	simm.s32 $0x7;
	s26 =	simm.s32 $0x8;
	v22 =	vadd.s32 v15, v22;
	v31 =	vshll.u32 v63, $0x7;
	v32 =	vshrl.u32 v63, $0x3;
	[tilespmem:v38+s17+$0x0] =	vst.idx.msk $0xffff, v37;
	v21 =	vld [tilespmem:s24+$0x63]  }
.LBB2_6:
0x10f: {  	p0 =	slt.u32 s26, $0x4E;
	v32 =	vmul.u32 $0xC00, v32;
	v33 =	vmov s28;
	[tilespmem:v30+s17+$0x0] =	vst.idx.msk $0xffff, v28;
	v28 =	vld [tilespmem:s24+$0xFFFFFFE3];
	v20 =	vor.u32 v9, v20;
	v34 =	vmovc v18;
	s24 =	smov.u32 s23;
	s23 =	smov.u32 s25  }
0x110: {  	v35 =	vadd.s32 $0x400, v19;
	v18 =	vshrl.u32 v33, $0x3;
	[tilespmem:v29+s17+$0x0] =	vst.idx.msk $0xffff, v27;
	v27 =	vld [tilespmem:s25+$0x20];
	v29 =	vadd.s32 v10, v34  }
0x111: {  	v30 =	vshll.u32 v33, $0x7;
	v36 =	vor.u32 v3, v35;
	v18 =	vmul.u32 $0xC00, v18;
	v33 =	vld [tilespmem:s25+$0xFFFFFFA0];
	[tilespmem:v25+s17+$0x0] =	vst.idx.msk $0xffff, v23  }
0x112: {  	v23 =	vand.u32 $0x380, v30;
	[tilespmem:v26+s17+$0x0] =	vst.idx.msk $0xffff, v24;
	v24 =	vadd.s32 v7, v17;
	v25 =	vld [tilespmem:s24+$0x50];
	v26 =	vadd.s32 v13, v16  }
0x113: {  	v30 =	vand.u32 $0x300, v31;
	s25 =	sadd.s32 $0x100, s25;
	v18 =	vor.u32 v23, v18;
	v23 =	vld [tilespmem:s24+$0xFFFFFFD0];
	v24 =	vadd.s32 v6, v24;
	[tilespmem:v22+s17+$0x0] =	vst.idx.msk $0xffff, v21  }
0x114: {  	v21 =	vor.u32 v30, v32;
	v22 =	vld [tilespmem:s25+$0x0];
	v30 =	vor.u32 v1, v18;
	[tilespmem:v20+s17+$0x0] =	vst.idx.msk $0xffff, v28  }
0x115: {  	v31 =	vor.u32 v1, v21;
	v28 =	vld [tilespmem:s25+$0xFFFFFF80];
	[tilespmem:v29+s17+$0x0] =	vst.idx.msk $0xffff, v27  }
0x116: {  	[tilespmem:v36+s17+$0x0] =	vst.idx.msk $0xffff, v33;
	v32 =	vld [tilespmem:s23+$0x30];
	v33 =	vadd.s32 v11, v34  }
0x117: {  	v37 =	vor.u32 v4, v35;
	v36 =	vld [tilespmem:s23+$0xFFFFFFB0];
	[tilespmem:v26+s17+$0x0] =	vst.idx.msk $0xffff, v25  }
0x118: {  	v39 =	vadd.s32 v14, v16;
	v20 =	vadd.s32 $0x800, v17;
	v17 =	vmovc v19;
	v19 =	vmov v21;
	[tilespmem:v24+s17+$0x0] =	vst.idx.msk $0xffff, v23;
	v38 =	vld [tilespmem:s24+$0x60]  }
0x119: {  	[tilespmem:v30+s17+$0x0] =	vst.idx.msk $0xffff, v22;
	v21 =	vld [tilespmem:s24+$0xFFFFFFE0];
	v22 =	vor.u32 v8, v20  }
.Ltmp2:
0x11a: {  	v30 =	vor.u32 v2, v18;
	[tilespmem:v31+s17+$0x0] =	vst.idx.msk $0xffff, v28;
	v28 =	vld [tilespmem:s25+$0x10];
	(pc) =	sbr.rel @p0 .LBB2_6-.Ltmp2, $4  }
0x11b: {  	v29 =	vor.u32 v2, v19;
	v27 =	vld [tilespmem:s25+$0xFFFFFF90];
	[tilespmem:v33+s17+$0x0] =	vst.idx.msk $0xffff, v32  }
0x11c: {  	v25 =	vadd.s32 v12, v34;
	[tilespmem:v37+s17+$0x0] =	vst.idx.msk $0xffff, v36;
	v23 =	vld [tilespmem:s23+$0x40]  }
0x11d: {  	v26 =	vor.u32 v5, v35;
	v31 =	vmov s26;
	v24 =	vld [tilespmem:s23+$0xFFFFFFC0];
	[tilespmem:v39+s17+$0x0] =	vst.idx.msk $0xffff, v38  }
0x11e: {  	s28 =	sadd.s32 $0x1, s26;
	s26 =	sadd.s32 $0x2, s26;
	v32 =	vshrl.u32 v31, $0x3;
	v31 =	vshll.u32 v31, $0x7;
	[tilespmem:v22+s17+$0x0] =	vst.idx.msk $0xffff, v21;
	v21 =	vld [tilespmem:s24+$0x63];
	v22 =	vadd.s32 v15, v16;
	v16 =	vmovc v34  }
0x11f: {  	v33 =	vmov s28  }
0x120: {  	v32 =	vmul.u32 $0xC00, v32;
	v34 =	vshrl.u32 v33, $0x3  }
0x121: {  	v31 =	vand.u32 $0x300, v31;
	v33 =	vshll.u32 v33, $0x7;
	v34 =	vmul.u32 $0xC00, v34  }
0x122: {  	s26 =	sadd.s32 $0x100, s25;
	v33 =	vand.u32 $0x380, v33;
	v31 =	vor.u32 v31, v32  }
0x123: {  	v35 =	vld [tilespmem:s26+$0xFFFFFF80];
	v36 =	vor.u32 v1, v31;
	v33 =	vor.u32 v33, v34  }
0x124: {  	v46 =	vld [tilespmem:s26+$0x0];
	v34 =	vor.u32 v1, v33;
	_ =	sdelay $0x3  }
0x125: {  	[tilespmem:v36+s17+$0x0] =	vst.idx.msk $0xffff, v35  }
0x126: {  	v48 =	vor.u32 v2, v31;
	v35 =	vld [tilespmem:s26+$0xFFFFFF90];
	[tilespmem:v34+s17+$0x0] =	vst.idx.msk $0xffff, v46  }
0x127: {  	v47 =	vor.u32 v2, v33;
	v32 =	vld [tilespmem:s26+$0x10]  }
0x128: {  	[tilespmem:v30+s17+$0x0] =	vst.idx.msk $0xffff, v28  }
0x129: {  	[tilespmem:v29+s17+$0x0] =	vst.idx.msk $0xffff, v27;
	v27 =	vadd.s32 $0x400, v19;
	v28 =	vld [tilespmem:s25+$0x20];
	v29 =	vadd.s32 v10, v18  }
0x12a: {  	v30 =	vld [tilespmem:s25+$0xFFFFFFA0];
	v37 =	vor.u32 v3, v27  }
0x12b: {  	v49 =	vadd.s32 $0x400, v31;
	[tilespmem:v48+s17+$0x0] =	vst.idx.msk $0xffff, v35  }
0x12c: {  	v38 =	vor.u32 v3, v49;
	v36 =	vld [tilespmem:s26+$0xFFFFFFA0];
	[tilespmem:v47+s17+$0x0] =	vst.idx.msk $0xffff, v32  }
0x12d: {  	[tilespmem:v25+s17+$0x0] =	vst.idx.msk $0xffff, v23;
	v50 =	vadd.s32 v10, v33;
	v34 =	vld [tilespmem:s26+$0x20]  }
0x12e: {  	[tilespmem:v29+s17+$0x0] =	vst.idx.msk $0xffff, v28  }
0x12f: {  	v29 =	vadd.s32 v11, v18;
	[tilespmem:v37+s17+$0x0] =	vst.idx.msk $0xffff, v30;
	v28 =	vld [tilespmem:s25+$0x30]  }
0x130: {  	v51 =	vor.u32 v4, v27;
	[tilespmem:v26+s17+$0x0] =	vst.idx.msk $0xffff, v24;
	v30 =	vld [tilespmem:s25+$0xFFFFFFB0]  }
0x131: {  	v20 =	vor.u32 v9, v20;
	v24 =	vld [tilespmem:s24+$0xFFFFFFE3];
	[tilespmem:v38+s17+$0x0] =	vst.idx.msk $0xffff, v36  }
0x132: {  	v25 =	vor.u32 v4, v49;
	v23 =	vld [tilespmem:s26+$0xFFFFFFB0];
	[tilespmem:v50+s17+$0x0] =	vst.idx.msk $0xffff, v34  }
0x133: {  	[tilespmem:v22+s17+$0x0] =	vst.idx.msk $0xffff, v21;
	v52 =	vadd.s32 v11, v33;
	v35 =	vld [tilespmem:s26+$0x30]  }
0x134: {  	v54 =	vadd.s32 v13, v16;
	v53 =	vld [tilespmem:s23+$0x50];
	[tilespmem:v29+s17+$0x0] =	vst.idx.msk $0xffff, v28  }
0x135: {  	v28 =	vadd.s32 v12, v18;
	[tilespmem:v51+s17+$0x0] =	vst.idx.msk $0xffff, v30;
	v26 =	vld [tilespmem:s25+$0x40]  }
0x136: {  	v27 =	vor.u32 v5, v27;
	[tilespmem:v20+s17+$0x0] =	vst.idx.msk $0xffff, v24;
	v30 =	vadd.s32 v7, v17;
	v29 =	vld [tilespmem:s25+$0xFFFFFFC0]  }
0x137: {  	v20 =	vld [tilespmem:s23+$0xFFFFFFD0];
	v24 =	vadd.s32 v6, v30;
	[tilespmem:v25+s17+$0x0] =	vst.idx.msk $0xffff, v23  }
0x138: {  	v22 =	vor.u32 v5, v49;
	v21 =	vld [tilespmem:s26+$0xFFFFFFC0];
	[tilespmem:v52+s17+$0x0] =	vst.idx.msk $0xffff, v35  }
0x139: {  	[tilespmem:v54+s17+$0x0] =	vst.idx.msk $0xffff, v53;
	v25 =	vadd.s32 v12, v33;
	v23 =	vld [tilespmem:s26+$0x40]  }
0x13a: {  	[tilespmem:v28+s17+$0x0] =	vst.idx.msk $0xffff, v26  }
0x13b: {  	v26 =	vadd.s32 v7, v19;
	v28 =	vadd.s32 v13, v18;
	[tilespmem:v27+s17+$0x0] =	vst.idx.msk $0xffff, v29;
	v27 =	vld [tilespmem:s25+$0x50]  }
0x13c: {  	v26 =	vadd.s32 v6, v26;
	[tilespmem:v24+s17+$0x0] =	vst.idx.msk $0xffff, v20;
	v29 =	vld [tilespmem:s25+$0xFFFFFFD0]  }
0x13d: {  	v20 =	vld [tilespmem:s23+$0x60];
	v24 =	vadd.s32 v14, v16;
	[tilespmem:v22+s17+$0x0] =	vst.idx.msk $0xffff, v21;
	v21 =	vadd.s32 v7, v31  }
0x13e: {  	v21 =	vadd.s32 v6, v21;
	[tilespmem:v25+s17+$0x0] =	vst.idx.msk $0xffff, v23;
	v25 =	vld [tilespmem:s26+$0xFFFFFFD0]  }
0x13f: {  	v17 =	vadd.s32 $0x800, v17;
	v23 =	vadd.s32 v13, v33;
	v22 =	vld [tilespmem:s26+$0x50]  }
0x140: {  	v55 =	vor.u32 v8, v17;
	v30 =	vld [tilespmem:s23+$0xFFFFFFE0];
	[tilespmem:v28+s17+$0x0] =	vst.idx.msk $0xffff, v27  }
0x141: {  	v19 =	vadd.s32 $0x800, v19;
	v27 =	vadd.s32 v14, v18;
	[tilespmem:v26+s17+$0x0] =	vst.idx.msk $0xffff, v29;
	v26 =	vld [tilespmem:s25+$0x60]  }
0x142: {  	[tilespmem:v24+s17+$0x0] =	vst.idx.msk $0xffff, v20;
	v29 =	vor.u32 v8, v19;
	v28 =	vld [tilespmem:s25+$0xFFFFFFE0]  }
0x143: {  	v16 =	vadd.s32 v15, v16;
	[tilespmem:v21+s17+$0x0] =	vst.idx.msk $0xffff, v25;
	v21 =	vadd.s32 $0x800, v31;
	v25 =	vld [tilespmem:s23+$0x63]  }
0x144: {  	[tilespmem:v23+s17+$0x0] =	vst.idx.msk $0xffff, v22;
	v20 =	vld [tilespmem:s26+$0xFFFFFFE0];
	v24 =	vor.u32 v8, v21  }
0x145: {  	[tilespmem:v55+s17+$0x0] =	vst.idx.msk $0xffff, v30;
	v23 =	vadd.s32 v14, v33;
	v22 =	vld [tilespmem:s26+$0x60]  }
0x146: {  	[tilespmem:v27+s17+$0x0] =	vst.idx.msk $0xffff, v26  }
0x147: {  	v17 =	vor.u32 v9, v17;
	v30 =	vld [tilespmem:s23+$0xFFFFFFE3];
	[tilespmem:v29+s17+$0x0] =	vst.idx.msk $0xffff, v28  }
0x148: {  	v18 =	vadd.s32 v15, v18;
	v26 =	vld [tilespmem:s25+$0x63];
	[tilespmem:v16+s17+$0x0] =	vst.idx.msk $0xffff, v25  }
0x149: {  	v19 =	vor.u32 v9, v19;
	v27 =	vld [tilespmem:s25+$0xFFFFFFE3];
	[tilespmem:v24+s17+$0x0] =	vst.idx.msk $0xffff, v20  }
0x14a: {  	v21 =	vor.u32 v9, v21;
	[tilespmem:v23+s17+$0x0] =	vst.idx.msk $0xffff, v22;
	v16 =	vld [tilespmem:s26+$0xFFFFFFE3]  }
0x14b: {  	v22 =	vadd.s32 v15, v33;
	v20 =	vld [tilespmem:s26+$0x63]  }
0x14c: {  	[tilespmem:v17+s17+$0x0] =	vst.idx.msk $0xffff, v30  }
0x14d: {  	[tilespmem:v18+s17+$0x0] =	vst.idx.msk $0xffff, v26  }
0x14e: {  	[tilespmem:v19+s17+$0x0] =	vst.idx.msk $0xffff, v27  }
0x14f: {  	[tilespmem:v21+s17+$0x0] =	vst.idx.msk $0xffff, v16  }
0x150: {  	s1 =	simm.s32 $0x0;
	s24 =	simm.s32 $0x1;
	[tilespmem:v22+s17+$0x0] =	vst.idx.msk $0xffff, v20  }
0x151: {  	[hbm4b:s7+s1] =	stream.linear.scatter [tilespmem:s17], [sflag:$0x3], $0x7800, $0x38;
	[tilespmem:$0x14000] =	vst v63  }
0x152: {  	v16 =	vmov s24  }
0x153: {  	v17 =	vmov s1;
	v18 =	vshrl.u32 v16, $0x3;
	[tilespmem:s1], [sflag:$0x1] =	stream.linear.gather [hbm4b:s9+s1], $0x2800, $0x38;
	[tilespmem:$0x14000] =	vst v63  }
0x154: {  	v19 =	vshrl.u32 v17, $0x3;
	v16 =	vshll.u32 v16, $0x7;
	v18 =	vmul.u32 $0xC00, v18;
	_ =	swait.ge [sflag:s18], $0x2800  }
0x155: {  	v17 =	vshll.u32 v17, $0x7;
	v19 =	vmul.u32 $0xC00, v19;
	v16 =	vand.u32 $0x380, v16;
	[sflag:s18] =	ssyncset.done $0x0  }
0x156: {  	v17 =	vand.u32 $0x300, v17;
	s24 =	simm.s32 $0x2880;
	v22 =	vor.u32 v16, v18;
	[sflag:s18] =	ssyncadd.s32 $0xFFFFD800  }
0x157: {  	v20 =	vor.u32 v17, v19;
	v17 =	vor.u32 v1, v22;
	v16 =	vld [tilespmem:s24+$0x0]  }
0x158: {  	v19 =	vor.u32 v1, v20;
	v18 =	vld [tilespmem:s24+$0xFFFFFF80];
	_ =	sdelay $0x3  }
0x159: {  	[tilespmem:v17+s19+$0x0] =	vst.idx.msk $0xffff, v16  }
0x15a: {  	[tilespmem:v19+s19+$0x0] =	vst.idx.msk $0xffff, v18;
	v17 =	vor.u32 v2, v22;
	v16 =	vld [tilespmem:s24+$0x10]  }
0x15b: {  	v19 =	vor.u32 v2, v20;
	v18 =	vld [tilespmem:s24+$0xFFFFFF90];
	_ =	sdelay $0x1  }
0x15c: {  	s25 =	simm.s32 $0x2  }
0x15d: {  	s26 =	simm.s32 $0x3;
	v21 =	vmov s25  }
0x15e: {  	v24 =	vmov s26;
	v23 =	vshrl.u32 v21, $0x3;
	[tilespmem:v17+s19+$0x0] =	vst.idx.msk $0xffff, v16  }
0x15f: {  	v25 =	vadd.s32 v10, v22;
	v16 =	vshrl.u32 v24, $0x3;
	[tilespmem:v19+s19+$0x0] =	vst.idx.msk $0xffff, v18;
	v18 =	vadd.s32 $0x400, v20;
	v19 =	vld [tilespmem:s24+$0x20]  }
0x160: {  	v17 =	vshll.u32 v24, $0x7;
	v16 =	vmul.u32 $0xC00, v16;
	v24 =	vld [tilespmem:s24+$0xFFFFFFA0];
	v26 =	vor.u32 v3, v18  }
0x161: {  	v21 =	vshll.u32 v21, $0x7;
	v23 =	vmul.u32 $0xC00, v23;
	v17 =	vand.u32 $0x380, v17  }
0x162: {  	s23 =	simm.s32 $0x2980;
	v21 =	vand.u32 $0x300, v21;
	v16 =	vor.u32 v17, v16  }
0x163: {  	v17 =	vor.u32 v21, v23;
	v21 =	vld [tilespmem:s23+$0x0];
	v23 =	vor.u32 v1, v16  }
0x164: {  	v27 =	vld [tilespmem:s23+$0xFFFFFF80];
	v28 =	vor.u32 v1, v17;
	[tilespmem:v25+s19+$0x0] =	vst.idx.msk $0xffff, v19  }
0x165: {  	[tilespmem:v26+s19+$0x0] =	vst.idx.msk $0xffff, v24;
	v24 =	vadd.s32 v11, v22;
	v19 =	vld [tilespmem:s24+$0x30]  }
0x166: {  	v26 =	vor.u32 v4, v18;
	v25 =	vld [tilespmem:s24+$0xFFFFFFB0];
	_ =	sdelay $0x1  }
0x167: {  	[tilespmem:v23+s19+$0x0] =	vst.idx.msk $0xffff, v21  }
0x168: {  	[tilespmem:v28+s19+$0x0] =	vst.idx.msk $0xffff, v27;
	v23 =	vor.u32 v2, v16;
	v21 =	vld [tilespmem:s23+$0x10]  }
0x169: {  	v28 =	vor.u32 v2, v17;
	v27 =	vld [tilespmem:s23+$0xFFFFFF90];
	[tilespmem:v24+s19+$0x0] =	vst.idx.msk $0xffff, v19  }
0x16a: {  	[tilespmem:v26+s19+$0x0] =	vst.idx.msk $0xffff, v25;
	v24 =	vadd.s32 v12, v22;
	v19 =	vld [tilespmem:s24+$0x40]  }
0x16b: {  	s29 =	simm.s32 $0x4;
	v18 =	vor.u32 v5, v18;
	v26 =	vld [tilespmem:s24+$0xFFFFFFC0]  }
0x16c: {  	s30 =	simm.s32 $0x5;
	v31 =	vadd.s32 $0x400, v17;
	v25 =	vmov s29  }
0x16d: {  	v30 =	vmov s30;
	v56 =	vor.u32 v3, v31;
	v29 =	vshrl.u32 v25, $0x3;
	[tilespmem:v23+s19+$0x0] =	vst.idx.msk $0xffff, v21  }
0x16e: {  	v25 =	vshll.u32 v25, $0x7;
	v21 =	vshrl.u32 v30, $0x3;
	[tilespmem:v28+s19+$0x0] =	vst.idx.msk $0xffff, v27;
	v27 =	vadd.s32 v10, v16;
	v23 =	vld [tilespmem:s23+$0x20]  }
0x16f: {  	v29 =	vmul.u32 $0xC00, v29;
	v28 =	vshll.u32 v30, $0x7;
	v21 =	vmul.u32 $0xC00, v21;
	v30 =	vld [tilespmem:s23+$0xFFFFFFA0];
	[tilespmem:v24+s19+$0x0] =	vst.idx.msk $0xffff, v19  }
0x170: {  	v19 =	vand.u32 $0x380, v28;
	[tilespmem:v18+s19+$0x0] =	vst.idx.msk $0xffff, v26;
	v24 =	vadd.s32 v7, v20;
	v28 =	vadd.s32 v13, v22;
	v26 =	vld [tilespmem:s24+$0x50]  }
0x171: {  	s25 =	simm.s32 $0x2A80;
	v25 =	vand.u32 $0x300, v25;
	v18 =	vor.u32 v19, v21;
	v21 =	vld [tilespmem:s24+$0xFFFFFFD0];
	v24 =	vadd.s32 v6, v24  }
0x172: {  	v19 =	vor.u32 v25, v29;
	v25 =	vld [tilespmem:s25+$0x0];
	v29 =	vor.u32 v1, v18  }
0x173: {  	v57 =	vld [tilespmem:s25+$0xFFFFFF80];
	v58 =	vor.u32 v1, v19;
	[tilespmem:v27+s19+$0x0] =	vst.idx.msk $0xffff, v23  }
0x174: {  	[tilespmem:v56+s19+$0x0] =	vst.idx.msk $0xffff, v30;
	v30 =	vadd.s32 v11, v16;
	v23 =	vld [tilespmem:s23+$0x30]  }
0x175: {  	[tilespmem:v28+s19+$0x0] =	vst.idx.msk $0xffff, v26  }
0x176: {  	v59 =	vor.u32 v4, v31;
	v32 =	vld [tilespmem:s23+$0xFFFFFFB0];
	[tilespmem:v24+s19+$0x0] =	vst.idx.msk $0xffff, v21  }
0x177: {  	v60 =	vadd.s32 v14, v22;
	v20 =	vadd.s32 $0x800, v20;
	v21 =	vld [tilespmem:s24+$0x60];
	[tilespmem:v29+s19+$0x0] =	vst.idx.msk $0xffff, v25  }
0x178: {  	v62 =	vor.u32 v8, v20;
	v61 =	vld [tilespmem:s24+$0xFFFFFFE0];
	[tilespmem:v58+s19+$0x0] =	vst.idx.msk $0xffff, v57  }
0x179: {  	v28 =	vld [tilespmem:s25+$0x10];
	[tilespmem:v30+s19+$0x0] =	vst.idx.msk $0xffff, v23;
	v30 =	vor.u32 v2, v18  }
0x17a: {  	v29 =	vor.u32 v2, v19;
	v27 =	vld [tilespmem:s25+$0xFFFFFF90]  }
0x17b: {  	s31 =	simm.s32 $0x6;
	v25 =	vadd.s32 v12, v16;
	[tilespmem:v59+s19+$0x0] =	vst.idx.msk $0xffff, v32;
	v23 =	vld [tilespmem:s23+$0x40]  }
0x17c: {  	v63 =	vmov s31;
	v26 =	vor.u32 v5, v31;
	v24 =	vld [tilespmem:s23+$0xFFFFFFC0];
	[tilespmem:v60+s19+$0x0] =	vst.idx.msk $0xffff, v21  }
0x17d: {  	s28 =	simm.s32 $0x7;
	s26 =	simm.s32 $0x8;
	v22 =	vadd.s32 v15, v22;
	v31 =	vshll.u32 v63, $0x7;
	v32 =	vshrl.u32 v63, $0x3;
	[tilespmem:v62+s19+$0x0] =	vst.idx.msk $0xffff, v61;
	v21 =	vld [tilespmem:s24+$0x63]  }
.LBB2_8:
0x17e: {  	p0 =	slt.u32 s26, $0x4E;
	v32 =	vmul.u32 $0xC00, v32;
	v33 =	vmov s28;
	[tilespmem:v30+s19+$0x0] =	vst.idx.msk $0xffff, v28;
	v28 =	vld [tilespmem:s24+$0xFFFFFFE3];
	v20 =	vor.u32 v9, v20;
	v34 =	vmovc v18;
	s24 =	smov.u32 s23;
	s23 =	smov.u32 s25  }
0x17f: {  	v35 =	vadd.s32 $0x400, v19;
	v18 =	vshrl.u32 v33, $0x3;
	[tilespmem:v29+s19+$0x0] =	vst.idx.msk $0xffff, v27;
	v27 =	vld [tilespmem:s25+$0x20];
	v29 =	vadd.s32 v10, v34  }
0x180: {  	v30 =	vshll.u32 v33, $0x7;
	v36 =	vor.u32 v3, v35;
	v18 =	vmul.u32 $0xC00, v18;
	v33 =	vld [tilespmem:s25+$0xFFFFFFA0];
	[tilespmem:v25+s19+$0x0] =	vst.idx.msk $0xffff, v23  }
0x181: {  	v23 =	vand.u32 $0x380, v30;
	[tilespmem:v26+s19+$0x0] =	vst.idx.msk $0xffff, v24;
	v24 =	vadd.s32 v7, v17;
	v25 =	vld [tilespmem:s24+$0x50];
	v26 =	vadd.s32 v13, v16  }
0x182: {  	v30 =	vand.u32 $0x300, v31;
	s25 =	sadd.s32 $0x100, s25;
	v18 =	vor.u32 v23, v18;
	v23 =	vld [tilespmem:s24+$0xFFFFFFD0];
	v24 =	vadd.s32 v6, v24;
	[tilespmem:v22+s19+$0x0] =	vst.idx.msk $0xffff, v21  }
0x183: {  	v21 =	vor.u32 v30, v32;
	v22 =	vld [tilespmem:s25+$0x0];
	v30 =	vor.u32 v1, v18;
	[tilespmem:v20+s19+$0x0] =	vst.idx.msk $0xffff, v28  }
0x184: {  	v31 =	vor.u32 v1, v21;
	v28 =	vld [tilespmem:s25+$0xFFFFFF80];
	[tilespmem:v29+s19+$0x0] =	vst.idx.msk $0xffff, v27  }
0x185: {  	[tilespmem:v36+s19+$0x0] =	vst.idx.msk $0xffff, v33;
	v32 =	vld [tilespmem:s23+$0x30];
	v33 =	vadd.s32 v11, v34  }
0x186: {  	v37 =	vor.u32 v4, v35;
	v36 =	vld [tilespmem:s23+$0xFFFFFFB0];
	[tilespmem:v26+s19+$0x0] =	vst.idx.msk $0xffff, v25  }
0x187: {  	v39 =	vadd.s32 v14, v16;
	v20 =	vadd.s32 $0x800, v17;
	v17 =	vmovc v19;
	v19 =	vmov v21;
	[tilespmem:v24+s19+$0x0] =	vst.idx.msk $0xffff, v23;
	v38 =	vld [tilespmem:s24+$0x60]  }
0x188: {  	[tilespmem:v30+s19+$0x0] =	vst.idx.msk $0xffff, v22;
	v21 =	vld [tilespmem:s24+$0xFFFFFFE0];
	v22 =	vor.u32 v8, v20  }
.Ltmp3:
0x189: {  	v30 =	vor.u32 v2, v18;
	[tilespmem:v31+s19+$0x0] =	vst.idx.msk $0xffff, v28;
	v28 =	vld [tilespmem:s25+$0x10];
	(pc) =	sbr.rel @p0 .LBB2_8-.Ltmp3, $4  }
0x18a: {  	v29 =	vor.u32 v2, v19;
	v27 =	vld [tilespmem:s25+$0xFFFFFF90];
	[tilespmem:v33+s19+$0x0] =	vst.idx.msk $0xffff, v32  }
0x18b: {  	v25 =	vadd.s32 v12, v34;
	[tilespmem:v37+s19+$0x0] =	vst.idx.msk $0xffff, v36;
	v23 =	vld [tilespmem:s23+$0x40]  }
0x18c: {  	v26 =	vor.u32 v5, v35;
	v31 =	vmov s26;
	v24 =	vld [tilespmem:s23+$0xFFFFFFC0];
	[tilespmem:v39+s19+$0x0] =	vst.idx.msk $0xffff, v38  }
0x18d: {  	s28 =	sadd.s32 $0x1, s26;
	s26 =	sadd.s32 $0x2, s26;
	v32 =	vshrl.u32 v31, $0x3;
	v31 =	vshll.u32 v31, $0x7;
	[tilespmem:v22+s19+$0x0] =	vst.idx.msk $0xffff, v21;
	v21 =	vld [tilespmem:s24+$0x63];
	v22 =	vadd.s32 v15, v16;
	v16 =	vmovc v34  }
0x18e: {  	v33 =	vmov s28  }
0x18f: {  	v32 =	vmul.u32 $0xC00, v32;
	v34 =	vshrl.u32 v33, $0x3  }
0x190: {  	v31 =	vand.u32 $0x300, v31;
	v33 =	vshll.u32 v33, $0x7;
	v34 =	vmul.u32 $0xC00, v34  }
0x191: {  	s26 =	sadd.s32 $0x100, s25;
	v33 =	vand.u32 $0x380, v33;
	v31 =	vor.u32 v31, v32  }
0x192: {  	v35 =	vld [tilespmem:s26+$0xFFFFFF80];
	v36 =	vor.u32 v1, v31;
	v33 =	vor.u32 v33, v34  }
0x193: {  	v41 =	vld [tilespmem:s26+$0x0];
	v34 =	vor.u32 v1, v33;
	_ =	sdelay $0x3  }
0x194: {  	[tilespmem:v36+s19+$0x0] =	vst.idx.msk $0xffff, v35  }
0x195: {  	v43 =	vor.u32 v2, v31;
	v35 =	vld [tilespmem:s26+$0xFFFFFF90];
	[tilespmem:v34+s19+$0x0] =	vst.idx.msk $0xffff, v41  }
0x196: {  	v42 =	vor.u32 v2, v33;
	v32 =	vld [tilespmem:s26+$0x10]  }
0x197: {  	v44 =	vadd.s32 $0x400, v19;
	[tilespmem:v29+s19+$0x0] =	vst.idx.msk $0xffff, v27  }
0x198: {  	[tilespmem:v30+s19+$0x0] =	vst.idx.msk $0xffff, v28;
	v37 =	vor.u32 v3, v44;
	v46 =	vld [tilespmem:s25+$0xFFFFFFA0]  }
0x199: {  	v45 =	vadd.s32 v10, v18;
	v28 =	vld [tilespmem:s25+$0x20]  }
0x19a: {  	v47 =	vadd.s32 $0x400, v31;
	[tilespmem:v43+s19+$0x0] =	vst.idx.msk $0xffff, v35  }
0x19b: {  	v38 =	vor.u32 v3, v47;
	v36 =	vld [tilespmem:s26+$0xFFFFFFA0];
	[tilespmem:v42+s19+$0x0] =	vst.idx.msk $0xffff, v32  }
0x19c: {  	v48 =	vadd.s32 v10, v33;
	v34 =	vld [tilespmem:s26+$0x20]  }
0x19d: {  	[tilespmem:v37+s19+$0x0] =	vst.idx.msk $0xffff, v46  }
0x19e: {  	v50 =	vor.u32 v4, v44;
	[tilespmem:v45+s19+$0x0] =	vst.idx.msk $0xffff, v28;
	v30 =	vld [tilespmem:s25+$0xFFFFFFB0]  }
0x19f: {  	v49 =	vadd.s32 v11, v18;
	[tilespmem:v25+s19+$0x0] =	vst.idx.msk $0xffff, v23;
	v28 =	vld [tilespmem:s25+$0x30]  }
0x1a0: {  	[tilespmem:v38+s19+$0x0] =	vst.idx.msk $0xffff, v36  }
0x1a1: {  	v53 =	vor.u32 v4, v47;
	v52 =	vld [tilespmem:s26+$0xFFFFFFB0];
	[tilespmem:v48+s19+$0x0] =	vst.idx.msk $0xffff, v34  }
0x1a2: {  	[tilespmem:v26+s19+$0x0] =	vst.idx.msk $0xffff, v24;
	v51 =	vadd.s32 v11, v33;
	v35 =	vld [tilespmem:s26+$0x30]  }
0x1a3: {  	v54 =	vld [tilespmem:s24+$0xFFFFFFE3];
	v20 =	vor.u32 v9, v20;
	[tilespmem:v50+s19+$0x0] =	vst.idx.msk $0xffff, v30  }
0x1a4: {  	v27 =	vor.u32 v5, v44;
	[tilespmem:v49+s19+$0x0] =	vst.idx.msk $0xffff, v28;
	v57 =	vld [tilespmem:s25+$0xFFFFFFC0]  }
0x1a5: {  	v56 =	vadd.s32 v12, v18;
	[tilespmem:v22+s19+$0x0] =	vst.idx.msk $0xffff, v21;
	v55 =	vld [tilespmem:s25+$0x40]  }
0x1a6: {  	v63 =	vld [tilespmem:s23+$0x50];
	v36 =	vadd.s32 v13, v16;
	[tilespmem:v53+s19+$0x0] =	vst.idx.msk $0xffff, v52  }
0x1a7: {  	v61 =	vor.u32 v5, v47;
	v60 =	vld [tilespmem:s26+$0xFFFFFFC0];
	[tilespmem:v51+s19+$0x0] =	vst.idx.msk $0xffff, v35  }
0x1a8: {  	v62 =	vadd.s32 v7, v17;
	v59 =	vadd.s32 v12, v33;
	[tilespmem:v20+s19+$0x0] =	vst.idx.msk $0xffff, v54;
	v58 =	vld [tilespmem:s26+$0x40]  }
0x1a9: {  	v39 =	vadd.s32 v7, v19;
	v37 =	vld [tilespmem:s23+$0xFFFFFFD0];
	[tilespmem:v27+s19+$0x0] =	vst.idx.msk $0xffff, v57;
	v38 =	vadd.s32 v6, v62  }
0x1aa: {  	v26 =	vadd.s32 v6, v39;
	[tilespmem:v56+s19+$0x0] =	vst.idx.msk $0xffff, v55;
	v29 =	vld [tilespmem:s25+$0xFFFFFFD0]  }
0x1ab: {  	v41 =	vadd.s32 v13, v18;
	v40 =	vld [tilespmem:s25+$0x50];
	[tilespmem:v36+s19+$0x0] =	vst.idx.msk $0xffff, v63  }
0x1ac: {  	v47 =	vadd.s32 v14, v16;
	v42 =	vadd.s32 v7, v31;
	v46 =	vld [tilespmem:s23+$0x60];
	[tilespmem:v61+s19+$0x0] =	vst.idx.msk $0xffff, v60  }
0x1ad: {  	v21 =	vadd.s32 v6, v42;
	v45 =	vld [tilespmem:s26+$0xFFFFFFD0];
	[tilespmem:v59+s19+$0x0] =	vst.idx.msk $0xffff, v58  }
0x1ae: {  	v17 =	vadd.s32 $0x800, v17;
	v44 =	vadd.s32 v13, v33;
	[tilespmem:v38+s19+$0x0] =	vst.idx.msk $0xffff, v37;
	v43 =	vld [tilespmem:s26+$0x50]  }
0x1af: {  	v49 =	vor.u32 v8, v17;
	v50 =	vadd.s32 $0x800, v19;
	[tilespmem:v26+s19+$0x0] =	vst.idx.msk $0xffff, v29;
	v48 =	vld [tilespmem:s23+$0xFFFFFFE0]  }
0x1b0: {  	v54 =	vor.u32 v8, v50;
	[tilespmem:v41+s19+$0x0] =	vst.idx.msk $0xffff, v40;
	v53 =	vld [tilespmem:s25+$0xFFFFFFE0]  }
0x1b1: {  	v52 =	vadd.s32 v14, v18;
	v51 =	vld [tilespmem:s25+$0x60];
	[tilespmem:v47+s19+$0x0] =	vst.idx.msk $0xffff, v46  }
0x1b2: {  	v55 =	vadd.s32 $0x800, v31;
	v16 =	vadd.s32 v15, v16;
	v59 =	vld [tilespmem:s23+$0x63];
	[tilespmem:v21+s19+$0x0] =	vst.idx.msk $0xffff, v45  }
0x1b3: {  	v58 =	vor.u32 v8, v55;
	v57 =	vld [tilespmem:s26+$0xFFFFFFE0];
	[tilespmem:v44+s19+$0x0] =	vst.idx.msk $0xffff, v43  }
0x1b4: {  	v56 =	vadd.s32 v14, v33;
	[tilespmem:v49+s19+$0x0] =	vst.idx.msk $0xffff, v48;
	v22 =	vld [tilespmem:s26+$0x60]  }
0x1b5: {  	[tilespmem:v54+s19+$0x0] =	vst.idx.msk $0xffff, v53  }
0x1b6: {  	v17 =	vor.u32 v9, v17;
	v30 =	vld [tilespmem:s23+$0xFFFFFFE3];
	[tilespmem:v52+s19+$0x0] =	vst.idx.msk $0xffff, v51  }
0x1b7: {  	v19 =	vor.u32 v9, v50;
	v61 =	vld [tilespmem:s25+$0xFFFFFFE3];
	[tilespmem:v16+s19+$0x0] =	vst.idx.msk $0xffff, v59  }
0x1b8: {  	v60 =	vadd.s32 v15, v18;
	v26 =	vld [tilespmem:s25+$0x63];
	[tilespmem:v58+s19+$0x0] =	vst.idx.msk $0xffff, v57  }
0x1b9: {  	v21 =	vor.u32 v9, v55;
	v16 =	vld [tilespmem:s26+$0xFFFFFFE3];
	[tilespmem:v56+s19+$0x0] =	vst.idx.msk $0xffff, v22  }
0x1ba: {  	v63 =	vadd.s32 v15, v33;
	v62 =	vld [tilespmem:s26+$0x63]  }
0x1bb: {  	[tilespmem:v17+s19+$0x0] =	vst.idx.msk $0xffff, v30  }
0x1bc: {  	[tilespmem:v19+s19+$0x0] =	vst.idx.msk $0xffff, v61  }
0x1bd: {  	[tilespmem:v60+s19+$0x0] =	vst.idx.msk $0xffff, v26  }
0x1be: {  	[tilespmem:v21+s19+$0x0] =	vst.idx.msk $0xffff, v16  }
0x1bf: {  	[tilespmem:v63+s19+$0x0] =	vst.idx.msk $0xffff, v62  }
0x1c0: {  	[hbm4b:s10+s3] =	stream.linear.scatter [tilespmem:s19], [sflag:$0x4], $0x7800, $0x38;
	[tilespmem:$0x14000] =	vst v63  }
0x1c1: {  	s23 =	simm.s32 $0x1  }
0x1c2: {  	[tilespmem:s15], [sflag:$0x2] =	stream.linear.gather [hbm4b:s11+s3], $0x2800, $0x38;
	[tilespmem:$0x14000] =	vst v63  }
.LBB2_10:
0x1c3: {  	_ =	swait.ge [sflag:s16], $0x2800;
	s1 =	simm.s32 $0x1  }
0x1c4: {  	s24 =	simm.s32 $0x0;
	[sflag:s16] =	ssyncset.done $0x0;
	v16 =	vmov s1  }
0x1c5: {  	v17 =	vmov s24;
	[sflag:s16] =	ssyncadd.s32 $0xFFFFD800;
	v18 =	vshrl.u32 v16, $0x3  }
0x1c6: {  	v19 =	vshrl.u32 v17, $0x3;
	v16 =	vshll.u32 v16, $0x7;
	_ =	swait.ge [sflag:s20], $0x7800;
	v18 =	vmul.u32 $0xC00, v18  }
0x1c7: {  	v17 =	vshll.u32 v17, $0x7;
	v19 =	vmul.u32 $0xC00, v19;
	v16 =	vand.u32 $0x380, v16;
	[sflag:s20] =	ssyncset.done $0x0  }
0x1c8: {  	s25 =	simm.s32 $0x80;
	v17 =	vand.u32 $0x300, v17;
	[sflag:s20] =	ssyncadd.s32 $0xFFFF8800;
	v22 =	vor.u32 v16, v18  }
0x1c9: {  	v20 =	vor.u32 v17, v19;
	v16 =	vld [tilespmem:s25+$0x0];
	v17 =	vor.u32 v1, v22  }
0x1ca: {  	v18 =	vld [tilespmem:s25+$0xFFFFFF80];
	v19 =	vor.u32 v1, v20;
	_ =	sdelay $0x3  }
0x1cb: {  	[tilespmem:v17+s17+$0x0] =	vst.idx.msk $0xffff, v16  }
0x1cc: {  	[tilespmem:v19+s17+$0x0] =	vst.idx.msk $0xffff, v18;
	v17 =	vor.u32 v2, v22;
	v16 =	vld [tilespmem:s25+$0x10]  }
0x1cd: {  	v19 =	vor.u32 v2, v20;
	v18 =	vld [tilespmem:s25+$0xFFFFFF90];
	_ =	sdelay $0x1  }
0x1ce: {  	s31 =	simm.s32 $0x2  }
0x1cf: {  	v21 =	vmov s31;
	s24 =	simm.s32 $0x3  }
0x1d0: {  	v23 =	vshrl.u32 v21, $0x3;
	v24 =	vmov s24;
	[tilespmem:v17+s17+$0x0] =	vst.idx.msk $0xffff, v16  }
0x1d1: {  	v25 =	vadd.s32 v10, v22;
	v16 =	vshrl.u32 v24, $0x3;
	[tilespmem:v19+s17+$0x0] =	vst.idx.msk $0xffff, v18;
	v18 =	vadd.s32 $0x400, v20;
	v19 =	vld [tilespmem:s25+$0x20]  }
0x1d2: {  	v17 =	vshll.u32 v24, $0x7;
	v16 =	vmul.u32 $0xC00, v16;
	v24 =	vld [tilespmem:s25+$0xFFFFFFA0];
	v26 =	vor.u32 v3, v18  }
0x1d3: {  	v21 =	vshll.u32 v21, $0x7;
	v23 =	vmul.u32 $0xC00, v23;
	v17 =	vand.u32 $0x380, v17  }
0x1d4: {  	s24 =	simm.s32 $0x180;
	v21 =	vand.u32 $0x300, v21;
	v16 =	vor.u32 v17, v16  }
0x1d5: {  	v17 =	vor.u32 v21, v23;
	v21 =	vld [tilespmem:s24+$0x0];
	v23 =	vor.u32 v1, v16  }
0x1d6: {  	v27 =	vld [tilespmem:s24+$0xFFFFFF80];
	v28 =	vor.u32 v1, v17;
	[tilespmem:v25+s17+$0x0] =	vst.idx.msk $0xffff, v19  }
0x1d7: {  	[tilespmem:v26+s17+$0x0] =	vst.idx.msk $0xffff, v24;
	v24 =	vadd.s32 v11, v22;
	v19 =	vld [tilespmem:s25+$0x30]  }
0x1d8: {  	v26 =	vor.u32 v4, v18;
	v25 =	vld [tilespmem:s25+$0xFFFFFFB0];
	_ =	sdelay $0x1  }
0x1d9: {  	[tilespmem:v23+s17+$0x0] =	vst.idx.msk $0xffff, v21  }
0x1da: {  	[tilespmem:v28+s17+$0x0] =	vst.idx.msk $0xffff, v27;
	v23 =	vor.u32 v2, v16;
	v21 =	vld [tilespmem:s24+$0x10]  }
0x1db: {  	v28 =	vor.u32 v2, v17;
	v27 =	vld [tilespmem:s24+$0xFFFFFF90];
	[tilespmem:v24+s17+$0x0] =	vst.idx.msk $0xffff, v19  }
0x1dc: {  	[tilespmem:v26+s17+$0x0] =	vst.idx.msk $0xffff, v25;
	v24 =	vadd.s32 v12, v22;
	v19 =	vld [tilespmem:s25+$0x40]  }
0x1dd: {  	s26 =	simm.s32 $0x4;
	v18 =	vor.u32 v5, v18;
	v26 =	vld [tilespmem:s25+$0xFFFFFFC0]  }
0x1de: {  	s30 =	simm.s32 $0x5;
	v31 =	vadd.s32 $0x400, v17;
	v25 =	vmov s26  }
0x1df: {  	v30 =	vmov s30;
	v32 =	vor.u32 v3, v31;
	v29 =	vshrl.u32 v25, $0x3;
	[tilespmem:v23+s17+$0x0] =	vst.idx.msk $0xffff, v21  }
0x1e0: {  	v25 =	vshll.u32 v25, $0x7;
	v21 =	vshrl.u32 v30, $0x3;
	[tilespmem:v28+s17+$0x0] =	vst.idx.msk $0xffff, v27;
	v27 =	vadd.s32 v10, v16;
	v23 =	vld [tilespmem:s24+$0x20]  }
0x1e1: {  	v29 =	vmul.u32 $0xC00, v29;
	v28 =	vshll.u32 v30, $0x7;
	v21 =	vmul.u32 $0xC00, v21;
	v30 =	vld [tilespmem:s24+$0xFFFFFFA0];
	[tilespmem:v24+s17+$0x0] =	vst.idx.msk $0xffff, v19  }
0x1e2: {  	v19 =	vand.u32 $0x380, v28;
	[tilespmem:v18+s17+$0x0] =	vst.idx.msk $0xffff, v26;
	v24 =	vadd.s32 v7, v20;
	v28 =	vadd.s32 v13, v22;
	v26 =	vld [tilespmem:s25+$0x50]  }
0x1e3: {  	s26 =	simm.s32 $0x280;
	v25 =	vand.u32 $0x300, v25;
	v18 =	vor.u32 v19, v21;
	v21 =	vld [tilespmem:s25+$0xFFFFFFD0];
	v24 =	vadd.s32 v6, v24  }
0x1e4: {  	v19 =	vor.u32 v25, v29;
	v25 =	vld [tilespmem:s26+$0x0];
	v29 =	vor.u32 v1, v18  }
0x1e5: {  	v33 =	vld [tilespmem:s26+$0xFFFFFF80];
	v34 =	vor.u32 v1, v19;
	[tilespmem:v27+s17+$0x0] =	vst.idx.msk $0xffff, v23  }
0x1e6: {  	[tilespmem:v32+s17+$0x0] =	vst.idx.msk $0xffff, v30;
	v30 =	vadd.s32 v11, v16;
	v23 =	vld [tilespmem:s24+$0x30]  }
0x1e7: {  	[tilespmem:v28+s17+$0x0] =	vst.idx.msk $0xffff, v26  }
0x1e8: {  	v35 =	vor.u32 v4, v31;
	v32 =	vld [tilespmem:s24+$0xFFFFFFB0];
	[tilespmem:v24+s17+$0x0] =	vst.idx.msk $0xffff, v21  }
0x1e9: {  	v36 =	vadd.s32 v14, v22;
	v20 =	vadd.s32 $0x800, v20;
	v21 =	vld [tilespmem:s25+$0x60];
	[tilespmem:v29+s17+$0x0] =	vst.idx.msk $0xffff, v25  }
0x1ea: {  	v38 =	vor.u32 v8, v20;
	v37 =	vld [tilespmem:s25+$0xFFFFFFE0];
	[tilespmem:v34+s17+$0x0] =	vst.idx.msk $0xffff, v33  }
0x1eb: {  	v28 =	vld [tilespmem:s26+$0x10];
	[tilespmem:v30+s17+$0x0] =	vst.idx.msk $0xffff, v23;
	v30 =	vor.u32 v2, v18  }
0x1ec: {  	v29 =	vor.u32 v2, v19;
	v27 =	vld [tilespmem:s26+$0xFFFFFF90]  }
0x1ed: {  	s31 =	simm.s32 $0x6;
	v25 =	vadd.s32 v12, v16;
	[tilespmem:v35+s17+$0x0] =	vst.idx.msk $0xffff, v32;
	v23 =	vld [tilespmem:s24+$0x40]  }
0x1ee: {  	v63 =	vmov s31;
	v26 =	vor.u32 v5, v31;
	v24 =	vld [tilespmem:s24+$0xFFFFFFC0];
	[tilespmem:v36+s17+$0x0] =	vst.idx.msk $0xffff, v21  }
0x1ef: {  	s29 =	simm.s32 $0x7;
	s28 =	simm.s32 $0x8;
	v22 =	vadd.s32 v15, v22;
	v31 =	vshll.u32 v63, $0x7;
	v32 =	vshrl.u32 v63, $0x3;
	[tilespmem:v38+s17+$0x0] =	vst.idx.msk $0xffff, v37;
	v21 =	vld [tilespmem:s25+$0x63]  }
.LBB2_11:
0x1f0: {  	p0 =	slt.u32 s28, $0x4E;
	v32 =	vmul.u32 $0xC00, v32;
	v33 =	vmov s29;
	[tilespmem:v30+s17+$0x0] =	vst.idx.msk $0xffff, v28;
	v28 =	vld [tilespmem:s25+$0xFFFFFFE3];
	v20 =	vor.u32 v9, v20;
	v34 =	vmovc v18;
	s25 =	smov.u32 s24;
	s24 =	smov.u32 s26  }
0x1f1: {  	v35 =	vadd.s32 $0x400, v19;
	v18 =	vshrl.u32 v33, $0x3;
	[tilespmem:v29+s17+$0x0] =	vst.idx.msk $0xffff, v27;
	v27 =	vld [tilespmem:s26+$0x20];
	v29 =	vadd.s32 v10, v34  }
0x1f2: {  	v30 =	vshll.u32 v33, $0x7;
	v36 =	vor.u32 v3, v35;
	v18 =	vmul.u32 $0xC00, v18;
	v33 =	vld [tilespmem:s26+$0xFFFFFFA0];
	[tilespmem:v25+s17+$0x0] =	vst.idx.msk $0xffff, v23  }
0x1f3: {  	v23 =	vand.u32 $0x380, v30;
	[tilespmem:v26+s17+$0x0] =	vst.idx.msk $0xffff, v24;
	v24 =	vadd.s32 v7, v17;
	v25 =	vld [tilespmem:s25+$0x50];
	v26 =	vadd.s32 v13, v16  }
0x1f4: {  	v30 =	vand.u32 $0x300, v31;
	s26 =	sadd.s32 $0x100, s26;
	v18 =	vor.u32 v23, v18;
	v23 =	vld [tilespmem:s25+$0xFFFFFFD0];
	v24 =	vadd.s32 v6, v24;
	[tilespmem:v22+s17+$0x0] =	vst.idx.msk $0xffff, v21  }
0x1f5: {  	v21 =	vor.u32 v30, v32;
	v22 =	vld [tilespmem:s26+$0x0];
	v30 =	vor.u32 v1, v18;
	[tilespmem:v20+s17+$0x0] =	vst.idx.msk $0xffff, v28  }
0x1f6: {  	v31 =	vor.u32 v1, v21;
	v28 =	vld [tilespmem:s26+$0xFFFFFF80];
	[tilespmem:v29+s17+$0x0] =	vst.idx.msk $0xffff, v27  }
0x1f7: {  	[tilespmem:v36+s17+$0x0] =	vst.idx.msk $0xffff, v33;
	v32 =	vld [tilespmem:s24+$0x30];
	v33 =	vadd.s32 v11, v34  }
0x1f8: {  	v37 =	vor.u32 v4, v35;
	v36 =	vld [tilespmem:s24+$0xFFFFFFB0];
	[tilespmem:v26+s17+$0x0] =	vst.idx.msk $0xffff, v25  }
0x1f9: {  	v39 =	vadd.s32 v14, v16;
	v20 =	vadd.s32 $0x800, v17;
	v17 =	vmovc v19;
	v19 =	vmov v21;
	[tilespmem:v24+s17+$0x0] =	vst.idx.msk $0xffff, v23;
	v38 =	vld [tilespmem:s25+$0x60]  }
0x1fa: {  	[tilespmem:v30+s17+$0x0] =	vst.idx.msk $0xffff, v22;
	v21 =	vld [tilespmem:s25+$0xFFFFFFE0];
	v22 =	vor.u32 v8, v20  }
.Ltmp4:
0x1fb: {  	v30 =	vor.u32 v2, v18;
	[tilespmem:v31+s17+$0x0] =	vst.idx.msk $0xffff, v28;
	v28 =	vld [tilespmem:s26+$0x10];
	(pc) =	sbr.rel @p0 .LBB2_11-.Ltmp4, $4  }
0x1fc: {  	v29 =	vor.u32 v2, v19;
	v27 =	vld [tilespmem:s26+$0xFFFFFF90];
	[tilespmem:v33+s17+$0x0] =	vst.idx.msk $0xffff, v32  }
0x1fd: {  	v25 =	vadd.s32 v12, v34;
	[tilespmem:v37+s17+$0x0] =	vst.idx.msk $0xffff, v36;
	v23 =	vld [tilespmem:s24+$0x40]  }
0x1fe: {  	v26 =	vor.u32 v5, v35;
	v31 =	vmov s28;
	v24 =	vld [tilespmem:s24+$0xFFFFFFC0];
	[tilespmem:v39+s17+$0x0] =	vst.idx.msk $0xffff, v38  }
0x1ff: {  	s29 =	sadd.s32 $0x1, s28;
	s28 =	sadd.s32 $0x2, s28;
	v32 =	vshrl.u32 v31, $0x3;
	v31 =	vshll.u32 v31, $0x7;
	[tilespmem:v22+s17+$0x0] =	vst.idx.msk $0xffff, v21;
	v21 =	vld [tilespmem:s25+$0x63];
	v22 =	vadd.s32 v15, v16;
	v16 =	vmovc v34  }
0x200: {  	v33 =	vmov s29  }
0x201: {  	v32 =	vmul.u32 $0xC00, v32;
	v34 =	vshrl.u32 v33, $0x3  }
0x202: {  	v31 =	vand.u32 $0x300, v31;
	v33 =	vshll.u32 v33, $0x7;
	v34 =	vmul.u32 $0xC00, v34  }
0x203: {  	s28 =	sadd.s32 $0x100, s26;
	v33 =	vand.u32 $0x380, v33;
	v31 =	vor.u32 v31, v32  }
0x204: {  	v35 =	vld [tilespmem:s28+$0xFFFFFF80];
	v36 =	vor.u32 v1, v31;
	v33 =	vor.u32 v33, v34  }
0x205: {  	v46 =	vld [tilespmem:s28+$0x0];
	v34 =	vor.u32 v1, v33;
	_ =	sdelay $0x3  }
0x206: {  	[tilespmem:v36+s17+$0x0] =	vst.idx.msk $0xffff, v35  }
0x207: {  	v48 =	vor.u32 v2, v31;
	v35 =	vld [tilespmem:s28+$0xFFFFFF90];
	[tilespmem:v34+s17+$0x0] =	vst.idx.msk $0xffff, v46  }
0x208: {  	v47 =	vor.u32 v2, v33;
	v32 =	vld [tilespmem:s28+$0x10]  }
0x209: {  	[tilespmem:v30+s17+$0x0] =	vst.idx.msk $0xffff, v28  }
0x20a: {  	[tilespmem:v29+s17+$0x0] =	vst.idx.msk $0xffff, v27;
	v27 =	vadd.s32 $0x400, v19;
	v28 =	vld [tilespmem:s26+$0x20];
	v29 =	vadd.s32 v10, v18  }
0x20b: {  	v30 =	vld [tilespmem:s26+$0xFFFFFFA0];
	v37 =	vor.u32 v3, v27  }
0x20c: {  	v49 =	vadd.s32 $0x400, v31;
	[tilespmem:v48+s17+$0x0] =	vst.idx.msk $0xffff, v35  }
0x20d: {  	v38 =	vor.u32 v3, v49;
	v36 =	vld [tilespmem:s28+$0xFFFFFFA0];
	[tilespmem:v47+s17+$0x0] =	vst.idx.msk $0xffff, v32  }
0x20e: {  	[tilespmem:v25+s17+$0x0] =	vst.idx.msk $0xffff, v23;
	v50 =	vadd.s32 v10, v33;
	v34 =	vld [tilespmem:s28+$0x20]  }
0x20f: {  	[tilespmem:v29+s17+$0x0] =	vst.idx.msk $0xffff, v28  }
0x210: {  	v29 =	vadd.s32 v11, v18;
	[tilespmem:v37+s17+$0x0] =	vst.idx.msk $0xffff, v30;
	v28 =	vld [tilespmem:s26+$0x30]  }
0x211: {  	v51 =	vor.u32 v4, v27;
	[tilespmem:v26+s17+$0x0] =	vst.idx.msk $0xffff, v24;
	v30 =	vld [tilespmem:s26+$0xFFFFFFB0]  }
0x212: {  	v20 =	vor.u32 v9, v20;
	v24 =	vld [tilespmem:s25+$0xFFFFFFE3];
	[tilespmem:v38+s17+$0x0] =	vst.idx.msk $0xffff, v36  }
0x213: {  	v25 =	vor.u32 v4, v49;
	v23 =	vld [tilespmem:s28+$0xFFFFFFB0];
	[tilespmem:v50+s17+$0x0] =	vst.idx.msk $0xffff, v34  }
0x214: {  	[tilespmem:v22+s17+$0x0] =	vst.idx.msk $0xffff, v21;
	v52 =	vadd.s32 v11, v33;
	v35 =	vld [tilespmem:s28+$0x30]  }
0x215: {  	v54 =	vadd.s32 v13, v16;
	v53 =	vld [tilespmem:s24+$0x50];
	[tilespmem:v29+s17+$0x0] =	vst.idx.msk $0xffff, v28  }
0x216: {  	v28 =	vadd.s32 v12, v18;
	[tilespmem:v51+s17+$0x0] =	vst.idx.msk $0xffff, v30;
	v26 =	vld [tilespmem:s26+$0x40]  }
0x217: {  	v27 =	vor.u32 v5, v27;
	[tilespmem:v20+s17+$0x0] =	vst.idx.msk $0xffff, v24;
	v30 =	vadd.s32 v7, v17;
	v29 =	vld [tilespmem:s26+$0xFFFFFFC0]  }
0x218: {  	v20 =	vld [tilespmem:s24+$0xFFFFFFD0];
	v24 =	vadd.s32 v6, v30;
	[tilespmem:v25+s17+$0x0] =	vst.idx.msk $0xffff, v23  }
0x219: {  	v22 =	vor.u32 v5, v49;
	v21 =	vld [tilespmem:s28+$0xFFFFFFC0];
	[tilespmem:v52+s17+$0x0] =	vst.idx.msk $0xffff, v35  }
0x21a: {  	[tilespmem:v54+s17+$0x0] =	vst.idx.msk $0xffff, v53;
	v25 =	vadd.s32 v12, v33;
	v23 =	vld [tilespmem:s28+$0x40]  }
0x21b: {  	[tilespmem:v28+s17+$0x0] =	vst.idx.msk $0xffff, v26  }
0x21c: {  	v26 =	vadd.s32 v7, v19;
	v28 =	vadd.s32 v13, v18;
	[tilespmem:v27+s17+$0x0] =	vst.idx.msk $0xffff, v29;
	v27 =	vld [tilespmem:s26+$0x50]  }
0x21d: {  	v26 =	vadd.s32 v6, v26;
	[tilespmem:v24+s17+$0x0] =	vst.idx.msk $0xffff, v20;
	v29 =	vld [tilespmem:s26+$0xFFFFFFD0]  }
0x21e: {  	v20 =	vld [tilespmem:s24+$0x60];
	v24 =	vadd.s32 v14, v16;
	[tilespmem:v22+s17+$0x0] =	vst.idx.msk $0xffff, v21;
	v21 =	vadd.s32 v7, v31  }
0x21f: {  	v21 =	vadd.s32 v6, v21;
	[tilespmem:v25+s17+$0x0] =	vst.idx.msk $0xffff, v23;
	v25 =	vld [tilespmem:s28+$0xFFFFFFD0]  }
0x220: {  	v17 =	vadd.s32 $0x800, v17;
	v23 =	vadd.s32 v13, v33;
	v22 =	vld [tilespmem:s28+$0x50]  }
0x221: {  	v55 =	vor.u32 v8, v17;
	v30 =	vld [tilespmem:s24+$0xFFFFFFE0];
	[tilespmem:v28+s17+$0x0] =	vst.idx.msk $0xffff, v27  }
0x222: {  	v19 =	vadd.s32 $0x800, v19;
	v27 =	vadd.s32 v14, v18;
	[tilespmem:v26+s17+$0x0] =	vst.idx.msk $0xffff, v29;
	v26 =	vld [tilespmem:s26+$0x60]  }
0x223: {  	[tilespmem:v24+s17+$0x0] =	vst.idx.msk $0xffff, v20;
	v29 =	vor.u32 v8, v19;
	v28 =	vld [tilespmem:s26+$0xFFFFFFE0]  }
0x224: {  	v16 =	vadd.s32 v15, v16;
	[tilespmem:v21+s17+$0x0] =	vst.idx.msk $0xffff, v25;
	v21 =	vadd.s32 $0x800, v31;
	v25 =	vld [tilespmem:s24+$0x63]  }
0x225: {  	[tilespmem:v23+s17+$0x0] =	vst.idx.msk $0xffff, v22;
	v20 =	vld [tilespmem:s28+$0xFFFFFFE0];
	v24 =	vor.u32 v8, v21  }
0x226: {  	[tilespmem:v55+s17+$0x0] =	vst.idx.msk $0xffff, v30;
	v23 =	vadd.s32 v14, v33;
	v22 =	vld [tilespmem:s28+$0x60]  }
0x227: {  	[tilespmem:v27+s17+$0x0] =	vst.idx.msk $0xffff, v26  }
0x228: {  	s1 =	sshrl.u32 s23, $0x1;
	v17 =	vor.u32 v9, v17;
	v30 =	vld [tilespmem:s24+$0xFFFFFFE3];
	[tilespmem:v29+s17+$0x0] =	vst.idx.msk $0xffff, v28  }
0x229: {  	s1 =	sadd.s32 s5, s1;
	v18 =	vadd.s32 v15, v18;
	v26 =	vld [tilespmem:s26+$0x63];
	s24 =	sshll.u32 s23, $0x1;
	[tilespmem:v16+s17+$0x0] =	vst.idx.msk $0xffff, v25  }
0x22a: {  	s1 =	smul.u32 $0x1E000, s1;
	v19 =	vor.u32 v9, v19;
	v27 =	vld [tilespmem:s26+$0xFFFFFFE3];
	s26 =	sand.u32 $0x2, s24;
	[tilespmem:v24+s17+$0x0] =	vst.idx.msk $0xffff, v20  }
0x22b: {  	v21 =	vor.u32 v9, v21;
	s25 =	smul.u32 $0x7800, s26;
	s26 =	sadd.s32 $0x2, s24;
	[tilespmem:v23+s17+$0x0] =	vst.idx.msk $0xffff, v22;
	v16 =	vld [tilespmem:s28+$0xFFFFFFE3]  }
0x22c: {  	v22 =	vadd.s32 v15, v33;
	v20 =	vld [tilespmem:s28+$0x63];
	s28 =	sshrl.u32 s26, $0x2;
	s26 =	sand.u32 $0x2, s26  }
0x22d: {  	[tilespmem:v17+s17+$0x0] =	vst.idx.msk $0xffff, v30;
	s1 =	sadd.s32 s25, s1;
	s25 =	sadd.s32 s5, s28;
	s26 =	smul.u32 $0x2800, s26  }
0x22e: {  	[tilespmem:v18+s17+$0x0] =	vst.idx.msk $0xffff, v26;
	s28 =	smul.u32 $0xA000, s25  }
0x22f: {  	[tilespmem:v19+s17+$0x0] =	vst.idx.msk $0xffff, v27  }
0x230: {  	s1 =	sshrl.u32 s1, $0x3;
	[tilespmem:v21+s17+$0x0] =	vst.idx.msk $0xffff, v16;
	s26 =	sadd.s32 s26, s28  }
0x231: {  	s25 =	sadd.s32 s2, s1;
	s1 =	simm.s32 $0x0;
	[tilespmem:v22+s17+$0x0] =	vst.idx.msk $0xffff, v20;
	s26 =	sshrl.u32 s26, $0x3  }
0x232: {  	[hbm4b:s25+s1] =	stream.linear.scatter [tilespmem:s17], [sflag:$0x3], $0x7800, $0x38;
	[tilespmem:$0x14000] =	vst v63  }
0x233: {  	s26 =	sadd.s32 s4, s26  }
0x234: {  	[tilespmem:s1], [sflag:$0x1] =	stream.linear.gather [hbm4b:s26+s1], $0x2800, $0x38;
	[tilespmem:$0x14000] =	vst v63  }
0x235: {  	s26 =	simm.s32 $0x1;
	_ =	swait.ge [sflag:s18], $0x2800  }
0x236: {  	v16 =	vmov s26;
	[sflag:s18] =	ssyncset.done $0x0  }
0x237: {  	v17 =	vmov s1;
	v18 =	vshrl.u32 v16, $0x3;
	[sflag:s18] =	ssyncadd.s32 $0xFFFFD800  }
0x238: {  	v19 =	vshrl.u32 v17, $0x3;
	v16 =	vshll.u32 v16, $0x7;
	v18 =	vmul.u32 $0xC00, v18;
	_ =	swait.ge [sflag:s21], $0x7800  }
0x239: {  	v17 =	vshll.u32 v17, $0x7;
	v19 =	vmul.u32 $0xC00, v19;
	v16 =	vand.u32 $0x380, v16;
	[sflag:s21] =	ssyncset.done $0x0  }
0x23a: {  	s28 =	simm.s32 $0x2880;
	v17 =	vand.u32 $0x300, v17;
	v22 =	vor.u32 v16, v18;
	[sflag:s21] =	ssyncadd.s32 $0xFFFF8800  }
0x23b: {  	v20 =	vor.u32 v17, v19;
	v17 =	vor.u32 v1, v22;
	v16 =	vld [tilespmem:s28+$0x0]  }
0x23c: {  	v19 =	vor.u32 v1, v20;
	v18 =	vld [tilespmem:s28+$0xFFFFFF80];
	_ =	sdelay $0x3  }
0x23d: {  	[tilespmem:v17+s19+$0x0] =	vst.idx.msk $0xffff, v16  }
0x23e: {  	[tilespmem:v19+s19+$0x0] =	vst.idx.msk $0xffff, v18;
	v17 =	vor.u32 v2, v22;
	v16 =	vld [tilespmem:s28+$0x10]  }
0x23f: {  	v19 =	vor.u32 v2, v20;
	v18 =	vld [tilespmem:s28+$0xFFFFFF90];
	_ =	sdelay $0x1  }
0x240: {  	s26 =	simm.s32 $0x2  }
0x241: {  	v21 =	vmov s26;
	s26 =	simm.s32 $0x3  }
0x242: {  	v23 =	vshrl.u32 v21, $0x3;
	v24 =	vmov s26;
	[tilespmem:v17+s19+$0x0] =	vst.idx.msk $0xffff, v16  }
0x243: {  	v25 =	vadd.s32 v10, v22;
	v16 =	vshrl.u32 v24, $0x3;
	[tilespmem:v19+s19+$0x0] =	vst.idx.msk $0xffff, v18;
	v18 =	vadd.s32 $0x400, v20;
	v19 =	vld [tilespmem:s28+$0x20]  }
0x244: {  	v17 =	vshll.u32 v24, $0x7;
	v16 =	vmul.u32 $0xC00, v16;
	v24 =	vld [tilespmem:s28+$0xFFFFFFA0];
	v26 =	vor.u32 v3, v18  }
0x245: {  	v21 =	vshll.u32 v21, $0x7;
	v23 =	vmul.u32 $0xC00, v23;
	v17 =	vand.u32 $0x380, v17  }
0x246: {  	s26 =	simm.s32 $0x2980;
	v21 =	vand.u32 $0x300, v21;
	v16 =	vor.u32 v17, v16  }
0x247: {  	v17 =	vor.u32 v21, v23;
	v21 =	vld [tilespmem:s26+$0x0];
	v23 =	vor.u32 v1, v16  }
0x248: {  	v27 =	vld [tilespmem:s26+$0xFFFFFF80];
	v28 =	vor.u32 v1, v17;
	[tilespmem:v25+s19+$0x0] =	vst.idx.msk $0xffff, v19  }
0x249: {  	[tilespmem:v26+s19+$0x0] =	vst.idx.msk $0xffff, v24;
	v24 =	vadd.s32 v11, v22;
	v19 =	vld [tilespmem:s28+$0x30]  }
0x24a: {  	v26 =	vor.u32 v4, v18;
	v25 =	vld [tilespmem:s28+$0xFFFFFFB0];
	_ =	sdelay $0x1  }
0x24b: {  	[tilespmem:v23+s19+$0x0] =	vst.idx.msk $0xffff, v21  }
0x24c: {  	[tilespmem:v28+s19+$0x0] =	vst.idx.msk $0xffff, v27;
	v23 =	vor.u32 v2, v16;
	v21 =	vld [tilespmem:s26+$0x10]  }
0x24d: {  	v28 =	vor.u32 v2, v17;
	v27 =	vld [tilespmem:s26+$0xFFFFFF90];
	[tilespmem:v24+s19+$0x0] =	vst.idx.msk $0xffff, v19  }
0x24e: {  	[tilespmem:v26+s19+$0x0] =	vst.idx.msk $0xffff, v25;
	v24 =	vadd.s32 v12, v22;
	v19 =	vld [tilespmem:s28+$0x40]  }
0x24f: {  	s1 =	simm.s32 $0x4;
	v18 =	vor.u32 v5, v18;
	v26 =	vld [tilespmem:s28+$0xFFFFFFC0]  }
0x250: {  	v31 =	vadd.s32 $0x400, v17;
	v25 =	vmov s1;
	s1 =	simm.s32 $0x5  }
0x251: {  	v56 =	vor.u32 v3, v31;
	v29 =	vshrl.u32 v25, $0x3;
	v30 =	vmov s1;
	[tilespmem:v23+s19+$0x0] =	vst.idx.msk $0xffff, v21  }
0x252: {  	v25 =	vshll.u32 v25, $0x7;
	v21 =	vshrl.u32 v30, $0x3;
	[tilespmem:v28+s19+$0x0] =	vst.idx.msk $0xffff, v27;
	v27 =	vadd.s32 v10, v16;
	v23 =	vld [tilespmem:s26+$0x20]  }
0x253: {  	v29 =	vmul.u32 $0xC00, v29;
	v28 =	vshll.u32 v30, $0x7;
	v21 =	vmul.u32 $0xC00, v21;
	v30 =	vld [tilespmem:s26+$0xFFFFFFA0];
	[tilespmem:v24+s19+$0x0] =	vst.idx.msk $0xffff, v19  }
0x254: {  	v19 =	vand.u32 $0x380, v28;
	[tilespmem:v18+s19+$0x0] =	vst.idx.msk $0xffff, v26;
	v24 =	vadd.s32 v7, v20;
	v28 =	vadd.s32 v13, v22;
	v26 =	vld [tilespmem:s28+$0x50]  }
0x255: {  	s29 =	simm.s32 $0x2A80;
	v25 =	vand.u32 $0x300, v25;
	v18 =	vor.u32 v19, v21;
	v21 =	vld [tilespmem:s28+$0xFFFFFFD0];
	v24 =	vadd.s32 v6, v24  }
0x256: {  	v19 =	vor.u32 v25, v29;
	v25 =	vld [tilespmem:s29+$0x0];
	v29 =	vor.u32 v1, v18  }
0x257: {  	v57 =	vld [tilespmem:s29+$0xFFFFFF80];
	v58 =	vor.u32 v1, v19;
	[tilespmem:v27+s19+$0x0] =	vst.idx.msk $0xffff, v23  }
0x258: {  	[tilespmem:v56+s19+$0x0] =	vst.idx.msk $0xffff, v30;
	v30 =	vadd.s32 v11, v16;
	v23 =	vld [tilespmem:s26+$0x30]  }
0x259: {  	[tilespmem:v28+s19+$0x0] =	vst.idx.msk $0xffff, v26  }
0x25a: {  	v59 =	vor.u32 v4, v31;
	v32 =	vld [tilespmem:s26+$0xFFFFFFB0];
	[tilespmem:v24+s19+$0x0] =	vst.idx.msk $0xffff, v21  }
0x25b: {  	v60 =	vadd.s32 v14, v22;
	v20 =	vadd.s32 $0x800, v20;
	v21 =	vld [tilespmem:s28+$0x60];
	[tilespmem:v29+s19+$0x0] =	vst.idx.msk $0xffff, v25  }
0x25c: {  	v62 =	vor.u32 v8, v20;
	v61 =	vld [tilespmem:s28+$0xFFFFFFE0];
	[tilespmem:v58+s19+$0x0] =	vst.idx.msk $0xffff, v57  }
0x25d: {  	v28 =	vld [tilespmem:s29+$0x10];
	[tilespmem:v30+s19+$0x0] =	vst.idx.msk $0xffff, v23;
	v30 =	vor.u32 v2, v18  }
0x25e: {  	v29 =	vor.u32 v2, v19;
	v27 =	vld [tilespmem:s29+$0xFFFFFF90]  }
0x25f: {  	s1 =	simm.s32 $0x6;
	v25 =	vadd.s32 v12, v16;
	[tilespmem:v59+s19+$0x0] =	vst.idx.msk $0xffff, v32;
	v23 =	vld [tilespmem:s26+$0x40]  }
0x260: {  	v63 =	vmov s1;
	v26 =	vor.u32 v5, v31;
	v24 =	vld [tilespmem:s26+$0xFFFFFFC0];
	[tilespmem:v60+s19+$0x0] =	vst.idx.msk $0xffff, v21  }
0x261: {  	s31 =	simm.s32 $0x7;
	s30 =	simm.s32 $0x8;
	v22 =	vadd.s32 v15, v22;
	v31 =	vshll.u32 v63, $0x7;
	v32 =	vshrl.u32 v63, $0x3;
	[tilespmem:v62+s19+$0x0] =	vst.idx.msk $0xffff, v61;
	v21 =	vld [tilespmem:s28+$0x63]  }
.LBB2_13:
0x262: {  	p0 =	slt.u32 s30, $0x4E;
	v32 =	vmul.u32 $0xC00, v32;
	v33 =	vmov s31;
	[tilespmem:v30+s19+$0x0] =	vst.idx.msk $0xffff, v28;
	v28 =	vld [tilespmem:s28+$0xFFFFFFE3];
	v20 =	vor.u32 v9, v20;
	v34 =	vmovc v18;
	s28 =	smov.u32 s26;
	s26 =	smov.u32 s29  }
0x263: {  	v35 =	vadd.s32 $0x400, v19;
	v18 =	vshrl.u32 v33, $0x3;
	[tilespmem:v29+s19+$0x0] =	vst.idx.msk $0xffff, v27;
	v27 =	vld [tilespmem:s29+$0x20];
	v29 =	vadd.s32 v10, v34  }
0x264: {  	v30 =	vshll.u32 v33, $0x7;
	v36 =	vor.u32 v3, v35;
	v18 =	vmul.u32 $0xC00, v18;
	v33 =	vld [tilespmem:s29+$0xFFFFFFA0];
	[tilespmem:v25+s19+$0x0] =	vst.idx.msk $0xffff, v23  }
0x265: {  	v23 =	vand.u32 $0x380, v30;
	[tilespmem:v26+s19+$0x0] =	vst.idx.msk $0xffff, v24;
	v24 =	vadd.s32 v7, v17;
	v25 =	vld [tilespmem:s28+$0x50];
	v26 =	vadd.s32 v13, v16  }
0x266: {  	v30 =	vand.u32 $0x300, v31;
	s29 =	sadd.s32 $0x100, s29;
	v18 =	vor.u32 v23, v18;
	v23 =	vld [tilespmem:s28+$0xFFFFFFD0];
	v24 =	vadd.s32 v6, v24;
	[tilespmem:v22+s19+$0x0] =	vst.idx.msk $0xffff, v21  }
0x267: {  	v21 =	vor.u32 v30, v32;
	v22 =	vld [tilespmem:s29+$0x0];
	v30 =	vor.u32 v1, v18;
	[tilespmem:v20+s19+$0x0] =	vst.idx.msk $0xffff, v28  }
0x268: {  	v31 =	vor.u32 v1, v21;
	v28 =	vld [tilespmem:s29+$0xFFFFFF80];
	[tilespmem:v29+s19+$0x0] =	vst.idx.msk $0xffff, v27  }
0x269: {  	[tilespmem:v36+s19+$0x0] =	vst.idx.msk $0xffff, v33;
	v32 =	vld [tilespmem:s26+$0x30];
	v33 =	vadd.s32 v11, v34  }
0x26a: {  	v37 =	vor.u32 v4, v35;
	v36 =	vld [tilespmem:s26+$0xFFFFFFB0];
	[tilespmem:v26+s19+$0x0] =	vst.idx.msk $0xffff, v25  }
0x26b: {  	v39 =	vadd.s32 v14, v16;
	v20 =	vadd.s32 $0x800, v17;
	v17 =	vmovc v19;
	v19 =	vmov v21;
	[tilespmem:v24+s19+$0x0] =	vst.idx.msk $0xffff, v23;
	v38 =	vld [tilespmem:s28+$0x60]  }
0x26c: {  	[tilespmem:v30+s19+$0x0] =	vst.idx.msk $0xffff, v22;
	v21 =	vld [tilespmem:s28+$0xFFFFFFE0];
	v22 =	vor.u32 v8, v20  }
.Ltmp5:
0x26d: {  	v30 =	vor.u32 v2, v18;
	[tilespmem:v31+s19+$0x0] =	vst.idx.msk $0xffff, v28;
	v28 =	vld [tilespmem:s29+$0x10];
	(pc) =	sbr.rel @p0 .LBB2_13-.Ltmp5, $4  }
0x26e: {  	v29 =	vor.u32 v2, v19;
	v27 =	vld [tilespmem:s29+$0xFFFFFF90];
	[tilespmem:v33+s19+$0x0] =	vst.idx.msk $0xffff, v32  }
0x26f: {  	v25 =	vadd.s32 v12, v34;
	[tilespmem:v37+s19+$0x0] =	vst.idx.msk $0xffff, v36;
	v23 =	vld [tilespmem:s26+$0x40]  }
0x270: {  	v26 =	vor.u32 v5, v35;
	v31 =	vmov s30;
	v24 =	vld [tilespmem:s26+$0xFFFFFFC0];
	[tilespmem:v39+s19+$0x0] =	vst.idx.msk $0xffff, v38  }
0x271: {  	s31 =	sadd.s32 $0x1, s30;
	s30 =	sadd.s32 $0x2, s30;
	v32 =	vshrl.u32 v31, $0x3;
	v31 =	vshll.u32 v31, $0x7;
	[tilespmem:v22+s19+$0x0] =	vst.idx.msk $0xffff, v21;
	v21 =	vld [tilespmem:s28+$0x63];
	v22 =	vadd.s32 v15, v16;
	v16 =	vmovc v34  }
0x272: {  	v33 =	vmov s31  }
0x273: {  	v32 =	vmul.u32 $0xC00, v32;
	v34 =	vshrl.u32 v33, $0x3  }
0x274: {  	v31 =	vand.u32 $0x300, v31;
	v33 =	vshll.u32 v33, $0x7;
	v34 =	vmul.u32 $0xC00, v34  }
0x275: {  	s30 =	sadd.s32 $0x100, s29;
	v33 =	vand.u32 $0x380, v33;
	v31 =	vor.u32 v31, v32  }
0x276: {  	v35 =	vld [tilespmem:s30+$0xFFFFFF80];
	v36 =	vor.u32 v1, v31;
	v33 =	vor.u32 v33, v34  }
0x277: {  	v41 =	vld [tilespmem:s30+$0x0];
	v34 =	vor.u32 v1, v33;
	_ =	sdelay $0x3  }
0x278: {  	[tilespmem:v36+s19+$0x0] =	vst.idx.msk $0xffff, v35  }
0x279: {  	v43 =	vor.u32 v2, v31;
	v35 =	vld [tilespmem:s30+$0xFFFFFF90];
	[tilespmem:v34+s19+$0x0] =	vst.idx.msk $0xffff, v41  }
0x27a: {  	v42 =	vor.u32 v2, v33;
	v32 =	vld [tilespmem:s30+$0x10]  }
0x27b: {  	v44 =	vadd.s32 $0x400, v19;
	[tilespmem:v29+s19+$0x0] =	vst.idx.msk $0xffff, v27  }
0x27c: {  	[tilespmem:v30+s19+$0x0] =	vst.idx.msk $0xffff, v28;
	v37 =	vor.u32 v3, v44;
	v46 =	vld [tilespmem:s29+$0xFFFFFFA0]  }
0x27d: {  	v45 =	vadd.s32 v10, v18;
	v28 =	vld [tilespmem:s29+$0x20]  }
0x27e: {  	v47 =	vadd.s32 $0x400, v31;
	[tilespmem:v43+s19+$0x0] =	vst.idx.msk $0xffff, v35  }
0x27f: {  	v38 =	vor.u32 v3, v47;
	v36 =	vld [tilespmem:s30+$0xFFFFFFA0];
	[tilespmem:v42+s19+$0x0] =	vst.idx.msk $0xffff, v32  }
0x280: {  	v48 =	vadd.s32 v10, v33;
	v34 =	vld [tilespmem:s30+$0x20]  }
0x281: {  	[tilespmem:v37+s19+$0x0] =	vst.idx.msk $0xffff, v46  }
0x282: {  	v50 =	vor.u32 v4, v44;
	[tilespmem:v45+s19+$0x0] =	vst.idx.msk $0xffff, v28;
	v30 =	vld [tilespmem:s29+$0xFFFFFFB0]  }
0x283: {  	v49 =	vadd.s32 v11, v18;
	[tilespmem:v25+s19+$0x0] =	vst.idx.msk $0xffff, v23;
	v28 =	vld [tilespmem:s29+$0x30]  }
0x284: {  	[tilespmem:v38+s19+$0x0] =	vst.idx.msk $0xffff, v36  }
0x285: {  	v53 =	vor.u32 v4, v47;
	v52 =	vld [tilespmem:s30+$0xFFFFFFB0];
	[tilespmem:v48+s19+$0x0] =	vst.idx.msk $0xffff, v34  }
0x286: {  	[tilespmem:v26+s19+$0x0] =	vst.idx.msk $0xffff, v24;
	v51 =	vadd.s32 v11, v33;
	v35 =	vld [tilespmem:s30+$0x30]  }
0x287: {  	v54 =	vld [tilespmem:s28+$0xFFFFFFE3];
	v20 =	vor.u32 v9, v20;
	[tilespmem:v50+s19+$0x0] =	vst.idx.msk $0xffff, v30  }
0x288: {  	v27 =	vor.u32 v5, v44;
	[tilespmem:v49+s19+$0x0] =	vst.idx.msk $0xffff, v28;
	v57 =	vld [tilespmem:s29+$0xFFFFFFC0]  }
0x289: {  	v56 =	vadd.s32 v12, v18;
	[tilespmem:v22+s19+$0x0] =	vst.idx.msk $0xffff, v21;
	v55 =	vld [tilespmem:s29+$0x40]  }
0x28a: {  	v63 =	vld [tilespmem:s26+$0x50];
	v36 =	vadd.s32 v13, v16;
	[tilespmem:v53+s19+$0x0] =	vst.idx.msk $0xffff, v52  }
0x28b: {  	v61 =	vor.u32 v5, v47;
	v60 =	vld [tilespmem:s30+$0xFFFFFFC0];
	[tilespmem:v51+s19+$0x0] =	vst.idx.msk $0xffff, v35  }
0x28c: {  	v62 =	vadd.s32 v7, v17;
	v59 =	vadd.s32 v12, v33;
	[tilespmem:v20+s19+$0x0] =	vst.idx.msk $0xffff, v54;
	v58 =	vld [tilespmem:s30+$0x40]  }
0x28d: {  	v39 =	vadd.s32 v7, v19;
	v37 =	vld [tilespmem:s26+$0xFFFFFFD0];
	[tilespmem:v27+s19+$0x0] =	vst.idx.msk $0xffff, v57;
	v38 =	vadd.s32 v6, v62  }
0x28e: {  	v26 =	vadd.s32 v6, v39;
	[tilespmem:v56+s19+$0x0] =	vst.idx.msk $0xffff, v55;
	v29 =	vld [tilespmem:s29+$0xFFFFFFD0]  }
0x28f: {  	v41 =	vadd.s32 v13, v18;
	v40 =	vld [tilespmem:s29+$0x50];
	[tilespmem:v36+s19+$0x0] =	vst.idx.msk $0xffff, v63  }
0x290: {  	v47 =	vadd.s32 v14, v16;
	v42 =	vadd.s32 v7, v31;
	v46 =	vld [tilespmem:s26+$0x60];
	[tilespmem:v61+s19+$0x0] =	vst.idx.msk $0xffff, v60  }
0x291: {  	v21 =	vadd.s32 v6, v42;
	v45 =	vld [tilespmem:s30+$0xFFFFFFD0];
	[tilespmem:v59+s19+$0x0] =	vst.idx.msk $0xffff, v58  }
0x292: {  	v17 =	vadd.s32 $0x800, v17;
	v44 =	vadd.s32 v13, v33;
	[tilespmem:v38+s19+$0x0] =	vst.idx.msk $0xffff, v37;
	v43 =	vld [tilespmem:s30+$0x50]  }
0x293: {  	v49 =	vor.u32 v8, v17;
	v50 =	vadd.s32 $0x800, v19;
	[tilespmem:v26+s19+$0x0] =	vst.idx.msk $0xffff, v29;
	v48 =	vld [tilespmem:s26+$0xFFFFFFE0]  }
0x294: {  	v54 =	vor.u32 v8, v50;
	[tilespmem:v41+s19+$0x0] =	vst.idx.msk $0xffff, v40;
	v53 =	vld [tilespmem:s29+$0xFFFFFFE0]  }
0x295: {  	v52 =	vadd.s32 v14, v18;
	v51 =	vld [tilespmem:s29+$0x60];
	[tilespmem:v47+s19+$0x0] =	vst.idx.msk $0xffff, v46  }
0x296: {  	v55 =	vadd.s32 $0x800, v31;
	v16 =	vadd.s32 v15, v16;
	v59 =	vld [tilespmem:s26+$0x63];
	[tilespmem:v21+s19+$0x0] =	vst.idx.msk $0xffff, v45  }
0x297: {  	v58 =	vor.u32 v8, v55;
	v57 =	vld [tilespmem:s30+$0xFFFFFFE0];
	[tilespmem:v44+s19+$0x0] =	vst.idx.msk $0xffff, v43  }
0x298: {  	v56 =	vadd.s32 v14, v33;
	[tilespmem:v49+s19+$0x0] =	vst.idx.msk $0xffff, v48;
	v22 =	vld [tilespmem:s30+$0x60]  }
0x299: {  	[tilespmem:v54+s19+$0x0] =	vst.idx.msk $0xffff, v53  }
0x29a: {  	v17 =	vor.u32 v9, v17;
	v30 =	vld [tilespmem:s26+$0xFFFFFFE3];
	[tilespmem:v52+s19+$0x0] =	vst.idx.msk $0xffff, v51  }
0x29b: {  	v19 =	vor.u32 v9, v50;
	v61 =	vld [tilespmem:s29+$0xFFFFFFE3];
	[tilespmem:v16+s19+$0x0] =	vst.idx.msk $0xffff, v59  }
0x29c: {  	v60 =	vadd.s32 v15, v18;
	v26 =	vld [tilespmem:s29+$0x63];
	[tilespmem:v58+s19+$0x0] =	vst.idx.msk $0xffff, v57  }
0x29d: {  	s1 =	sadd.s32 $0x3, s24;
	v21 =	vor.u32 v9, v55;
	v16 =	vld [tilespmem:s30+$0xFFFFFFE3];
	[tilespmem:v56+s19+$0x0] =	vst.idx.msk $0xffff, v22  }
0x29e: {  	s24 =	sshrl.u32 s1, $0x2;
	s1 =	sand.u32 $0x3, s1;
	v63 =	vadd.s32 v15, v33;
	v62 =	vld [tilespmem:s30+$0x63]  }
0x29f: {  	s24 =	sadd.s32 s5, s24;
	s1 =	smul.u32 $0x2800, s1;
	[tilespmem:v17+s19+$0x0] =	vst.idx.msk $0xffff, v30  }
0x2a0: {  	s23 =	sadd.s32 $0x1, s23;
	s24 =	smul.u32 $0xA000, s24;
	[tilespmem:v19+s19+$0x0] =	vst.idx.msk $0xffff, v61  }
0x2a1: {  	p0 =	sne.s32 s23, $0x1D;
	[tilespmem:v60+s19+$0x0] =	vst.idx.msk $0xffff, v26  }
.Ltmp6:
0x2a2: {  	s1 =	sadd.s32 s1, s24;
	[tilespmem:v21+s19+$0x0] =	vst.idx.msk $0xffff, v16;
	(pc) =	sbr.rel @p0 .LBB2_10-.Ltmp6, $4  }
0x2a3: {  	s25 =	sadd.s32 $0xF00, s25;
	s1 =	sshrl.u32 s1, $0x3;
	[tilespmem:v63+s19+$0x0] =	vst.idx.msk $0xffff, v62  }
0x2a4: {  	[hbm4b:s25+s3] =	stream.linear.scatter [tilespmem:s19], [sflag:$0x4], $0x7800, $0x38;
	[tilespmem:$0x14000] =	vst v63  }
0x2a5: {  	s1 =	sadd.s32 s4, s1  }
0x2a6: {  	[tilespmem:s15], [sflag:$0x2] =	stream.linear.gather [hbm4b:s1+s3], $0x2800, $0x38;
	[tilespmem:$0x14000] =	vst v63  }
0x2a7: {  	_ =	swait.ge [sflag:s16], $0x2800;
	s1 =	simm.s32 $0x1  }
0x2a8: {  	s23 =	simm.s32 $0x0;
	[sflag:s16] =	ssyncset.done $0x0;
	v16 =	vmov s1  }
0x2a9: {  	v17 =	vmov s23;
	[sflag:s16] =	ssyncadd.s32 $0xFFFFD800;
	v18 =	vshrl.u32 v16, $0x3  }
0x2aa: {  	v19 =	vshrl.u32 v17, $0x3;
	v16 =	vshll.u32 v16, $0x7;
	_ =	swait.ge [sflag:s20], $0x7800;
	v18 =	vmul.u32 $0xC00, v18  }
0x2ab: {  	v17 =	vshll.u32 v17, $0x7;
	v19 =	vmul.u32 $0xC00, v19;
	v16 =	vand.u32 $0x380, v16;
	[sflag:s20] =	ssyncset.done $0x0  }
0x2ac: {  	s24 =	simm.s32 $0x80;
	v17 =	vand.u32 $0x300, v17;
	[sflag:s20] =	ssyncadd.s32 $0xFFFF8800;
	v22 =	vor.u32 v16, v18  }
0x2ad: {  	v20 =	vor.u32 v17, v19;
	v16 =	vld [tilespmem:s24+$0x0];
	v17 =	vor.u32 v1, v22  }
0x2ae: {  	v18 =	vld [tilespmem:s24+$0xFFFFFF80];
	v19 =	vor.u32 v1, v20;
	_ =	sdelay $0x3  }
0x2af: {  	[tilespmem:v17+s17+$0x0] =	vst.idx.msk $0xffff, v16  }
0x2b0: {  	[tilespmem:v19+s17+$0x0] =	vst.idx.msk $0xffff, v18;
	v17 =	vor.u32 v2, v22;
	v16 =	vld [tilespmem:s24+$0x10]  }
0x2b1: {  	v19 =	vor.u32 v2, v20;
	v18 =	vld [tilespmem:s24+$0xFFFFFF90];
	_ =	sdelay $0x1  }
0x2b2: {  	s25 =	simm.s32 $0x2  }
0x2b3: {  	s26 =	simm.s32 $0x3;
	v21 =	vmov s25  }
0x2b4: {  	v24 =	vmov s26;
	v23 =	vshrl.u32 v21, $0x3;
	[tilespmem:v17+s17+$0x0] =	vst.idx.msk $0xffff, v16  }
0x2b5: {  	v25 =	vadd.s32 v10, v22;
	v16 =	vshrl.u32 v24, $0x3;
	[tilespmem:v19+s17+$0x0] =	vst.idx.msk $0xffff, v18;
	v18 =	vadd.s32 $0x400, v20;
	v19 =	vld [tilespmem:s24+$0x20]  }
0x2b6: {  	v17 =	vshll.u32 v24, $0x7;
	v16 =	vmul.u32 $0xC00, v16;
	v24 =	vld [tilespmem:s24+$0xFFFFFFA0];
	v26 =	vor.u32 v3, v18  }
0x2b7: {  	v21 =	vshll.u32 v21, $0x7;
	v23 =	vmul.u32 $0xC00, v23;
	v17 =	vand.u32 $0x380, v17  }
0x2b8: {  	s23 =	simm.s32 $0x180;
	v21 =	vand.u32 $0x300, v21;
	v16 =	vor.u32 v17, v16  }
0x2b9: {  	v17 =	vor.u32 v21, v23;
	v21 =	vld [tilespmem:s23+$0x0];
	v23 =	vor.u32 v1, v16  }
0x2ba: {  	v27 =	vld [tilespmem:s23+$0xFFFFFF80];
	v28 =	vor.u32 v1, v17;
	[tilespmem:v25+s17+$0x0] =	vst.idx.msk $0xffff, v19  }
0x2bb: {  	[tilespmem:v26+s17+$0x0] =	vst.idx.msk $0xffff, v24;
	v24 =	vadd.s32 v11, v22;
	v19 =	vld [tilespmem:s24+$0x30]  }
0x2bc: {  	v26 =	vor.u32 v4, v18;
	v25 =	vld [tilespmem:s24+$0xFFFFFFB0];
	_ =	sdelay $0x1  }
0x2bd: {  	[tilespmem:v23+s17+$0x0] =	vst.idx.msk $0xffff, v21  }
0x2be: {  	[tilespmem:v28+s17+$0x0] =	vst.idx.msk $0xffff, v27;
	v23 =	vor.u32 v2, v16;
	v21 =	vld [tilespmem:s23+$0x10]  }
0x2bf: {  	v28 =	vor.u32 v2, v17;
	v27 =	vld [tilespmem:s23+$0xFFFFFF90];
	[tilespmem:v24+s17+$0x0] =	vst.idx.msk $0xffff, v19  }
0x2c0: {  	[tilespmem:v26+s17+$0x0] =	vst.idx.msk $0xffff, v25;
	v24 =	vadd.s32 v12, v22;
	v19 =	vld [tilespmem:s24+$0x40]  }
0x2c1: {  	s29 =	simm.s32 $0x4;
	v18 =	vor.u32 v5, v18;
	v26 =	vld [tilespmem:s24+$0xFFFFFFC0]  }
0x2c2: {  	s30 =	simm.s32 $0x5;
	v31 =	vadd.s32 $0x400, v17;
	v25 =	vmov s29  }
0x2c3: {  	v30 =	vmov s30;
	v32 =	vor.u32 v3, v31;
	v29 =	vshrl.u32 v25, $0x3;
	[tilespmem:v23+s17+$0x0] =	vst.idx.msk $0xffff, v21  }
0x2c4: {  	v25 =	vshll.u32 v25, $0x7;
	v21 =	vshrl.u32 v30, $0x3;
	[tilespmem:v28+s17+$0x0] =	vst.idx.msk $0xffff, v27;
	v27 =	vadd.s32 v10, v16;
	v23 =	vld [tilespmem:s23+$0x20]  }
0x2c5: {  	v29 =	vmul.u32 $0xC00, v29;
	v28 =	vshll.u32 v30, $0x7;
	v21 =	vmul.u32 $0xC00, v21;
	v30 =	vld [tilespmem:s23+$0xFFFFFFA0];
	[tilespmem:v24+s17+$0x0] =	vst.idx.msk $0xffff, v19  }
0x2c6: {  	v19 =	vand.u32 $0x380, v28;
	[tilespmem:v18+s17+$0x0] =	vst.idx.msk $0xffff, v26;
	v24 =	vadd.s32 v7, v20;
	v28 =	vadd.s32 v13, v22;
	v26 =	vld [tilespmem:s24+$0x50]  }
0x2c7: {  	s25 =	simm.s32 $0x280;
	v25 =	vand.u32 $0x300, v25;
	v18 =	vor.u32 v19, v21;
	v21 =	vld [tilespmem:s24+$0xFFFFFFD0];
	v24 =	vadd.s32 v6, v24  }
0x2c8: {  	v19 =	vor.u32 v25, v29;
	v25 =	vld [tilespmem:s25+$0x0];
	v29 =	vor.u32 v1, v18  }
0x2c9: {  	v33 =	vld [tilespmem:s25+$0xFFFFFF80];
	v34 =	vor.u32 v1, v19;
	[tilespmem:v27+s17+$0x0] =	vst.idx.msk $0xffff, v23  }
0x2ca: {  	[tilespmem:v32+s17+$0x0] =	vst.idx.msk $0xffff, v30;
	v30 =	vadd.s32 v11, v16;
	v23 =	vld [tilespmem:s23+$0x30]  }
0x2cb: {  	[tilespmem:v28+s17+$0x0] =	vst.idx.msk $0xffff, v26  }
0x2cc: {  	v35 =	vor.u32 v4, v31;
	v32 =	vld [tilespmem:s23+$0xFFFFFFB0];
	[tilespmem:v24+s17+$0x0] =	vst.idx.msk $0xffff, v21  }
0x2cd: {  	v36 =	vadd.s32 v14, v22;
	v20 =	vadd.s32 $0x800, v20;
	v21 =	vld [tilespmem:s24+$0x60];
	[tilespmem:v29+s17+$0x0] =	vst.idx.msk $0xffff, v25  }
0x2ce: {  	v38 =	vor.u32 v8, v20;
	v37 =	vld [tilespmem:s24+$0xFFFFFFE0];
	[tilespmem:v34+s17+$0x0] =	vst.idx.msk $0xffff, v33  }
0x2cf: {  	v28 =	vld [tilespmem:s25+$0x10];
	[tilespmem:v30+s17+$0x0] =	vst.idx.msk $0xffff, v23;
	v30 =	vor.u32 v2, v18  }
0x2d0: {  	v29 =	vor.u32 v2, v19;
	v27 =	vld [tilespmem:s25+$0xFFFFFF90]  }
0x2d1: {  	s31 =	simm.s32 $0x6;
	v25 =	vadd.s32 v12, v16;
	[tilespmem:v35+s17+$0x0] =	vst.idx.msk $0xffff, v32;
	v23 =	vld [tilespmem:s23+$0x40]  }
0x2d2: {  	v63 =	vmov s31;
	v26 =	vor.u32 v5, v31;
	v24 =	vld [tilespmem:s23+$0xFFFFFFC0];
	[tilespmem:v36+s17+$0x0] =	vst.idx.msk $0xffff, v21  }
0x2d3: {  	s28 =	simm.s32 $0x7;
	s26 =	simm.s32 $0x8;
	v22 =	vadd.s32 v15, v22;
	v31 =	vshll.u32 v63, $0x7;
	v32 =	vshrl.u32 v63, $0x3;
	[tilespmem:v38+s17+$0x0] =	vst.idx.msk $0xffff, v37;
	v21 =	vld [tilespmem:s24+$0x63]  }
.LBB2_16:
0x2d4: {  	p0 =	slt.u32 s26, $0x4E;
	v32 =	vmul.u32 $0xC00, v32;
	v33 =	vmov s28;
	[tilespmem:v30+s17+$0x0] =	vst.idx.msk $0xffff, v28;
	v28 =	vld [tilespmem:s24+$0xFFFFFFE3];
	v20 =	vor.u32 v9, v20;
	v34 =	vmovc v18;
	s24 =	smov.u32 s23;
	s23 =	smov.u32 s25  }
0x2d5: {  	v35 =	vadd.s32 $0x400, v19;
	v18 =	vshrl.u32 v33, $0x3;
	[tilespmem:v29+s17+$0x0] =	vst.idx.msk $0xffff, v27;
	v27 =	vld [tilespmem:s25+$0x20];
	v29 =	vadd.s32 v10, v34  }
0x2d6: {  	v30 =	vshll.u32 v33, $0x7;
	v36 =	vor.u32 v3, v35;
	v18 =	vmul.u32 $0xC00, v18;
	v33 =	vld [tilespmem:s25+$0xFFFFFFA0];
	[tilespmem:v25+s17+$0x0] =	vst.idx.msk $0xffff, v23  }
0x2d7: {  	v23 =	vand.u32 $0x380, v30;
	[tilespmem:v26+s17+$0x0] =	vst.idx.msk $0xffff, v24;
	v24 =	vadd.s32 v7, v17;
	v25 =	vld [tilespmem:s24+$0x50];
	v26 =	vadd.s32 v13, v16  }
0x2d8: {  	v30 =	vand.u32 $0x300, v31;
	s25 =	sadd.s32 $0x100, s25;
	v18 =	vor.u32 v23, v18;
	v23 =	vld [tilespmem:s24+$0xFFFFFFD0];
	v24 =	vadd.s32 v6, v24;
	[tilespmem:v22+s17+$0x0] =	vst.idx.msk $0xffff, v21  }
0x2d9: {  	v21 =	vor.u32 v30, v32;
	v22 =	vld [tilespmem:s25+$0x0];
	v30 =	vor.u32 v1, v18;
	[tilespmem:v20+s17+$0x0] =	vst.idx.msk $0xffff, v28  }
0x2da: {  	v31 =	vor.u32 v1, v21;
	v28 =	vld [tilespmem:s25+$0xFFFFFF80];
	[tilespmem:v29+s17+$0x0] =	vst.idx.msk $0xffff, v27  }
0x2db: {  	[tilespmem:v36+s17+$0x0] =	vst.idx.msk $0xffff, v33;
	v32 =	vld [tilespmem:s23+$0x30];
	v33 =	vadd.s32 v11, v34  }
0x2dc: {  	v37 =	vor.u32 v4, v35;
	v36 =	vld [tilespmem:s23+$0xFFFFFFB0];
	[tilespmem:v26+s17+$0x0] =	vst.idx.msk $0xffff, v25  }
0x2dd: {  	v39 =	vadd.s32 v14, v16;
	v20 =	vadd.s32 $0x800, v17;
	v17 =	vmovc v19;
	v19 =	vmov v21;
	[tilespmem:v24+s17+$0x0] =	vst.idx.msk $0xffff, v23;
	v38 =	vld [tilespmem:s24+$0x60]  }
0x2de: {  	[tilespmem:v30+s17+$0x0] =	vst.idx.msk $0xffff, v22;
	v21 =	vld [tilespmem:s24+$0xFFFFFFE0];
	v22 =	vor.u32 v8, v20  }
.Ltmp7:
0x2df: {  	v30 =	vor.u32 v2, v18;
	[tilespmem:v31+s17+$0x0] =	vst.idx.msk $0xffff, v28;
	v28 =	vld [tilespmem:s25+$0x10];
	(pc) =	sbr.rel @p0 .LBB2_16-.Ltmp7, $4  }
0x2e0: {  	v29 =	vor.u32 v2, v19;
	v27 =	vld [tilespmem:s25+$0xFFFFFF90];
	[tilespmem:v33+s17+$0x0] =	vst.idx.msk $0xffff, v32  }
0x2e1: {  	v25 =	vadd.s32 v12, v34;
	[tilespmem:v37+s17+$0x0] =	vst.idx.msk $0xffff, v36;
	v23 =	vld [tilespmem:s23+$0x40]  }
0x2e2: {  	v26 =	vor.u32 v5, v35;
	v31 =	vmov s26;
	v24 =	vld [tilespmem:s23+$0xFFFFFFC0];
	[tilespmem:v39+s17+$0x0] =	vst.idx.msk $0xffff, v38  }
0x2e3: {  	s28 =	sadd.s32 $0x1, s26;
	s26 =	sadd.s32 $0x2, s26;
	v32 =	vshrl.u32 v31, $0x3;
	v31 =	vshll.u32 v31, $0x7;
	[tilespmem:v22+s17+$0x0] =	vst.idx.msk $0xffff, v21;
	v21 =	vld [tilespmem:s24+$0x63];
	v22 =	vadd.s32 v15, v16;
	v16 =	vmovc v34  }
0x2e4: {  	v33 =	vmov s28  }
0x2e5: {  	v32 =	vmul.u32 $0xC00, v32;
	v34 =	vshrl.u32 v33, $0x3  }
0x2e6: {  	v31 =	vand.u32 $0x300, v31;
	v33 =	vshll.u32 v33, $0x7;
	v34 =	vmul.u32 $0xC00, v34  }
0x2e7: {  	s26 =	sadd.s32 $0x100, s25;
	v33 =	vand.u32 $0x380, v33;
	v31 =	vor.u32 v31, v32  }
0x2e8: {  	v35 =	vld [tilespmem:s26+$0xFFFFFF80];
	v36 =	vor.u32 v1, v31;
	v33 =	vor.u32 v33, v34  }
0x2e9: {  	v46 =	vld [tilespmem:s26+$0x0];
	v34 =	vor.u32 v1, v33;
	_ =	sdelay $0x3  }
0x2ea: {  	[tilespmem:v36+s17+$0x0] =	vst.idx.msk $0xffff, v35  }
0x2eb: {  	v48 =	vor.u32 v2, v31;
	v35 =	vld [tilespmem:s26+$0xFFFFFF90];
	[tilespmem:v34+s17+$0x0] =	vst.idx.msk $0xffff, v46  }
0x2ec: {  	v47 =	vor.u32 v2, v33;
	v32 =	vld [tilespmem:s26+$0x10]  }
0x2ed: {  	[tilespmem:v30+s17+$0x0] =	vst.idx.msk $0xffff, v28  }
0x2ee: {  	[tilespmem:v29+s17+$0x0] =	vst.idx.msk $0xffff, v27;
	v27 =	vadd.s32 $0x400, v19;
	v28 =	vld [tilespmem:s25+$0x20];
	v29 =	vadd.s32 v10, v18  }
0x2ef: {  	v30 =	vld [tilespmem:s25+$0xFFFFFFA0];
	v37 =	vor.u32 v3, v27  }
0x2f0: {  	v49 =	vadd.s32 $0x400, v31;
	[tilespmem:v48+s17+$0x0] =	vst.idx.msk $0xffff, v35  }
0x2f1: {  	v38 =	vor.u32 v3, v49;
	v36 =	vld [tilespmem:s26+$0xFFFFFFA0];
	[tilespmem:v47+s17+$0x0] =	vst.idx.msk $0xffff, v32  }
0x2f2: {  	[tilespmem:v25+s17+$0x0] =	vst.idx.msk $0xffff, v23;
	v50 =	vadd.s32 v10, v33;
	v34 =	vld [tilespmem:s26+$0x20]  }
0x2f3: {  	[tilespmem:v29+s17+$0x0] =	vst.idx.msk $0xffff, v28  }
0x2f4: {  	v29 =	vadd.s32 v11, v18;
	[tilespmem:v37+s17+$0x0] =	vst.idx.msk $0xffff, v30;
	v28 =	vld [tilespmem:s25+$0x30]  }
0x2f5: {  	v51 =	vor.u32 v4, v27;
	[tilespmem:v26+s17+$0x0] =	vst.idx.msk $0xffff, v24;
	v30 =	vld [tilespmem:s25+$0xFFFFFFB0]  }
0x2f6: {  	v20 =	vor.u32 v9, v20;
	v24 =	vld [tilespmem:s24+$0xFFFFFFE3];
	[tilespmem:v38+s17+$0x0] =	vst.idx.msk $0xffff, v36  }
0x2f7: {  	v25 =	vor.u32 v4, v49;
	v23 =	vld [tilespmem:s26+$0xFFFFFFB0];
	[tilespmem:v50+s17+$0x0] =	vst.idx.msk $0xffff, v34  }
0x2f8: {  	[tilespmem:v22+s17+$0x0] =	vst.idx.msk $0xffff, v21;
	v52 =	vadd.s32 v11, v33;
	v35 =	vld [tilespmem:s26+$0x30]  }
0x2f9: {  	v54 =	vadd.s32 v13, v16;
	v53 =	vld [tilespmem:s23+$0x50];
	[tilespmem:v29+s17+$0x0] =	vst.idx.msk $0xffff, v28  }
0x2fa: {  	v28 =	vadd.s32 v12, v18;
	[tilespmem:v51+s17+$0x0] =	vst.idx.msk $0xffff, v30;
	v26 =	vld [tilespmem:s25+$0x40]  }
0x2fb: {  	v27 =	vor.u32 v5, v27;
	[tilespmem:v20+s17+$0x0] =	vst.idx.msk $0xffff, v24;
	v30 =	vadd.s32 v7, v17;
	v29 =	vld [tilespmem:s25+$0xFFFFFFC0]  }
0x2fc: {  	v20 =	vld [tilespmem:s23+$0xFFFFFFD0];
	v24 =	vadd.s32 v6, v30;
	[tilespmem:v25+s17+$0x0] =	vst.idx.msk $0xffff, v23  }
0x2fd: {  	v22 =	vor.u32 v5, v49;
	v21 =	vld [tilespmem:s26+$0xFFFFFFC0];
	[tilespmem:v52+s17+$0x0] =	vst.idx.msk $0xffff, v35  }
0x2fe: {  	[tilespmem:v54+s17+$0x0] =	vst.idx.msk $0xffff, v53;
	v25 =	vadd.s32 v12, v33;
	v23 =	vld [tilespmem:s26+$0x40]  }
0x2ff: {  	[tilespmem:v28+s17+$0x0] =	vst.idx.msk $0xffff, v26  }
0x300: {  	v26 =	vadd.s32 v7, v19;
	v28 =	vadd.s32 v13, v18;
	[tilespmem:v27+s17+$0x0] =	vst.idx.msk $0xffff, v29;
	v27 =	vld [tilespmem:s25+$0x50]  }
0x301: {  	v26 =	vadd.s32 v6, v26;
	[tilespmem:v24+s17+$0x0] =	vst.idx.msk $0xffff, v20;
	v29 =	vld [tilespmem:s25+$0xFFFFFFD0]  }
0x302: {  	v20 =	vld [tilespmem:s23+$0x60];
	v24 =	vadd.s32 v14, v16;
	[tilespmem:v22+s17+$0x0] =	vst.idx.msk $0xffff, v21;
	v21 =	vadd.s32 v7, v31  }
0x303: {  	v21 =	vadd.s32 v6, v21;
	[tilespmem:v25+s17+$0x0] =	vst.idx.msk $0xffff, v23;
	v25 =	vld [tilespmem:s26+$0xFFFFFFD0]  }
0x304: {  	v17 =	vadd.s32 $0x800, v17;
	v23 =	vadd.s32 v13, v33;
	v22 =	vld [tilespmem:s26+$0x50]  }
0x305: {  	v55 =	vor.u32 v8, v17;
	v30 =	vld [tilespmem:s23+$0xFFFFFFE0];
	[tilespmem:v28+s17+$0x0] =	vst.idx.msk $0xffff, v27  }
0x306: {  	v19 =	vadd.s32 $0x800, v19;
	v27 =	vadd.s32 v14, v18;
	[tilespmem:v26+s17+$0x0] =	vst.idx.msk $0xffff, v29;
	v26 =	vld [tilespmem:s25+$0x60]  }
0x307: {  	[tilespmem:v24+s17+$0x0] =	vst.idx.msk $0xffff, v20;
	v29 =	vor.u32 v8, v19;
	v28 =	vld [tilespmem:s25+$0xFFFFFFE0]  }
0x308: {  	v16 =	vadd.s32 v15, v16;
	[tilespmem:v21+s17+$0x0] =	vst.idx.msk $0xffff, v25;
	v21 =	vadd.s32 $0x800, v31;
	v25 =	vld [tilespmem:s23+$0x63]  }
0x309: {  	[tilespmem:v23+s17+$0x0] =	vst.idx.msk $0xffff, v22;
	v20 =	vld [tilespmem:s26+$0xFFFFFFE0];
	v24 =	vor.u32 v8, v21  }
0x30a: {  	[tilespmem:v55+s17+$0x0] =	vst.idx.msk $0xffff, v30;
	v23 =	vadd.s32 v14, v33;
	v22 =	vld [tilespmem:s26+$0x60]  }
0x30b: {  	[tilespmem:v27+s17+$0x0] =	vst.idx.msk $0xffff, v26  }
0x30c: {  	v17 =	vor.u32 v9, v17;
	v30 =	vld [tilespmem:s23+$0xFFFFFFE3];
	[tilespmem:v29+s17+$0x0] =	vst.idx.msk $0xffff, v28  }
0x30d: {  	v18 =	vadd.s32 v15, v18;
	v26 =	vld [tilespmem:s25+$0x63];
	[tilespmem:v16+s17+$0x0] =	vst.idx.msk $0xffff, v25  }
0x30e: {  	v19 =	vor.u32 v9, v19;
	v27 =	vld [tilespmem:s25+$0xFFFFFFE3];
	[tilespmem:v24+s17+$0x0] =	vst.idx.msk $0xffff, v20  }
0x30f: {  	v21 =	vor.u32 v9, v21;
	[tilespmem:v23+s17+$0x0] =	vst.idx.msk $0xffff, v22;
	v16 =	vld [tilespmem:s26+$0xFFFFFFE3]  }
0x310: {  	v22 =	vadd.s32 v15, v33;
	v20 =	vld [tilespmem:s26+$0x63]  }
0x311: {  	[tilespmem:v17+s17+$0x0] =	vst.idx.msk $0xffff, v30  }
0x312: {  	[tilespmem:v18+s17+$0x0] =	vst.idx.msk $0xffff, v26  }
0x313: {  	[tilespmem:v19+s17+$0x0] =	vst.idx.msk $0xffff, v27  }
0x314: {  	[tilespmem:v21+s17+$0x0] =	vst.idx.msk $0xffff, v16  }
0x315: {  	s1 =	simm.s32 $0x0;
	[tilespmem:v22+s17+$0x0] =	vst.idx.msk $0xffff, v20  }
0x316: {  	[hbm4b:s12+s1] =	stream.linear.scatter [tilespmem:s17], [sflag:$0x3], $0x7800, $0x38;
	[tilespmem:$0x14000] =	vst v63  }
0x317: {  	s24 =	simm.s32 $0x1;
	_ =	swait.ge [sflag:s18], $0x2800  }
0x318: {  	v16 =	vmov s24;
	[sflag:s18] =	ssyncset.done $0x0  }
0x319: {  	v17 =	vmov s1;
	v18 =	vshrl.u32 v16, $0x3;
	[sflag:s18] =	ssyncadd.s32 $0xFFFFD800  }
0x31a: {  	v19 =	vshrl.u32 v17, $0x3;
	v16 =	vshll.u32 v16, $0x7;
	v18 =	vmul.u32 $0xC00, v18;
	_ =	swait.ge [sflag:s21], $0x7800  }
0x31b: {  	v17 =	vshll.u32 v17, $0x7;
	v19 =	vmul.u32 $0xC00, v19;
	v16 =	vand.u32 $0x380, v16;
	[sflag:s21] =	ssyncset.done $0x0  }
0x31c: {  	v17 =	vand.u32 $0x300, v17;
	s24 =	simm.s32 $0x2880;
	v22 =	vor.u32 v16, v18;
	[sflag:s21] =	ssyncadd.s32 $0xFFFF8800  }
0x31d: {  	v20 =	vor.u32 v17, v19;
	v17 =	vor.u32 v1, v22;
	v16 =	vld [tilespmem:s24+$0x0]  }
0x31e: {  	v19 =	vor.u32 v1, v20;
	v18 =	vld [tilespmem:s24+$0xFFFFFF80];
	_ =	sdelay $0x3  }
0x31f: {  	[tilespmem:v17+s19+$0x0] =	vst.idx.msk $0xffff, v16  }
0x320: {  	[tilespmem:v19+s19+$0x0] =	vst.idx.msk $0xffff, v18;
	v17 =	vor.u32 v2, v22;
	v16 =	vld [tilespmem:s24+$0x10]  }
0x321: {  	v19 =	vor.u32 v2, v20;
	v18 =	vld [tilespmem:s24+$0xFFFFFF90];
	_ =	sdelay $0x1  }
0x322: {  	s25 =	simm.s32 $0x2  }
0x323: {  	s26 =	simm.s32 $0x3;
	v21 =	vmov s25  }
0x324: {  	v24 =	vmov s26;
	v23 =	vshrl.u32 v21, $0x3;
	[tilespmem:v17+s19+$0x0] =	vst.idx.msk $0xffff, v16  }
0x325: {  	v25 =	vadd.s32 v10, v22;
	v16 =	vshrl.u32 v24, $0x3;
	[tilespmem:v19+s19+$0x0] =	vst.idx.msk $0xffff, v18;
	v18 =	vadd.s32 $0x400, v20;
	v19 =	vld [tilespmem:s24+$0x20]  }
0x326: {  	v17 =	vshll.u32 v24, $0x7;
	v16 =	vmul.u32 $0xC00, v16;
	v24 =	vld [tilespmem:s24+$0xFFFFFFA0];
	v26 =	vor.u32 v3, v18  }
0x327: {  	v21 =	vshll.u32 v21, $0x7;
	v23 =	vmul.u32 $0xC00, v23;
	v17 =	vand.u32 $0x380, v17  }
0x328: {  	s23 =	simm.s32 $0x2980;
	v21 =	vand.u32 $0x300, v21;
	v16 =	vor.u32 v17, v16  }
0x329: {  	v17 =	vor.u32 v21, v23;
	v21 =	vld [tilespmem:s23+$0x0];
	v23 =	vor.u32 v1, v16  }
0x32a: {  	v27 =	vld [tilespmem:s23+$0xFFFFFF80];
	v28 =	vor.u32 v1, v17;
	[tilespmem:v25+s19+$0x0] =	vst.idx.msk $0xffff, v19  }
0x32b: {  	[tilespmem:v26+s19+$0x0] =	vst.idx.msk $0xffff, v24;
	v24 =	vadd.s32 v11, v22;
	v19 =	vld [tilespmem:s24+$0x30]  }
0x32c: {  	v26 =	vor.u32 v4, v18;
	v25 =	vld [tilespmem:s24+$0xFFFFFFB0];
	_ =	sdelay $0x1  }
0x32d: {  	[tilespmem:v23+s19+$0x0] =	vst.idx.msk $0xffff, v21  }
0x32e: {  	[tilespmem:v28+s19+$0x0] =	vst.idx.msk $0xffff, v27;
	v23 =	vor.u32 v2, v16;
	v21 =	vld [tilespmem:s23+$0x10]  }
0x32f: {  	v28 =	vor.u32 v2, v17;
	v27 =	vld [tilespmem:s23+$0xFFFFFF90];
	[tilespmem:v24+s19+$0x0] =	vst.idx.msk $0xffff, v19  }
0x330: {  	[tilespmem:v26+s19+$0x0] =	vst.idx.msk $0xffff, v25;
	v24 =	vadd.s32 v12, v22;
	v19 =	vld [tilespmem:s24+$0x40]  }
0x331: {  	s29 =	simm.s32 $0x4;
	v18 =	vor.u32 v5, v18;
	v26 =	vld [tilespmem:s24+$0xFFFFFFC0]  }
0x332: {  	s30 =	simm.s32 $0x5;
	v31 =	vadd.s32 $0x400, v17;
	v25 =	vmov s29  }
0x333: {  	v30 =	vmov s30;
	v56 =	vor.u32 v3, v31;
	v29 =	vshrl.u32 v25, $0x3;
	[tilespmem:v23+s19+$0x0] =	vst.idx.msk $0xffff, v21  }
0x334: {  	v25 =	vshll.u32 v25, $0x7;
	v21 =	vshrl.u32 v30, $0x3;
	[tilespmem:v28+s19+$0x0] =	vst.idx.msk $0xffff, v27;
	v27 =	vadd.s32 v10, v16;
	v23 =	vld [tilespmem:s23+$0x20]  }
0x335: {  	v29 =	vmul.u32 $0xC00, v29;
	v28 =	vshll.u32 v30, $0x7;
	v21 =	vmul.u32 $0xC00, v21;
	v30 =	vld [tilespmem:s23+$0xFFFFFFA0];
	[tilespmem:v24+s19+$0x0] =	vst.idx.msk $0xffff, v19  }
0x336: {  	v19 =	vand.u32 $0x380, v28;
	[tilespmem:v18+s19+$0x0] =	vst.idx.msk $0xffff, v26;
	v24 =	vadd.s32 v7, v20;
	v28 =	vadd.s32 v13, v22;
	v26 =	vld [tilespmem:s24+$0x50]  }
0x337: {  	s25 =	simm.s32 $0x2A80;
	v25 =	vand.u32 $0x300, v25;
	v18 =	vor.u32 v19, v21;
	v21 =	vld [tilespmem:s24+$0xFFFFFFD0];
	v24 =	vadd.s32 v6, v24  }
0x338: {  	v19 =	vor.u32 v25, v29;
	v25 =	vld [tilespmem:s25+$0x0];
	v29 =	vor.u32 v1, v18  }
0x339: {  	v57 =	vld [tilespmem:s25+$0xFFFFFF80];
	v58 =	vor.u32 v1, v19;
	[tilespmem:v27+s19+$0x0] =	vst.idx.msk $0xffff, v23  }
0x33a: {  	[tilespmem:v56+s19+$0x0] =	vst.idx.msk $0xffff, v30;
	v30 =	vadd.s32 v11, v16;
	v23 =	vld [tilespmem:s23+$0x30]  }
0x33b: {  	[tilespmem:v28+s19+$0x0] =	vst.idx.msk $0xffff, v26  }
0x33c: {  	v59 =	vor.u32 v4, v31;
	v32 =	vld [tilespmem:s23+$0xFFFFFFB0];
	[tilespmem:v24+s19+$0x0] =	vst.idx.msk $0xffff, v21  }
0x33d: {  	v60 =	vadd.s32 v14, v22;
	v20 =	vadd.s32 $0x800, v20;
	v21 =	vld [tilespmem:s24+$0x60];
	[tilespmem:v29+s19+$0x0] =	vst.idx.msk $0xffff, v25  }
0x33e: {  	v62 =	vor.u32 v8, v20;
	v61 =	vld [tilespmem:s24+$0xFFFFFFE0];
	[tilespmem:v58+s19+$0x0] =	vst.idx.msk $0xffff, v57  }
0x33f: {  	v28 =	vld [tilespmem:s25+$0x10];
	[tilespmem:v30+s19+$0x0] =	vst.idx.msk $0xffff, v23;
	v30 =	vor.u32 v2, v18  }
0x340: {  	v29 =	vor.u32 v2, v19;
	v27 =	vld [tilespmem:s25+$0xFFFFFF90]  }
0x341: {  	s31 =	simm.s32 $0x6;
	v25 =	vadd.s32 v12, v16;
	[tilespmem:v59+s19+$0x0] =	vst.idx.msk $0xffff, v32;
	v23 =	vld [tilespmem:s23+$0x40]  }
0x342: {  	v63 =	vmov s31;
	v26 =	vor.u32 v5, v31;
	v24 =	vld [tilespmem:s23+$0xFFFFFFC0];
	[tilespmem:v60+s19+$0x0] =	vst.idx.msk $0xffff, v21  }
0x343: {  	s28 =	simm.s32 $0x7;
	s26 =	simm.s32 $0x8;
	v22 =	vadd.s32 v15, v22;
	v31 =	vshll.u32 v63, $0x7;
	v32 =	vshrl.u32 v63, $0x3;
	[tilespmem:v62+s19+$0x0] =	vst.idx.msk $0xffff, v61;
	v21 =	vld [tilespmem:s24+$0x63]  }
.LBB2_18:
0x344: {  	p0 =	slt.u32 s26, $0x4E;
	v32 =	vmul.u32 $0xC00, v32;
	v33 =	vmov s28;
	[tilespmem:v30+s19+$0x0] =	vst.idx.msk $0xffff, v28;
	v28 =	vld [tilespmem:s24+$0xFFFFFFE3];
	v20 =	vor.u32 v9, v20;
	v34 =	vmovc v18;
	s24 =	smov.u32 s23;
	s23 =	smov.u32 s25  }
0x345: {  	v35 =	vadd.s32 $0x400, v19;
	v18 =	vshrl.u32 v33, $0x3;
	[tilespmem:v29+s19+$0x0] =	vst.idx.msk $0xffff, v27;
	v27 =	vld [tilespmem:s25+$0x20];
	v29 =	vadd.s32 v10, v34  }
0x346: {  	v30 =	vshll.u32 v33, $0x7;
	v36 =	vor.u32 v3, v35;
	v18 =	vmul.u32 $0xC00, v18;
	v33 =	vld [tilespmem:s25+$0xFFFFFFA0];
	[tilespmem:v25+s19+$0x0] =	vst.idx.msk $0xffff, v23  }
0x347: {  	v23 =	vand.u32 $0x380, v30;
	[tilespmem:v26+s19+$0x0] =	vst.idx.msk $0xffff, v24;
	v24 =	vadd.s32 v7, v17;
	v25 =	vld [tilespmem:s24+$0x50];
	v26 =	vadd.s32 v13, v16  }
0x348: {  	v30 =	vand.u32 $0x300, v31;
	s25 =	sadd.s32 $0x100, s25;
	v18 =	vor.u32 v23, v18;
	v23 =	vld [tilespmem:s24+$0xFFFFFFD0];
	v24 =	vadd.s32 v6, v24;
	[tilespmem:v22+s19+$0x0] =	vst.idx.msk $0xffff, v21  }
0x349: {  	v21 =	vor.u32 v30, v32;
	v22 =	vld [tilespmem:s25+$0x0];
	v30 =	vor.u32 v1, v18;
	[tilespmem:v20+s19+$0x0] =	vst.idx.msk $0xffff, v28  }
0x34a: {  	v31 =	vor.u32 v1, v21;
	v28 =	vld [tilespmem:s25+$0xFFFFFF80];
	[tilespmem:v29+s19+$0x0] =	vst.idx.msk $0xffff, v27  }
0x34b: {  	[tilespmem:v36+s19+$0x0] =	vst.idx.msk $0xffff, v33;
	v32 =	vld [tilespmem:s23+$0x30];
	v33 =	vadd.s32 v11, v34  }
0x34c: {  	v37 =	vor.u32 v4, v35;
	v36 =	vld [tilespmem:s23+$0xFFFFFFB0];
	[tilespmem:v26+s19+$0x0] =	vst.idx.msk $0xffff, v25  }
0x34d: {  	v39 =	vadd.s32 v14, v16;
	v20 =	vadd.s32 $0x800, v17;
	v17 =	vmovc v19;
	v19 =	vmov v21;
	[tilespmem:v24+s19+$0x0] =	vst.idx.msk $0xffff, v23;
	v38 =	vld [tilespmem:s24+$0x60]  }
0x34e: {  	[tilespmem:v30+s19+$0x0] =	vst.idx.msk $0xffff, v22;
	v21 =	vld [tilespmem:s24+$0xFFFFFFE0];
	v22 =	vor.u32 v8, v20  }
.Ltmp8:
0x34f: {  	v30 =	vor.u32 v2, v18;
	[tilespmem:v31+s19+$0x0] =	vst.idx.msk $0xffff, v28;
	v28 =	vld [tilespmem:s25+$0x10];
	(pc) =	sbr.rel @p0 .LBB2_18-.Ltmp8, $4  }
0x350: {  	v29 =	vor.u32 v2, v19;
	v27 =	vld [tilespmem:s25+$0xFFFFFF90];
	[tilespmem:v33+s19+$0x0] =	vst.idx.msk $0xffff, v32  }
0x351: {  	v25 =	vadd.s32 v12, v34;
	[tilespmem:v37+s19+$0x0] =	vst.idx.msk $0xffff, v36;
	v23 =	vld [tilespmem:s23+$0x40]  }
0x352: {  	v26 =	vor.u32 v5, v35;
	v31 =	vmov s26;
	v24 =	vld [tilespmem:s23+$0xFFFFFFC0];
	[tilespmem:v39+s19+$0x0] =	vst.idx.msk $0xffff, v38  }
0x353: {  	s28 =	sadd.s32 $0x1, s26;
	s26 =	sadd.s32 $0x2, s26;
	v32 =	vshrl.u32 v31, $0x3;
	v31 =	vshll.u32 v31, $0x7;
	[tilespmem:v22+s19+$0x0] =	vst.idx.msk $0xffff, v21;
	v21 =	vld [tilespmem:s24+$0x63];
	v22 =	vadd.s32 v15, v16;
	v16 =	vmovc v34  }
0x354: {  	v33 =	vmov s28  }
0x355: {  	v32 =	vmul.u32 $0xC00, v32;
	v34 =	vshrl.u32 v33, $0x3  }
0x356: {  	v31 =	vand.u32 $0x300, v31;
	v33 =	vshll.u32 v33, $0x7;
	v34 =	vmul.u32 $0xC00, v34  }
0x357: {  	s26 =	sadd.s32 $0x100, s25;
	v33 =	vand.u32 $0x380, v33;
	v31 =	vor.u32 v31, v32  }
0x358: {  	v35 =	vld [tilespmem:s26+$0xFFFFFF80];
	v36 =	vor.u32 v1, v31;
	v33 =	vor.u32 v33, v34  }
0x359: {  	v41 =	vld [tilespmem:s26+$0x0];
	v34 =	vor.u32 v1, v33;
	_ =	sdelay $0x3  }
0x35a: {  	[tilespmem:v36+s19+$0x0] =	vst.idx.msk $0xffff, v35  }
0x35b: {  	v43 =	vor.u32 v2, v31;
	v35 =	vld [tilespmem:s26+$0xFFFFFF90];
	[tilespmem:v34+s19+$0x0] =	vst.idx.msk $0xffff, v41  }
0x35c: {  	v42 =	vor.u32 v2, v33;
	v32 =	vld [tilespmem:s26+$0x10]  }
0x35d: {  	v44 =	vadd.s32 $0x400, v19;
	[tilespmem:v29+s19+$0x0] =	vst.idx.msk $0xffff, v27  }
0x35e: {  	[tilespmem:v30+s19+$0x0] =	vst.idx.msk $0xffff, v28;
	v37 =	vor.u32 v3, v44;
	v46 =	vld [tilespmem:s25+$0xFFFFFFA0]  }
0x35f: {  	v45 =	vadd.s32 v10, v18;
	v28 =	vld [tilespmem:s25+$0x20]  }
0x360: {  	v47 =	vadd.s32 $0x400, v31;
	[tilespmem:v43+s19+$0x0] =	vst.idx.msk $0xffff, v35  }
0x361: {  	v38 =	vor.u32 v3, v47;
	v36 =	vld [tilespmem:s26+$0xFFFFFFA0];
	[tilespmem:v42+s19+$0x0] =	vst.idx.msk $0xffff, v32  }
0x362: {  	v48 =	vadd.s32 v10, v33;
	v34 =	vld [tilespmem:s26+$0x20]  }
0x363: {  	[tilespmem:v37+s19+$0x0] =	vst.idx.msk $0xffff, v46  }
0x364: {  	v50 =	vor.u32 v4, v44;
	[tilespmem:v45+s19+$0x0] =	vst.idx.msk $0xffff, v28;
	v30 =	vld [tilespmem:s25+$0xFFFFFFB0]  }
0x365: {  	v49 =	vadd.s32 v11, v18;
	[tilespmem:v25+s19+$0x0] =	vst.idx.msk $0xffff, v23;
	v28 =	vld [tilespmem:s25+$0x30]  }
0x366: {  	[tilespmem:v38+s19+$0x0] =	vst.idx.msk $0xffff, v36  }
0x367: {  	v53 =	vor.u32 v4, v47;
	v52 =	vld [tilespmem:s26+$0xFFFFFFB0];
	[tilespmem:v48+s19+$0x0] =	vst.idx.msk $0xffff, v34  }
0x368: {  	[tilespmem:v26+s19+$0x0] =	vst.idx.msk $0xffff, v24;
	v51 =	vadd.s32 v11, v33;
	v35 =	vld [tilespmem:s26+$0x30]  }
0x369: {  	v54 =	vld [tilespmem:s24+$0xFFFFFFE3];
	v20 =	vor.u32 v9, v20;
	[tilespmem:v50+s19+$0x0] =	vst.idx.msk $0xffff, v30  }
0x36a: {  	v27 =	vor.u32 v5, v44;
	[tilespmem:v49+s19+$0x0] =	vst.idx.msk $0xffff, v28;
	v57 =	vld [tilespmem:s25+$0xFFFFFFC0]  }
0x36b: {  	v56 =	vadd.s32 v12, v18;
	[tilespmem:v22+s19+$0x0] =	vst.idx.msk $0xffff, v21;
	v55 =	vld [tilespmem:s25+$0x40]  }
0x36c: {  	v63 =	vld [tilespmem:s23+$0x50];
	v36 =	vadd.s32 v13, v16;
	[tilespmem:v53+s19+$0x0] =	vst.idx.msk $0xffff, v52  }
0x36d: {  	v61 =	vor.u32 v5, v47;
	v60 =	vld [tilespmem:s26+$0xFFFFFFC0];
	[tilespmem:v51+s19+$0x0] =	vst.idx.msk $0xffff, v35  }
0x36e: {  	v62 =	vadd.s32 v7, v17;
	v59 =	vadd.s32 v12, v33;
	[tilespmem:v20+s19+$0x0] =	vst.idx.msk $0xffff, v54;
	v58 =	vld [tilespmem:s26+$0x40]  }
0x36f: {  	v39 =	vadd.s32 v7, v19;
	v37 =	vld [tilespmem:s23+$0xFFFFFFD0];
	[tilespmem:v27+s19+$0x0] =	vst.idx.msk $0xffff, v57;
	v38 =	vadd.s32 v6, v62  }
0x370: {  	v26 =	vadd.s32 v6, v39;
	[tilespmem:v56+s19+$0x0] =	vst.idx.msk $0xffff, v55;
	v29 =	vld [tilespmem:s25+$0xFFFFFFD0]  }
0x371: {  	v41 =	vadd.s32 v13, v18;
	v40 =	vld [tilespmem:s25+$0x50];
	[tilespmem:v36+s19+$0x0] =	vst.idx.msk $0xffff, v63  }
0x372: {  	v47 =	vadd.s32 v14, v16;
	v42 =	vadd.s32 v7, v31;
	v46 =	vld [tilespmem:s23+$0x60];
	[tilespmem:v61+s19+$0x0] =	vst.idx.msk $0xffff, v60  }
0x373: {  	v21 =	vadd.s32 v6, v42;
	v45 =	vld [tilespmem:s26+$0xFFFFFFD0];
	[tilespmem:v59+s19+$0x0] =	vst.idx.msk $0xffff, v58  }
0x374: {  	v17 =	vadd.s32 $0x800, v17;
	v44 =	vadd.s32 v13, v33;
	[tilespmem:v38+s19+$0x0] =	vst.idx.msk $0xffff, v37;
	v43 =	vld [tilespmem:s26+$0x50]  }
0x375: {  	v49 =	vor.u32 v8, v17;
	v50 =	vadd.s32 $0x800, v19;
	[tilespmem:v26+s19+$0x0] =	vst.idx.msk $0xffff, v29;
	v48 =	vld [tilespmem:s23+$0xFFFFFFE0]  }
0x376: {  	v54 =	vor.u32 v8, v50;
	[tilespmem:v41+s19+$0x0] =	vst.idx.msk $0xffff, v40;
	v53 =	vld [tilespmem:s25+$0xFFFFFFE0]  }
0x377: {  	v52 =	vadd.s32 v14, v18;
	v51 =	vld [tilespmem:s25+$0x60];
	[tilespmem:v47+s19+$0x0] =	vst.idx.msk $0xffff, v46  }
0x378: {  	v55 =	vadd.s32 $0x800, v31;
	v16 =	vadd.s32 v15, v16;
	v59 =	vld [tilespmem:s23+$0x63];
	[tilespmem:v21+s19+$0x0] =	vst.idx.msk $0xffff, v45  }
0x379: {  	v58 =	vor.u32 v8, v55;
	v57 =	vld [tilespmem:s26+$0xFFFFFFE0];
	[tilespmem:v44+s19+$0x0] =	vst.idx.msk $0xffff, v43  }
0x37a: {  	v56 =	vadd.s32 v14, v33;
	[tilespmem:v49+s19+$0x0] =	vst.idx.msk $0xffff, v48;
	v22 =	vld [tilespmem:s26+$0x60]  }
0x37b: {  	[tilespmem:v54+s19+$0x0] =	vst.idx.msk $0xffff, v53  }
0x37c: {  	v17 =	vor.u32 v9, v17;
	v30 =	vld [tilespmem:s23+$0xFFFFFFE3];
	[tilespmem:v52+s19+$0x0] =	vst.idx.msk $0xffff, v51  }
0x37d: {  	v19 =	vor.u32 v9, v50;
	v61 =	vld [tilespmem:s25+$0xFFFFFFE3];
	[tilespmem:v16+s19+$0x0] =	vst.idx.msk $0xffff, v59  }
0x37e: {  	v60 =	vadd.s32 v15, v18;
	v26 =	vld [tilespmem:s25+$0x63];
	[tilespmem:v58+s19+$0x0] =	vst.idx.msk $0xffff, v57  }
0x37f: {  	v21 =	vor.u32 v9, v55;
	v16 =	vld [tilespmem:s26+$0xFFFFFFE3];
	[tilespmem:v56+s19+$0x0] =	vst.idx.msk $0xffff, v22  }
0x380: {  	v63 =	vadd.s32 v15, v33;
	v62 =	vld [tilespmem:s26+$0x63]  }
0x381: {  	[tilespmem:v17+s19+$0x0] =	vst.idx.msk $0xffff, v30  }
0x382: {  	[tilespmem:v19+s19+$0x0] =	vst.idx.msk $0xffff, v61  }
0x383: {  	[tilespmem:v60+s19+$0x0] =	vst.idx.msk $0xffff, v26  }
0x384: {  	[tilespmem:v21+s19+$0x0] =	vst.idx.msk $0xffff, v16  }
0x385: {  	s22 =	sadd.s32 $0x1, s22;
	[tilespmem:v63+s19+$0x0] =	vst.idx.msk $0xffff, v62  }
0x386: {  	[hbm4b:s13+s3] =	stream.linear.scatter [tilespmem:s19], [sflag:$0x4], $0x7800, $0x38;
	[tilespmem:$0x14000] =	vst v63  }
0x387: {  	p0 =	sne.s32 s22, s14;
	_ =	swait.ge [sflag:s20], $0x7800  }
.Ltmp9:
0x388: {  	[sflag:s20] =	ssyncset.done $0x0;
	(pc) =	sbr.rel @p0 .LBB2_1-.Ltmp9, $4  }
0x389: {  	[sflag:s20] =	ssyncadd.s32 $0xFFFF8800  }
0x38a: {  	_ =	swait.ge [sflag:s21], $0x7800  }
0x38b: {  	[sflag:s21] =	ssyncset.done $0x0  }
0x38c: {  	[sflag:s21] =	ssyncadd.s32 $0xFFFF8800  }
0x38d: {  	_ =	sfence.sel $0x180000  }
0x38e: {  	[bflag:$0x0] =	sbarrier.arrive $0xFFFF  }
0x38f: {  	_ =	strace $0x90000047  }
0x390: {  	[bflag:$0x2] =	sbarrier.arrive $0xFFFF  }
0x391: {  	p0 =	sne.s32 s0, $0x0;
	s0 =	rddreg [dreg:$0x2]  }
0x392: {  	s0 =	sadd.s32 @!p0 $0x100000, s0  }
0x393: {  	[sflag:s0] =	ssyncadd.tile.s32 @!p0 $0x1;
	_ =	shalt  }
.Lfunc_end2:
_tile_overlayer_lowered:
.L_overlay_start_2:
0x394: {  	(tag) =	ssettag $0x2  }
0x395: {  	s0 =	rddreg [dreg:$0x0];
	s2 =	stileid.u32  }
0x396: {  	s1 =	rddreg [dreg:$0x1];
	p0 =	sne.s32 s2, $0x0  }
0x397: {  	s3 =	rddreg [dreg:$0x2];
	[bflag:$0x3] =	sbarrier.arrive $0xFFFF;
	s2 =	simm.s32 @!p0 $0x1C05  }
0x398: {  	[timem:s3], [sflag:s2] =	dma.local @!p0 [hbm:s0], s1  }
0x399: {  	s0 =	simm.s32 @!p0 $0x5  }
0x39a: {  	_ =	swait.ge @!p0 [sflag:s0], s1  }
0x39b: {  	s1 =	ssub.s32 @!p0 $0x0, s1;
	[sflag:s0] =	ssyncset.done @!p0 $0x0  }
0x39c: {  	[sflag:s0] =	ssyncadd.s32 @!p0 s1  }
0x39d: {  	[bflag:$0x3] =	sbarrier.arrive $0xFFFF  }
0x39e: {  	_ =	shalt  }

</sc_bundles>
